<compile_context>
chip_gen: v7x
topology: tpu7x:2x2x1
jax: 0.10.2.dev20260603
libtpu: 0.0.44.dev20260713+nightly
codegen_flags: <defaults>
</compile_context>

<pallas_src>
import functools

import jax
import jax.numpy as jnp
from jax import lax
from jax.experimental import pallas as pl
from jax.experimental.pallas import tpu as pltpu
from jax.experimental.pallas import tpu_sc as plsc

NUM_EMB = 8
EMB_DIM = 4
MAX_NORM = 1.0

NC = 2
NS = 16
NW = NC * NS
L = 16

NROW = 16384
NCOL = 200
CH = 4096
NCH = NROW // CH
OCH = CH * EMB_DIM
OROW = NROW * EMB_DIM
NBI = CH // 128
NTASK = NCOL * NCH // NW

_mesh = plsc.VectorSubcoreMesh(core_axis_name="c", subcore_axis_name="s")


@functools.partial(
    pl.kernel,
    out_type=jax.ShapeDtypeStruct((NROW * NCOL * EMB_DIM,), jnp.float32),
    mesh=_mesh,
    scratch_types=[
        pltpu.VMEM((NUM_EMB * EMB_DIM,), jnp.float32),
        pltpu.VMEM((NBI, 1, 128), jnp.int32),
        pltpu.VMEM((NBI, 1, 128), jnp.int32),
        pltpu.VMEM((OCH,), jnp.float32),
        pltpu.VMEM((OCH,), jnp.float32),
        pltpu.SemaphoreType.DMA,
        pltpu.SemaphoreType.DMA,
        pltpu.SemaphoreType.DMA,
        pltpu.SemaphoreType.DMA,
    ],
    compiler_params=pltpu.CompilerParams(
        needs_layout_passes=False, use_tc_tiling_on_sc=False),
)
def _emb_lookup(xr_hbm, w_hbm, out_hbm, w_v, xb0, xb1, ob0, ob1,
                si0, si1, so0, so1):
    wid = lax.axis_index("s") * NC + lax.axis_index("c")
    tid0 = wid * NTASK
    xbufs = (xb0, xb1)
    obufs = (ob0, ob1)
    sin = (si0, si1)
    sout = (so0, so1)

    def start_in(t, s):
        g = tid0 + t
        j = lax.shift_right_logical(g, 2)
        q = lax.bitwise_and(g, NCH - 1)
        pltpu.async_copy(
            xr_hbm.at[lax.shift_right_logical(j, 3),
                      pl.ds(q * NBI, NBI),
                      pl.ds(lax.bitwise_and(j, 7), 1), :],
            xbufs[s], sin[s])

    def start_out(t, s):
        g = tid0 + t
        j = lax.shift_right_logical(g, 2)
        q = lax.bitwise_and(g, NCH - 1)
        pltpu.async_copy(
            obufs[s], out_hbm.at[pl.ds(j * OROW + q * OCH, OCH)], sout[s])

    def wait_in(s):
        pltpu.make_async_copy(
            xr_hbm.at[0, pl.ds(0, NBI), pl.ds(0, 1), :], xbufs[s],
            sin[s]).wait()

    def wait_out(s):
        pltpu.make_async_copy(
            obufs[s], out_hbm.at[pl.ds(0, OCH)], sout[s]).wait()

    start_in(jnp.int32(0), 0)

    pltpu.sync_copy(w_hbm, w_v)
    lane = lax.iota(jnp.int32, L)
    row = lax.bitwise_and(lane, NUM_EMB - 1)
    base4 = row * EMB_DIM
    cols = []
    sumsq = jnp.zeros((L,), jnp.float32)
    for d in range(EMB_DIM):
        v = plsc.load_gather(w_v, [base4 + d])
        cols.append(v)
        sumsq = sumsq + v * v
    ibits = plsc.bitcast(sumsq, jnp.int32)
    y = plsc.bitcast(jnp.int32(0x5F3759DF) - lax.shift_right_arithmetic(ibits, 1),
                     jnp.float32)
    half = sumsq * 0.5
    for _ in range(3):
        y = y * (1.5 - half * y * y)
    norm = sumsq * y
    scale = jnp.where(sumsq > MAX_NORM * MAX_NORM,
                      MAX_NORM / (norm + 1e-7), 1.0)
    wcol = [c * scale for c in cols]

    def compute(xb, ob):
        @plsc.parallel_loop(0, NBI, unroll=4)
        def _(blk):
            obase = blk * (128 * EMB_DIM)
            for v8 in range(8):
                xv = xb[blk, 0, pl.ds(16 * v8, L)]
                for d in range(EMB_DIM):
                    val = jnp.take_along_axis(wcol[d], xv, axis=0)
                    ob[pl.ds(obase + d * 128 + 16 * v8, L)] = val

    def superblock(sb, carry):
        for s in range(2):
            t = sb * 2 + s
            @pl.when(t + 1 < NTASK)
            def _():
                start_in(t + 1, 1 - s)

            wait_in(s)
            @pl.when(t >= 2)
            def _():
                wait_out(s)

            compute(xbufs[s], obufs[s])
            start_out(t, s)
        return carry

    lax.fori_loop(0, NTASK // 2, superblock, 0)

    t_last = jnp.int32(NTASK - 1)
    wait_in(0)
    wait_out(0)
    compute(xb0, ob0)
    start_out(t_last, 0)

    for s in range(2):
        wait_out(s)


def kernel(x, W):
    xr = (jnp.swapaxes(x, 0, 1)
             .reshape(NCOL // 8, 8, NROW // 128, 128)
             .transpose(0, 2, 1, 3))
    flat = _emb_lookup(xr, W.reshape(-1))
    out = (flat.reshape(NCOL, NROW // 128, EMB_DIM, 128)
               .transpose(1, 3, 0, 2)
               .reshape(NROW, NCOL, EMB_DIM))
    return out

# --- scband reference (transcript-rebuilt; emitter-appended) ---
"""Pipeline reference for scband-embedding-options-model-44057774522534 (READ-ONLY COPY).

The authoritative reference and input builder live on the scoring server;
editing this copy changes nothing except your own understanding.
"""

import jax, jax.numpy as jnp
import numpy as np

NUM_EMB = 8
EMB_DIM = 4
MAX_NORM = 1.0
PAD_IDX = 0


def setup_inputs(seed: int = 0) -> dict:
    key = jax.random.key(seed)
    k1, k2 = jax.random.split(key)
    x = jax.random.randint(k1, (16384, 200), 0, NUM_EMB, dtype=jnp.int32)
    W = jax.random.normal(k2, (NUM_EMB, EMB_DIM), dtype=jnp.float32)
    # nn.Embedding initializes padding_idx row to zeros
    W = W.at[PAD_IDX].set(0.0)
    return {"x": x, "W": W}


def reference(x, W):
    # PyTorch F.embedding with max_norm renormalizes (in-place, L2) only the rows
    # that actually appear in the input indices.
    present = jnp.bincount(x.ravel(), length=NUM_EMB) > 0
    norms = jnp.linalg.norm(W, axis=1, keepdims=True)
    scale = jnp.where((norms > MAX_NORM) & present[:, None], MAX_NORM / (norms + 1e-7), 1.0)
    Wr = W * scale
    return jnp.take(Wr, x, axis=0)

if __name__ == "__main__":
    import jax
    _d = setup_inputs()
    print(jax.jit(kernel)(*tuple(_d.values())))

</pallas_src>

<mosaic_0001>
#map = affine_map<(d0, d1) -> (0, 0, 0, 0)>
#map1 = affine_map<(d0, d1) -> (0)>
module attributes {stable_mosaic.version = 14 : i64} {
  func.func @_emb_lookup(%arg0: i32, %arg1: i32, %arg2: memref<25x128x8x128xi32, #tpu.memory_space<hbm>>, %arg3: memref<32xf32, #tpu.memory_space<hbm>>, %arg4: memref<13107200xf32, #tpu.memory_space<hbm>>, %arg5: memref<32xf32, #tpu.memory_space<vmem>>, %arg6: memref<32x1x128xi32, #tpu.memory_space<vmem>>, %arg7: memref<32x1x128xi32, #tpu.memory_space<vmem>>, %arg8: memref<16384xf32, #tpu.memory_space<vmem>>, %arg9: memref<16384xf32, #tpu.memory_space<vmem>>, %arg10: memref<!tpu.dma_semaphore, #tpu.memory_space<semaphore_mem>>, %arg11: memref<!tpu.dma_semaphore, #tpu.memory_space<semaphore_mem>>, %arg12: memref<!tpu.dma_semaphore, #tpu.memory_space<semaphore_mem>>, %arg13: memref<!tpu.dma_semaphore, #tpu.memory_space<semaphore_mem>>) attributes {dimension_semantics = [#tpu.dimension_semantics<core_parallel>, #tpu.dimension_semantics<subcore_parallel>], iteration_bounds = array<i64: 2, 16>, scalar_prefetch = 0 : i64, scratch_operands = 9 : i64, tpu.core_type = #tpu.core_type<sc_vector_subcore>, window_params = [{transform_indices = #map}, {transform_indices = #map1}, {transform_indices = #map1}]} {
    %mul3A = arith.constant 2 : i32
    %mul3A_0 = arith.muli %arg1, %mul3A : i32
    %add3A = arith.addi %mul3A_0, %arg0 : i32
    %mul3A_1 = arith.constant 25 : i32
    %mul3A_2 = arith.muli %add3A, %mul3A_1 : i32
    %add3A_3 = arith.constant 0 : i32
    %add3A_4 = arith.addi %mul3A_2, %add3A_3 : i32
    %shift_right_logical3A = arith.constant 2 : i32
    %shift_right_logical3A_5 = arith.shrui %add3A_4, %shift_right_logical3A : i32
    %and3A = arith.constant 3 : i32
    %and3A_6 = arith.andi %add3A_4, %and3A : i32
    %shift_right_logical3A_7 = arith.constant 3 : i32
    %shift_right_logical3A_8 = arith.shrui %shift_right_logical3A_5, %shift_right_logical3A_7 : i32
    %mul3A_9 = arith.constant 32 : i32
    %mul3A_10 = arith.muli %and3A_6, %mul3A_9 : i32
    %and3A_11 = arith.constant 7 : i32
    %and3A_12 = arith.andi %shift_right_logical3A_5, %and3A_11 : i32
    %dma_start3A = arith.constant 0 : i32
    %dma_start3A_13 = tpu.memref_slice %arg2[%shift_right_logical3A_8, %mul3A_10, %and3A_12, %dma_start3A] : memref<25x128x8x128xi32, #tpu.memory_space<hbm>> -> memref<1x32x1x128xi32, #tpu.memory_space<hbm>>
    %dma_start3A_14 = tpu.memref_squeeze %dma_start3A_13 : memref<1x32x1x128xi32, #tpu.memory_space<hbm>> -> memref<32x1x128xi32, #tpu.memory_space<hbm>>
    %dma_start3A_15 = arith.constant 0 : i32
    %dma_start3A_16 = tpu.memref_slice %arg2[%shift_right_logical3A_8, %mul3A_10, %and3A_12, %dma_start3A_15] : memref<25x128x8x128xi32, #tpu.memory_space<hbm>> -> memref<1x32x1x128xi32, #tpu.memory_space<hbm>>
    %dma_start3A_17 = tpu.memref_squeeze %dma_start3A_16 : memref<1x32x1x128xi32, #tpu.memory_space<hbm>> -> memref<32x1x128xi32, #tpu.memory_space<hbm>>
    tpu.enqueue_dma source(%dma_start3A_17 : memref<32x1x128xi32, #tpu.memory_space<hbm>>) target(%arg6 : memref<32x1x128xi32, #tpu.memory_space<vmem>>) target_semaphore(%arg10 : memref<!tpu.dma_semaphore, #tpu.memory_space<semaphore_mem>>)
    "tpu.region"() ({
      %run_scoped3A = tpu.sem_alloc : memref<!tpu.dma_semaphore, #tpu.memory_space<semaphore_mem>>
      tpu.enqueue_dma source(%arg3 : memref<32xf32, #tpu.memory_space<hbm>>) target(%arg5 : memref<32xf32, #tpu.memory_space<vmem>>) target_semaphore(%run_scoped3A : memref<!tpu.dma_semaphore, #tpu.memory_space<semaphore_mem>>)
      tpu.wait_dma2 semaphore(%run_scoped3A : memref<!tpu.dma_semaphore, #tpu.memory_space<semaphore_mem>>) src(%arg3 : memref<32xf32, #tpu.memory_space<hbm>>) dst(%arg5 : memref<32xf32, #tpu.memory_space<vmem>>)
      tpu.yield
    }) : () -> ()
    %iota3A = tpu.iota {dimensions = array<i32: 0>} : vector<16xi32>
    %and3A_18 = arith.constant 7 : i32
    %and3A_19 = vector.broadcast %and3A_18 : i32 to vector<16xi32>
    %and3A_20 = arith.andi %iota3A, %and3A_19 : vector<16xi32>
    %mul3A_21 = arith.constant 4 : i32
    %mul3A_22 = vector.broadcast %mul3A_21 : i32 to vector<16xi32>
    %mul3A_23 = arith.muli %and3A_20, %mul3A_22 : vector<16xi32>
    %broadcast_in_dim3A = arith.constant 0.000000e+00 : f32
    %broadcast_in_dim3A_24 = vector.broadcast %broadcast_in_dim3A : f32 to vector<16xf32>
    %add3A_25 = arith.constant 0 : i32
    %add3A_26 = vector.broadcast %add3A_25 : i32 to vector<16xi32>
    %add3A_27 = arith.addi %mul3A_23, %add3A_26 : vector<16xi32>
    %gather3A = tpu.vector_load_idx %arg5[%add3A_27] : memref<32xf32, #tpu.memory_space<vmem>>[vector<16xi32>], vector<16xf32>,
    %mul3A_28 = arith.mulf %gather3A, %gather3A : vector<16xf32>
    %add3A_29 = arith.addf %broadcast_in_dim3A_24, %mul3A_28 : vector<16xf32>
    %add3A_30 = arith.constant 1 : i32
    %add3A_31 = vector.broadcast %add3A_30 : i32 to vector<16xi32>
    %add3A_32 = arith.addi %mul3A_23, %add3A_31 : vector<16xi32>
    %gather3A_33 = tpu.vector_load_idx %arg5[%add3A_32] : memref<32xf32, #tpu.memory_space<vmem>>[vector<16xi32>], vector<16xf32>,
    %mul3A_34 = arith.mulf %gather3A_33, %gather3A_33 : vector<16xf32>
    %add3A_35 = arith.addf %add3A_29, %mul3A_34 : vector<16xf32>
    %add3A_36 = arith.constant 2 : i32
    %add3A_37 = vector.broadcast %add3A_36 : i32 to vector<16xi32>
    %add3A_38 = arith.addi %mul3A_23, %add3A_37 : vector<16xi32>
    %gather3A_39 = tpu.vector_load_idx %arg5[%add3A_38] : memref<32xf32, #tpu.memory_space<vmem>>[vector<16xi32>], vector<16xf32>,
    %mul3A_40 = arith.mulf %gather3A_39, %gather3A_39 : vector<16xf32>
    %add3A_41 = arith.addf %add3A_35, %mul3A_40 : vector<16xf32>
    %add3A_42 = arith.constant 3 : i32
    %add3A_43 = vector.broadcast %add3A_42 : i32 to vector<16xi32>
    %add3A_44 = arith.addi %mul3A_23, %add3A_43 : vector<16xi32>
    %gather3A_45 = tpu.vector_load_idx %arg5[%add3A_44] : memref<32xf32, #tpu.memory_space<vmem>>[vector<16xi32>], vector<16xf32>,
    %mul3A_46 = arith.mulf %gather3A_45, %gather3A_45 : vector<16xf32>
    %add3A_47 = arith.addf %add3A_41, %mul3A_46 : vector<16xf32>
    %bitcast3A = vector.bitcast %add3A_47 : vector<16xf32> to vector<16xi32>
    %shift_right_arithmetic3A = arith.constant 1 : i32
    %shift_right_arithmetic3A_48 = vector.broadcast %shift_right_arithmetic3A : i32 to vector<16xi32>
    %shift_right_arithmetic3A_49 = arith.shrsi %bitcast3A, %shift_right_arithmetic3A_48 : vector<16xi32>
    %sub3A = arith.constant 1597463007 : i32
    %sub3A_50 = vector.broadcast %sub3A : i32 to vector<16xi32>
    %sub3A_51 = arith.subi %sub3A_50, %shift_right_arithmetic3A_49 : vector<16xi32>
    %bitcast3A_52 = vector.bitcast %sub3A_51 : vector<16xi32> to vector<16xf32>
    %mul3A_53 = arith.constant 5.000000e-01 : f32
    %mul3A_54 = vector.broadcast %mul3A_53 : f32 to vector<16xf32>
    %mul3A_55 = arith.mulf %add3A_47, %mul3A_54 : vector<16xf32>
    %mul3A_56 = arith.mulf %mul3A_55, %bitcast3A_52 : vector<16xf32>
    %mul3A_57 = arith.mulf %mul3A_56, %bitcast3A_52 : vector<16xf32>
    %sub3A_58 = arith.constant 1.500000e+00 : f32
    %sub3A_59 = vector.broadcast %sub3A_58 : f32 to vector<16xf32>
    %sub3A_60 = arith.subf %sub3A_59, %mul3A_57 : vector<16xf32>
    %mul3A_61 = arith.mulf %bitcast3A_52, %sub3A_60 : vector<16xf32>
    %mul3A_62 = arith.mulf %mul3A_55, %mul3A_61 : vector<16xf32>
    %mul3A_63 = arith.mulf %mul3A_62, %mul3A_61 : vector<16xf32>
    %sub3A_64 = arith.constant 1.500000e+00 : f32
    %sub3A_65 = vector.broadcast %sub3A_64 : f32 to vector<16xf32>
    %sub3A_66 = arith.subf %sub3A_65, %mul3A_63 : vector<16xf32>
    %mul3A_67 = arith.mulf %mul3A_61, %sub3A_66 : vector<16xf32>
    %mul3A_68 = arith.mulf %mul3A_55, %mul3A_67 : vector<16xf32>
    %mul3A_69 = arith.mulf %mul3A_68, %mul3A_67 : vector<16xf32>
    %sub3A_70 = arith.constant 1.500000e+00 : f32
    %sub3A_71 = vector.broadcast %sub3A_70 : f32 to vector<16xf32>
    %sub3A_72 = arith.subf %sub3A_71, %mul3A_69 : vector<16xf32>
    %mul3A_73 = arith.mulf %mul3A_67, %sub3A_72 : vector<16xf32>
    %mul3A_74 = arith.mulf %add3A_47, %mul3A_73 : vector<16xf32>
    %gt3A = arith.constant 1.000000e+00 : f32
    %gt3A_75 = vector.broadcast %gt3A : f32 to vector<16xf32>
    %gt3A_76 = arith.cmpf ogt, %add3A_47, %gt3A_75 : vector<16xf32>
    %add3A_77 = arith.constant 1.000000e-07 : f32
    %add3A_78 = vector.broadcast %add3A_77 : f32 to vector<16xf32>
    %add3A_79 = arith.addf %mul3A_74, %add3A_78 : vector<16xf32>
    %div3A = arith.constant 1.000000e+00 : f32
    %div3A_80 = vector.broadcast %div3A : f32 to vector<16xf32>
    %div3A_81 = arith.divf %div3A_80, %add3A_79 : vector<16xf32>
    %jit3A = arith.constant 1.000000e+00 : f32
    %broadcast_in_dim3A_82 = vector.broadcast %jit3A : f32 to vector<16xf32>
    %select_n3A = arith.select %gt3A_76, %div3A_81, %broadcast_in_dim3A_82 : vector<16xi1>, vector<16xf32>
    %mul3A_83 = arith.mulf %gather3A, %select_n3A : vector<16xf32>
    %mul3A_84 = arith.mulf %gather3A_33, %select_n3A : vector<16xf32>
    %mul3A_85 = arith.mulf %gather3A_39, %select_n3A : vector<16xf32>
    %mul3A_86 = arith.mulf %gather3A_45, %select_n3A : vector<16xf32>
    %scan3A = arith.constant 0 : i32
    %scan3A_87 = arith.constant 0 : i32
    %scan3A_88 = arith.constant 12 : i32
    %scan3A_89 = arith.addi %scan3A_87, %scan3A_88 : i32
    %scan3A_90 = arith.constant 1 : i32
    scf.for %scan3A_129 = %scan3A_87 to %scan3A_89 step %scan3A_90  : i32 {
      %mul3A_130 = arith.constant 2 : i32
      %mul3A_131 = arith.muli %scan3A_129, %mul3A_130 : i32
      %add3A_132 = arith.constant 0 : i32
      %add3A_133 = arith.addi %mul3A_131, %add3A_132 : i32
      %add3A_134 = arith.constant 1 : i32
      %add3A_135 = arith.addi %add3A_133, %add3A_134 : i32
      %lt3A = arith.constant 25 : i32
      %lt3A_136 = arith.cmpi slt, %add3A_135, %lt3A : i32
      %convert_element_type3A = arith.extui %lt3A_136 : i1 to i32
      %cond3A = arith.constant 0 : i32
      %cond3A_137 = arith.cmpi ne, %convert_element_type3A, %cond3A : i32
      scf.if %cond3A_137 {
        %add3A_210 = arith.constant 1 : i32
        %add3A_211 = arith.addi %add3A_133, %add3A_210 : i32
        %add3A_212 = arith.addi %mul3A_2, %add3A_211 : i32
        %shift_right_logical3A_213 = arith.constant 2 : i32
        %shift_right_logical3A_214 = arith.shrui %add3A_212, %shift_right_logical3A_213 : i32
        %and3A_215 = arith.constant 3 : i32
        %and3A_216 = arith.andi %add3A_212, %and3A_215 : i32
        %shift_right_logical3A_217 = arith.constant 3 : i32
        %shift_right_logical3A_218 = arith.shrui %shift_right_logical3A_214, %shift_right_logical3A_217 : i32
        %mul3A_219 = arith.constant 32 : i32
        %mul3A_220 = arith.muli %and3A_216, %mul3A_219 : i32
        %and3A_221 = arith.constant 7 : i32
        %and3A_222 = arith.andi %shift_right_logical3A_214, %and3A_221 : i32
        %dma_start3A_223 = arith.constant 0 : i32
        %dma_start3A_224 = tpu.memref_slice %arg2[%shift_right_logical3A_218, %mul3A_220, %and3A_222, %dma_start3A_223] : memref<25x128x8x128xi32, #tpu.memory_space<hbm>> -> memref<1x32x1x128xi32, #tpu.memory_space<hbm>>
        %dma_start3A_225 = tpu.memref_squeeze %dma_start3A_224 : memref<1x32x1x128xi32, #tpu.memory_space<hbm>> -> memref<32x1x128xi32, #tpu.memory_space<hbm>>
        %dma_start3A_226 = arith.constant 0 : i32
        %dma_start3A_227 = tpu.memref_slice %arg2[%shift_right_logical3A_218, %mul3A_220, %and3A_222, %dma_start3A_226] : memref<25x128x8x128xi32, #tpu.memory_space<hbm>> -> memref<1x32x1x128xi32, #tpu.memory_space<hbm>>
        %dma_start3A_228 = tpu.memref_squeeze %dma_start3A_227 : memref<1x32x1x128xi32, #tpu.memory_space<hbm>> -> memref<32x1x128xi32, #tpu.memory_space<hbm>>
        tpu.enqueue_dma source(%dma_start3A_228 : memref<32x1x128xi32, #tpu.memory_space<hbm>>) target(%arg7 : memref<32x1x128xi32, #tpu.memory_space<vmem>>) target_semaphore(%arg11 : memref<!tpu.dma_semaphore, #tpu.memory_space<semaphore_mem>>)
      } else {
      }
      %dma_wait3A_138 = arith.constant 0 : i32
      %dma_wait3A_139 = arith.constant 0 : i32
      %dma_wait3A_140 = arith.constant 0 : i32
      %dma_wait3A_141 = arith.constant 0 : i32
      %dma_wait3A_142 = tpu.memref_slice %arg2[%dma_wait3A_138, %dma_wait3A_139, %dma_wait3A_140, %dma_wait3A_141] : memref<25x128x8x128xi32, #tpu.memory_space<hbm>> -> memref<1x32x1x128xi32, #tpu.memory_space<hbm>>
      %dma_wait3A_143 = tpu.memref_squeeze %dma_wait3A_142 : memref<1x32x1x128xi32, #tpu.memory_space<hbm>> -> memref<32x1x128xi32, #tpu.memory_space<hbm>>
      %dma_wait3A_144 = arith.constant 0 : i32
      %dma_wait3A_145 = arith.constant 0 : i32
      %dma_wait3A_146 = arith.constant 0 : i32
      %dma_wait3A_147 = tpu.memref_slice %arg2[%dma_wait3A_138, %dma_wait3A_144, %dma_wait3A_145, %dma_wait3A_146] : memref<25x128x8x128xi32, #tpu.memory_space<hbm>> -> memref<1x32x1x128xi32, #tpu.memory_space<hbm>>
      %dma_wait3A_148 = tpu.memref_squeeze %dma_wait3A_147 : memref<1x32x1x128xi32, #tpu.memory_space<hbm>> -> memref<32x1x128xi32, #tpu.memory_space<hbm>>
      tpu.wait_dma2 semaphore(%arg10 : memref<!tpu.dma_semaphore, #tpu.memory_space<semaphore_mem>>) src(%dma_wait3A_148 : memref<32x1x128xi32, #tpu.memory_space<hbm>>) dst(%arg6 : memref<32x1x128xi32, #tpu.memory_space<vmem>>)
      %ge3A = arith.constant 2 : i32
      %ge3A_149 = arith.cmpi sge, %add3A_133, %ge3A : i32
      %convert_element_type3A_150 = arith.extui %ge3A_149 : i1 to i32
      %cond3A_151 = arith.constant 0 : i32
      %cond3A_152 = arith.cmpi ne, %convert_element_type3A_150, %cond3A_151 : i32
      scf.if %cond3A_152 {
        %dma_wait3A_210 = arith.constant 0 : i32
        %dma_wait3A_211 = tpu.memref_slice %arg4[%dma_wait3A_210] : memref<13107200xf32, #tpu.memory_space<hbm>> -> memref<16384xf32, #tpu.memory_space<hbm>>
        %dma_wait3A_212 = arith.constant 0 : i32
        %dma_wait3A_213 = tpu.memref_slice %arg4[%dma_wait3A_212] : memref<13107200xf32, #tpu.memory_space<hbm>> -> memref<16384xf32, #tpu.memory_space<hbm>>
        tpu.wait_dma2 semaphore(%arg12 : memref<!tpu.dma_semaphore, #tpu.memory_space<semaphore_mem>>) src(%arg8 : memref<16384xf32, #tpu.memory_space<vmem>>) dst(%dma_wait3A_213 : memref<16384xf32, #tpu.memory_space<hbm>>)
      } else {
      }
      %parallel_loop3A_153 = arith.constant 0 : i32
      %parallel_loop3A_154 = arith.constant 32 : i32
      %parallel_loop3A_155 = arith.constant 1 : i32
      scf.for %parallel_loop3A_210 = %parallel_loop3A_153 to %parallel_loop3A_154 step %parallel_loop3A_155  : i32 {
        %parallel_loop3A_211 = arith.constant 512 : i32
        %parallel_loop3A_212 = arith.muli %parallel_loop3A_210, %parallel_loop3A_211 : i32
        %parallel_loop3A_213 = arith.constant 0 : i32
        %parallel_loop3A_214 = arith.index_cast %parallel_loop3A_210 : i32 to index
        %parallel_loop3A_215 = arith.index_cast %parallel_loop3A_213 : i32 to index
        %parallel_loop3A_216 = arith.constant 0 : index
        %parallel_loop3A_217 = tpu.vector_load %arg6[%parallel_loop3A_214, %parallel_loop3A_215, %parallel_loop3A_216] {strides = array<i32>} : memref<32x1x128xi32, #tpu.memory_space<vmem>>, vector<16xi32>,
        %parallel_loop3A_218 = arith.constant 0 : i32
        %parallel_loop3A_219 = vector.broadcast %parallel_loop3A_218 : i32 to vector<16xi32>
        %parallel_loop3A_220 = arith.cmpi slt, %parallel_loop3A_217, %parallel_loop3A_219 : vector<16xi32>
        %parallel_loop3A_221 = arith.constant 16 : i32
        %parallel_loop3A_222 = vector.broadcast %parallel_loop3A_221 : i32 to vector<16xi32>
        %parallel_loop3A_223 = arith.addi %parallel_loop3A_217, %parallel_loop3A_222 : vector<16xi32>
        %parallel_loop3A_224 = arith.select %parallel_loop3A_220, %parallel_loop3A_223, %parallel_loop3A_217 : vector<16xi1>, vector<16xi32>
        %parallel_loop3A_225 = vector.shape_cast %parallel_loop3A_224 : vector<16xi32> to vector<16x1xi32>
        %parallel_loop3A_226 = vector.shape_cast %parallel_loop3A_225 : vector<16x1xi32> to vector<16xi32>
        %parallel_loop3A_227 = tpu.dynamic_gather %mul3A_83[%parallel_loop3A_226] in [0] : vector<16xf32>, vector<16xi32> -> vector<16xf32>
        %parallel_loop3A_228 = arith.constant 0 : i32
        %parallel_loop3A_229 = arith.addi %parallel_loop3A_212, %parallel_loop3A_228 : i32
        %parallel_loop3A_230 = arith.constant 0 : i32
        %parallel_loop3A_231 = arith.addi %parallel_loop3A_229, %parallel_loop3A_230 : i32
        %parallel_loop3A_232 = arith.index_cast %parallel_loop3A_231 : i32 to index
        %parallel_loop3A_233 = tpu.vector_load %arg8[%parallel_loop3A_232] {strides = array<i32>} : memref<16384xf32, #tpu.memory_space<vmem>>, vector<16xf32>,
        tpu.vector_store %arg8[%parallel_loop3A_232], %parallel_loop3A_227 {strides = array<i32>} : memref<16384xf32, #tpu.memory_space<vmem>>, vector<16xf32>,
        %parallel_loop3A_234 = arith.constant 0 : i32
        %parallel_loop3A_235 = vector.broadcast %parallel_loop3A_234 : i32 to vector<16xi32>
        %parallel_loop3A_236 = arith.cmpi slt, %parallel_loop3A_217, %parallel_loop3A_235 : vector<16xi32>
        %parallel_loop3A_237 = arith.constant 16 : i32
        %parallel_loop3A_238 = vector.broadcast %parallel_loop3A_237 : i32 to vector<16xi32>
        %parallel_loop3A_239 = arith.addi %parallel_loop3A_217, %parallel_loop3A_238 : vector<16xi32>
        %parallel_loop3A_240 = arith.select %parallel_loop3A_236, %parallel_loop3A_239, %parallel_loop3A_217 : vector<16xi1>, vector<16xi32>
        %parallel_loop3A_241 = vector.shape_cast %parallel_loop3A_240 : vector<16xi32> to vector<16x1xi32>
        %parallel_loop3A_242 = vector.shape_cast %parallel_loop3A_241 : vector<16x1xi32> to vector<16xi32>
        %parallel_loop3A_243 = tpu.dynamic_gather %mul3A_84[%parallel_loop3A_242] in [0] : vector<16xf32>, vector<16xi32> -> vector<16xf32>
        %parallel_loop3A_244 = arith.constant 128 : i32
        %parallel_loop3A_245 = arith.addi %parallel_loop3A_212, %parallel_loop3A_244 : i32
        %parallel_loop3A_246 = arith.constant 0 : i32
        %parallel_loop3A_247 = arith.addi %parallel_loop3A_245, %parallel_loop3A_246 : i32
        %parallel_loop3A_248 = arith.index_cast %parallel_loop3A_247 : i32 to index
        %parallel_loop3A_249 = tpu.vector_load %arg8[%parallel_loop3A_248] {strides = array<i32>} : memref<16384xf32, #tpu.memory_space<vmem>>, vector<16xf32>,
        tpu.vector_store %arg8[%parallel_loop3A_248], %parallel_loop3A_243 {strides = array<i32>} : memref<16384xf32, #tpu.memory_space<vmem>>, vector<16xf32>,
        %parallel_loop3A_250 = arith.constant 0 : i32
        %parallel_loop3A_251 = vector.broadcast %parallel_loop3A_250 : i32 to vector<16xi32>
        %parallel_loop3A_252 = arith.cmpi slt, %parallel_loop3A_217, %parallel_loop3A_251 : vector<16xi32>
        %parallel_loop3A_253 = arith.constant 16 : i32
        %parallel_loop3A_254 = vector.broadcast %parallel_loop3A_253 : i32 to vector<16xi32>
        %parallel_loop3A_255 = arith.addi %parallel_loop3A_217, %parallel_loop3A_254 : vector<16xi32>
        %parallel_loop3A_256 = arith.select %parallel_loop3A_252, %parallel_loop3A_255, %parallel_loop3A_217 : vector<16xi1>, vector<16xi32>
        %parallel_loop3A_257 = vector.shape_cast %parallel_loop3A_256 : vector<16xi32> to vector<16x1xi32>
        %parallel_loop3A_258 = vector.shape_cast %parallel_loop3A_257 : vector<16x1xi32> to vector<16xi32>
        %parallel_loop3A_259 = tpu.dynamic_gather %mul3A_85[%parallel_loop3A_258] in [0] : vector<16xf32>, vector<16xi32> -> vector<16xf32>
        %parallel_loop3A_260 = arith.constant 256 : i32
        %parallel_loop3A_261 = arith.addi %parallel_loop3A_212, %parallel_loop3A_260 : i32
        %parallel_loop3A_262 = arith.constant 0 : i32
        %parallel_loop3A_263 = arith.addi %parallel_loop3A_261, %parallel_loop3A_262 : i32
        %parallel_loop3A_264 = arith.index_cast %parallel_loop3A_263 : i32 to index
        %parallel_loop3A_265 = tpu.vector_load %arg8[%parallel_loop3A_264] {strides = array<i32>} : memref<16384xf32, #tpu.memory_space<vmem>>, vector<16xf32>,
        tpu.vector_store %arg8[%parallel_loop3A_264], %parallel_loop3A_259 {strides = array<i32>} : memref<16384xf32, #tpu.memory_space<vmem>>, vector<16xf32>,
        %parallel_loop3A_266 = arith.constant 0 : i32
        %parallel_loop3A_267 = vector.broadcast %parallel_loop3A_266 : i32 to vector<16xi32>
        %parallel_loop3A_268 = arith.cmpi slt, %parallel_loop3A_217, %parallel_loop3A_267 : vector<16xi32>
        %parallel_loop3A_269 = arith.constant 16 : i32
        %parallel_loop3A_270 = vector.broadcast %parallel_loop3A_269 : i32 to vector<16xi32>
        %parallel_loop3A_271 = arith.addi %parallel_loop3A_217, %parallel_loop3A_270 : vector<16xi32>
        %parallel_loop3A_272 = arith.select %parallel_loop3A_268, %parallel_loop3A_271, %parallel_loop3A_217 : vector<16xi1>, vector<16xi32>
        %parallel_loop3A_273 = vector.shape_cast %parallel_loop3A_272 : vector<16xi32> to vector<16x1xi32>
        %parallel_loop3A_274 = vector.shape_cast %parallel_loop3A_273 : vector<16x1xi32> to vector<16xi32>
        %parallel_loop3A_275 = tpu.dynamic_gather %mul3A_86[%parallel_loop3A_274] in [0] : vector<16xf32>, vector<16xi32> -> vector<16xf32>
        %parallel_loop3A_276 = arith.constant 384 : i32
        %parallel_loop3A_277 = arith.addi %parallel_loop3A_212, %parallel_loop3A_276 : i32
        %parallel_loop3A_278 = arith.constant 0 : i32
        %parallel_loop3A_279 = arith.addi %parallel_loop3A_277, %parallel_loop3A_278 : i32
        %parallel_loop3A_280 = arith.index_cast %parallel_loop3A_279 : i32 to index
        %parallel_loop3A_281 = tpu.vector_load %arg8[%parallel_loop3A_280] {strides = array<i32>} : memref<16384xf32, #tpu.memory_space<vmem>>, vector<16xf32>,
        tpu.vector_store %arg8[%parallel_loop3A_280], %parallel_loop3A_275 {strides = array<i32>} : memref<16384xf32, #tpu.memory_space<vmem>>, vector<16xf32>,
        %parallel_loop3A_282 = arith.constant 0 : i32
        %parallel_loop3A_283 = arith.index_cast %parallel_loop3A_210 : i32 to index
        %parallel_loop3A_284 = arith.index_cast %parallel_loop3A_282 : i32 to index
        %parallel_loop3A_285 = arith.constant 16 : index
        %parallel_loop3A_286 = tpu.vector_load %arg6[%parallel_loop3A_283, %parallel_loop3A_284, %parallel_loop3A_285] {strides = array<i32>} : memref<32x1x128xi32, #tpu.memory_space<vmem>>, vector<16xi32>,
        %parallel_loop3A_287 = arith.constant 0 : i32
        %parallel_loop3A_288 = vector.broadcast %parallel_loop3A_287 : i32 to vector<16xi32>
        %parallel_loop3A_289 = arith.cmpi slt, %parallel_loop3A_286, %parallel_loop3A_288 : vector<16xi32>
        %parallel_loop3A_290 = arith.constant 16 : i32
        %parallel_loop3A_291 = vector.broadcast %parallel_loop3A_290 : i32 to vector<16xi32>
        %parallel_loop3A_292 = arith.addi %parallel_loop3A_286, %parallel_loop3A_291 : vector<16xi32>
        %parallel_loop3A_293 = arith.select %parallel_loop3A_289, %parallel_loop3A_292, %parallel_loop3A_286 : vector<16xi1>, vector<16xi32>
        %parallel_loop3A_294 = vector.shape_cast %parallel_loop3A_293 : vector<16xi32> to vector<16x1xi32>
        %parallel_loop3A_295 = vector.shape_cast %parallel_loop3A_294 : vector<16x1xi32> to vector<16xi32>
        %parallel_loop3A_296 = tpu.dynamic_gather %mul3A_83[%parallel_loop3A_295] in [0] : vector<16xf32>, vector<16xi32> -> vector<16xf32>
        %parallel_loop3A_297 = arith.constant 0 : i32
        %parallel_loop3A_298 = arith.addi %parallel_loop3A_212, %parallel_loop3A_297 : i32
        %parallel_loop3A_299 = arith.constant 16 : i32
        %parallel_loop3A_300 = arith.addi %parallel_loop3A_298, %parallel_loop3A_299 : i32
        %parallel_loop3A_301 = arith.index_cast %parallel_loop3A_300 : i32 to index
        %parallel_loop3A_302 = tpu.vector_load %arg8[%parallel_loop3A_301] {strides = array<i32>} : memref<16384xf32, #tpu.memory_space<vmem>>, vector<16xf32>,
        tpu.vector_store %arg8[%parallel_loop3A_301], %parallel_loop3A_296 {strides = array<i32>} : memref<16384xf32, #tpu.memory_space<vmem>>, vector<16xf32>,
        %parallel_loop3A_303 = arith.constant 0 : i32
        %parallel_loop3A_304 = vector.broadcast %parallel_loop3A_303 : i32 to vector<16xi32>
        %parallel_loop3A_305 = arith.cmpi slt, %parallel_loop3A_286, %parallel_loop3A_304 : vector<16xi32>
        %parallel_loop3A_306 = arith.constant 16 : i32
        %parallel_loop3A_307 = vector.broadcast %parallel_loop3A_306 : i32 to vector<16xi32>
        %parallel_loop3A_308 = arith.addi %parallel_loop3A_286, %parallel_loop3A_307 : vector<16xi32>
        %parallel_loop3A_309 = arith.select %parallel_loop3A_305, %parallel_loop3A_308, %parallel_loop3A_286 : vector<16xi1>, vector<16xi32>
        %parallel_loop3A_310 = vector.shape_cast %parallel_loop3A_309 : vector<16xi32> to vector<16x1xi32>
        %parallel_loop3A_311 = vector.shape_cast %parallel_loop3A_310 : vector<16x1xi32> to vector<16xi32>
        %parallel_loop3A_312 = tpu.dynamic_gather %mul3A_84[%parallel_loop3A_311] in [0] : vector<16xf32>, vector<16xi32> -> vector<16xf32>
        %parallel_loop3A_313 = arith.constant 128 : i32
        %parallel_loop3A_314 = arith.addi %parallel_loop3A_212, %parallel_loop3A_313 : i32
        %parallel_loop3A_315 = arith.constant 16 : i32
        %parallel_loop3A_316 = arith.addi %parallel_loop3A_314, %parallel_loop3A_315 : i32
        %parallel_loop3A_317 = arith.index_cast %parallel_loop3A_316 : i32 to index
        %parallel_loop3A_318 = tpu.vector_load %arg8[%parallel_loop3A_317] {strides = array<i32>} : memref<16384xf32, #tpu.memory_space<vmem>>, vector<16xf32>,
        tpu.vector_store %arg8[%parallel_loop3A_317], %parallel_loop3A_312 {strides = array<i32>} : memref<16384xf32, #tpu.memory_space<vmem>>, vector<16xf32>,
        %parallel_loop3A_319 = arith.constant 0 : i32
        %parallel_loop3A_320 = vector.broadcast %parallel_loop3A_319 : i32 to vector<16xi32>
        %parallel_loop3A_321 = arith.cmpi slt, %parallel_loop3A_286, %parallel_loop3A_320 : vector<16xi32>
        %parallel_loop3A_322 = arith.constant 16 : i32
        %parallel_loop3A_323 = vector.broadcast %parallel_loop3A_322 : i32 to vector<16xi32>
        %parallel_loop3A_324 = arith.addi %parallel_loop3A_286, %parallel_loop3A_323 : vector<16xi32>
        %parallel_loop3A_325 = arith.select %parallel_loop3A_321, %parallel_loop3A_324, %parallel_loop3A_286 : vector<16xi1>, vector<16xi32>
        %parallel_loop3A_326 = vector.shape_cast %parallel_loop3A_325 : vector<16xi32> to vector<16x1xi32>
        %parallel_loop3A_327 = vector.shape_cast %parallel_loop3A_326 : vector<16x1xi32> to vector<16xi32>
        %parallel_loop3A_328 = tpu.dynamic_gather %mul3A_85[%parallel_loop3A_327] in [0] : vector<16xf32>, vector<16xi32> -> vector<16xf32>
        %parallel_loop3A_329 = arith.constant 256 : i32
        %parallel_loop3A_330 = arith.addi %parallel_loop3A_212, %parallel_loop3A_329 : i32
        %parallel_loop3A_331 = arith.constant 16 : i32
        %parallel_loop3A_332 = arith.addi %parallel_loop3A_330, %parallel_loop3A_331 : i32
        %parallel_loop3A_333 = arith.index_cast %parallel_loop3A_332 : i32 to index
        %parallel_loop3A_334 = tpu.vector_load %arg8[%parallel_loop3A_333] {strides = array<i32>} : memref<16384xf32, #tpu.memory_space<vmem>>, vector<16xf32>,
        tpu.vector_store %arg8[%parallel_loop3A_333], %parallel_loop3A_328 {strides = array<i32>} : memref<16384xf32, #tpu.memory_space<vmem>>, vector<16xf32>,
        %parallel_loop3A_335 = arith.constant 0 : i32
        %parallel_loop3A_336 = vector.broadcast %parallel_loop3A_335 : i32 to vector<16xi32>
        %parallel_loop3A_337 = arith.cmpi slt, %parallel_loop3A_286, %parallel_loop3A_336 : vector<16xi32>
        %parallel_loop3A_338 = arith.constant 16 : i32
        %parallel_loop3A_339 = vector.broadcast %parallel_loop3A_338 : i32 to vector<16xi32>
        %parallel_loop3A_340 = arith.addi %parallel_loop3A_286, %parallel_loop3A_339 : vector<16xi32>
        %parallel_loop3A_341 = arith.select %parallel_loop3A_337, %parallel_loop3A_340, %parallel_loop3A_286 : vector<16xi1>, vector<16xi32>
        %parallel_loop3A_342 = vector.shape_cast %parallel_loop3A_341 : vector<16xi32> to vector<16x1xi32>
        %parallel_loop3A_343 = vector.shape_cast %parallel_loop3A_342 : vector<16x1xi32> to vector<16xi32>
        %parallel_loop3A_344 = tpu.dynamic_gather %mul3A_86[%parallel_loop3A_343] in [0] : vector<16xf32>, vector<16xi32> -> vector<16xf32>
        %parallel_loop3A_345 = arith.constant 384 : i32
        %parallel_loop3A_346 = arith.addi %parallel_loop3A_212, %parallel_loop3A_345 : i32
        %parallel_loop3A_347 = arith.constant 16 : i32
        %parallel_loop3A_348 = arith.addi %parallel_loop3A_346, %parallel_loop3A_347 : i32
        %parallel_loop3A_349 = arith.index_cast %parallel_loop3A_348 : i32 to index
        %parallel_loop3A_350 = tpu.vector_load %arg8[%parallel_loop3A_349] {strides = array<i32>} : memref<16384xf32, #tpu.memory_space<vmem>>, vector<16xf32>,
        tpu.vector_store %arg8[%parallel_loop3A_349], %parallel_loop3A_344 {strides = array<i32>} : memref<16384xf32, #tpu.memory_space<vmem>>, vector<16xf32>,
        %parallel_loop3A_351 = arith.constant 0 : i32
        %parallel_loop3A_352 = arith.index_cast %parallel_loop3A_210 : i32 to index
        %parallel_loop3A_353 = arith.index_cast %parallel_loop3A_351 : i32 to index
        %parallel_loop3A_354 = arith.constant 32 : index
        %parallel_loop3A_355 = tpu.vector_load %arg6[%parallel_loop3A_352, %parallel_loop3A_353, %parallel_loop3A_354] {strides = array<i32>} : memref<32x1x128xi32, #tpu.memory_space<vmem>>, vector<16xi32>,
        %parallel_loop3A_356 = arith.constant 0 : i32
        %parallel_loop3A_357 = vector.broadcast %parallel_loop3A_356 : i32 to vector<16xi32>
        %parallel_loop3A_358 = arith.cmpi slt, %parallel_loop3A_355, %parallel_loop3A_357 : vector<16xi32>
        %parallel_loop3A_359 = arith.constant 16 : i32
        %parallel_loop3A_360 = vector.broadcast %parallel_loop3A_359 : i32 to vector<16xi32>
        %parallel_loop3A_361 = arith.addi %parallel_loop3A_355, %parallel_loop3A_360 : vector<16xi32>
        %parallel_loop3A_362 = arith.select %parallel_loop3A_358, %parallel_loop3A_361, %parallel_loop3A_355 : vector<16xi1>, vector<16xi32>
        %parallel_loop3A_363 = vector.shape_cast %parallel_loop3A_362 : vector<16xi32> to vector<16x1xi32>
        %parallel_loop3A_364 = vector.shape_cast %parallel_loop3A_363 : vector<16x1xi32> to vector<16xi32>
        %parallel_loop3A_365 = tpu.dynamic_gather %mul3A_83[%parallel_loop3A_364] in [0] : vector<16xf32>, vector<16xi32> -> vector<16xf32>
        %parallel_loop3A_366 = arith.constant 0 : i32
        %parallel_loop3A_367 = arith.addi %parallel_loop3A_212, %parallel_loop3A_366 : i32
        %parallel_loop3A_368 = arith.constant 32 : i32
        %parallel_loop3A_369 = arith.addi %parallel_loop3A_367, %parallel_loop3A_368 : i32
        %parallel_loop3A_370 = arith.index_cast %parallel_loop3A_369 : i32 to index
        %parallel_loop3A_371 = tpu.vector_load %arg8[%parallel_loop3A_370] {strides = array<i32>} : memref<16384xf32, #tpu.memory_space<vmem>>, vector<16xf32>,
        tpu.vector_store %arg8[%parallel_loop3A_370], %parallel_loop3A_365 {strides = array<i32>} : memref<16384xf32, #tpu.memory_space<vmem>>, vector<16xf32>,
        %parallel_loop3A_372 = arith.constant 0 : i32
        %parallel_loop3A_373 = vector.broadcast %parallel_loop3A_372 : i32 to vector<16xi32>
        %parallel_loop3A_374 = arith.cmpi slt, %parallel_loop3A_355, %parallel_loop3A_373 : vector<16xi32>
        %parallel_loop3A_375 = arith.constant 16 : i32
        %parallel_loop3A_376 = vector.broadcast %parallel_loop3A_375 : i32 to vector<16xi32>
        %parallel_loop3A_377 = arith.addi %parallel_loop3A_355, %parallel_loop3A_376 : vector<16xi32>
        %parallel_loop3A_378 = arith.select %parallel_loop3A_374, %parallel_loop3A_377, %parallel_loop3A_355 : vector<16xi1>, vector<16xi32>
        %parallel_loop3A_379 = vector.shape_cast %parallel_loop3A_378 : vector<16xi32> to vector<16x1xi32>
        %parallel_loop3A_380 = vector.shape_cast %parallel_loop3A_379 : vector<16x1xi32> to vector<16xi32>
        %parallel_loop3A_381 = tpu.dynamic_gather %mul3A_84[%parallel_loop3A_380] in [0] : vector<16xf32>, vector<16xi32> -> vector<16xf32>
        %parallel_loop3A_382 = arith.constant 128 : i32
        %parallel_loop3A_383 = arith.addi %parallel_loop3A_212, %parallel_loop3A_382 : i32
        %parallel_loop3A_384 = arith.constant 32 : i32
        %parallel_loop3A_385 = arith.addi %parallel_loop3A_383, %parallel_loop3A_384 : i32
        %parallel_loop3A_386 = arith.index_cast %parallel_loop3A_385 : i32 to index
        %parallel_loop3A_387 = tpu.vector_load %arg8[%parallel_loop3A_386] {strides = array<i32>} : memref<16384xf32, #tpu.memory_space<vmem>>, vector<16xf32>,
        tpu.vector_store %arg8[%parallel_loop3A_386], %parallel_loop3A_381 {strides = array<i32>} : memref<16384xf32, #tpu.memory_space<vmem>>, vector<16xf32>,
        %parallel_loop3A_388 = arith.constant 0 : i32
        %parallel_loop3A_389 = vector.broadcast %parallel_loop3A_388 : i32 to vector<16xi32>
        %parallel_loop3A_390 = arith.cmpi slt, %parallel_loop3A_355, %parallel_loop3A_389 : vector<16xi32>
        %parallel_loop3A_391 = arith.constant 16 : i32
        %parallel_loop3A_392 = vector.broadcast %parallel_loop3A_391 : i32 to vector<16xi32>
        %parallel_loop3A_393 = arith.addi %parallel_loop3A_355, %parallel_loop3A_392 : vector<16xi32>
        %parallel_loop3A_394 = arith.select %parallel_loop3A_390, %parallel_loop3A_393, %parallel_loop3A_355 : vector<16xi1>, vector<16xi32>
        %parallel_loop3A_395 = vector.shape_cast %parallel_loop3A_394 : vector<16xi32> to vector<16x1xi32>
        %parallel_loop3A_396 = vector.shape_cast %parallel_loop3A_395 : vector<16x1xi32> to vector<16xi32>
        %parallel_loop3A_397 = tpu.dynamic_gather %mul3A_85[%parallel_loop3A_396] in [0] : vector<16xf32>, vector<16xi32> -> vector<16xf32>
        %parallel_loop3A_398 = arith.constant 256 : i32
        %parallel_loop3A_399 = arith.addi %parallel_loop3A_212, %parallel_loop3A_398 : i32
        %parallel_loop3A_400 = arith.constant 32 : i32
        %parallel_loop3A_401 = arith.addi %parallel_loop3A_399, %parallel_loop3A_400 : i32
        %parallel_loop3A_402 = arith.index_cast %parallel_loop3A_401 : i32 to index
        %parallel_loop3A_403 = tpu.vector_load %arg8[%parallel_loop3A_402] {strides = array<i32>} : memref<16384xf32, #tpu.memory_space<vmem>>, vector<16xf32>,
        tpu.vector_store %arg8[%parallel_loop3A_402], %parallel_loop3A_397 {strides = array<i32>} : memref<16384xf32, #tpu.memory_space<vmem>>, vector<16xf32>,
        %parallel_loop3A_404 = arith.constant 0 : i32
        %parallel_loop3A_405 = vector.broadcast %parallel_loop3A_404 : i32 to vector<16xi32>
        %parallel_loop3A_406 = arith.cmpi slt, %parallel_loop3A_355, %parallel_loop3A_405 : vector<16xi32>
        %parallel_loop3A_407 = arith.constant 16 : i32
        %parallel_loop3A_408 = vector.broadcast %parallel_loop3A_407 : i32 to vector<16xi32>
        %parallel_loop3A_409 = arith.addi %parallel_loop3A_355, %parallel_loop3A_408 : vector<16xi32>
        %parallel_loop3A_410 = arith.select %parallel_loop3A_406, %parallel_loop3A_409, %parallel_loop3A_355 : vector<16xi1>, vector<16xi32>
        %parallel_loop3A_411 = vector.shape_cast %parallel_loop3A_410 : vector<16xi32> to vector<16x1xi32>
        %parallel_loop3A_412 = vector.shape_cast %parallel_loop3A_411 : vector<16x1xi32> to vector<16xi32>
        %parallel_loop3A_413 = tpu.dynamic_gather %mul3A_86[%parallel_loop3A_412] in [0] : vector<16xf32>, vector<16xi32> -> vector<16xf32>
        %parallel_loop3A_414 = arith.constant 384 : i32
        %parallel_loop3A_415 = arith.addi %parallel_loop3A_212, %parallel_loop3A_414 : i32
        %parallel_loop3A_416 = arith.constant 32 : i32
        %parallel_loop3A_417 = arith.addi %parallel_loop3A_415, %parallel_loop3A_416 : i32
        %parallel_loop3A_418 = arith.index_cast %parallel_loop3A_417 : i32 to index
        %parallel_loop3A_419 = tpu.vector_load %arg8[%parallel_loop3A_418] {strides = array<i32>} : memref<16384xf32, #tpu.memory_space<vmem>>, vector<16xf32>,
        tpu.vector_store %arg8[%parallel_loop3A_418], %parallel_loop3A_413 {strides = array<i32>} : memref<16384xf32, #tpu.memory_space<vmem>>, vector<16xf32>,
        %parallel_loop3A_420 = arith.constant 0 : i32
        %parallel_loop3A_421 = arith.index_cast %parallel_loop3A_210 : i32 to index
        %parallel_loop3A_422 = arith.index_cast %parallel_loop3A_420 : i32 to index
        %parallel_loop3A_423 = arith.constant 48 : index
        %parallel_loop3A_424 = tpu.vector_load %arg6[%parallel_loop3A_421, %parallel_loop3A_422, %parallel_loop3A_423] {strides = array<i32>} : memref<32x1x128xi32, #tpu.memory_space<vmem>>, vector<16xi32>,
        %parallel_loop3A_425 = arith.constant 0 : i32
        %parallel_loop3A_426 = vector.broadcast %parallel_loop3A_425 : i32 to vector<16xi32>
        %parallel_loop3A_427 = arith.cmpi slt, %parallel_loop3A_424, %parallel_loop3A_426 : vector<16xi32>
        %parallel_loop3A_428 = arith.constant 16 : i32
        %parallel_loop3A_429 = vector.broadcast %parallel_loop3A_428 : i32 to vector<16xi32>
        %parallel_loop3A_430 = arith.addi %parallel_loop3A_424, %parallel_loop3A_429 : vector<16xi32>
        %parallel_loop3A_431 = arith.select %parallel_loop3A_427, %parallel_loop3A_430, %parallel_loop3A_424 : vector<16xi1>, vector<16xi32>
        %parallel_loop3A_432 = vector.shape_cast %parallel_loop3A_431 : vector<16xi32> to vector<16x1xi32>
        %parallel_loop3A_433 = vector.shape_cast %parallel_loop3A_432 : vector<16x1xi32> to vector<16xi32>
        %parallel_loop3A_434 = tpu.dynamic_gather %mul3A_83[%parallel_loop3A_433] in [0] : vector<16xf32>, vector<16xi32> -> vector<16xf32>
        %parallel_loop3A_435 = arith.constant 0 : i32
        %parallel_loop3A_436 = arith.addi %parallel_loop3A_212, %parallel_loop3A_435 : i32
        %parallel_loop3A_437 = arith.constant 48 : i32
        %parallel_loop3A_438 = arith.addi %parallel_loop3A_436, %parallel_loop3A_437 : i32
        %parallel_loop3A_439 = arith.index_cast %parallel_loop3A_438 : i32 to index
        %parallel_loop3A_440 = tpu.vector_load %arg8[%parallel_loop3A_439] {strides = array<i32>} : memref<16384xf32, #tpu.memory_space<vmem>>, vector<16xf32>,
        tpu.vector_store %arg8[%parallel_loop3A_439], %parallel_loop3A_434 {strides = array<i32>} : memref<16384xf32, #tpu.memory_space<vmem>>, vector<16xf32>,
        %parallel_loop3A_441 = arith.constant 0 : i32
        %parallel_loop3A_442 = vector.broadcast %parallel_loop3A_441 : i32 to vector<16xi32>
        %parallel_loop3A_443 = arith.cmpi slt, %parallel_loop3A_424, %parallel_loop3A_442 : vector<16xi32>
        %parallel_loop3A_444 = arith.constant 16 : i32
        %parallel_loop3A_445 = vector.broadcast %parallel_loop3A_444 : i32 to vector<16xi32>
        %parallel_loop3A_446 = arith.addi %parallel_loop3A_424, %parallel_loop3A_445 : vector<16xi32>
        %parallel_loop3A_447 = arith.select %parallel_loop3A_443, %parallel_loop3A_446, %parallel_loop3A_424 : vector<16xi1>, vector<16xi32>
        %parallel_loop3A_448 = vector.shape_cast %parallel_loop3A_447 : vector<16xi32> to vector<16x1xi32>
        %parallel_loop3A_449 = vector.shape_cast %parallel_loop3A_448 : vector<16x1xi32> to vector<16xi32>
        %parallel_loop3A_450 = tpu.dynamic_gather %mul3A_84[%parallel_loop3A_449] in [0] : vector<16xf32>, vector<16xi32> -> vector<16xf32>
        %parallel_loop3A_451 = arith.constant 128 : i32
        %parallel_loop3A_452 = arith.addi %parallel_loop3A_212, %parallel_loop3A_451 : i32
        %parallel_loop3A_453 = arith.constant 48 : i32
        %parallel_loop3A_454 = arith.addi %parallel_loop3A_452, %parallel_loop3A_453 : i32
        %parallel_loop3A_455 = arith.index_cast %parallel_loop3A_454 : i32 to index
        %parallel_loop3A_456 = tpu.vector_load %arg8[%parallel_loop3A_455] {strides = array<i32>} : memref<16384xf32, #tpu.memory_space<vmem>>, vector<16xf32>,
        tpu.vector_store %arg8[%parallel_loop3A_455], %parallel_loop3A_450 {strides = array<i32>} : memref<16384xf32, #tpu.memory_space<vmem>>, vector<16xf32>,
        %parallel_loop3A_457 = arith.constant 0 : i32
        %parallel_loop3A_458 = vector.broadcast %parallel_loop3A_457 : i32 to vector<16xi32>
        %parallel_loop3A_459 = arith.cmpi slt, %parallel_loop3A_424, %parallel_loop3A_458 : vector<16xi32>
        %parallel_loop3A_460 = arith.constant 16 : i32
        %parallel_loop3A_461 = vector.broadcast %parallel_loop3A_460 : i32 to vector<16xi32>
        %parallel_loop3A_462 = arith.addi %parallel_loop3A_424, %parallel_loop3A_461 : vector<16xi32>
        %parallel_loop3A_463 = arith.select %parallel_loop3A_459, %parallel_loop3A_462, %parallel_loop3A_424 : vector<16xi1>, vector<16xi32>
        %parallel_loop3A_464 = vector.shape_cast %parallel_loop3A_463 : vector<16xi32> to vector<16x1xi32>
        %parallel_loop3A_465 = vector.shape_cast %parallel_loop3A_464 : vector<16x1xi32> to vector<16xi32>
        %parallel_loop3A_466 = tpu.dynamic_gather %mul3A_85[%parallel_loop3A_465] in [0] : vector<16xf32>, vector<16xi32> -> vector<16xf32>
        %parallel_loop3A_467 = arith.constant 256 : i32
        %parallel_loop3A_468 = arith.addi %parallel_loop3A_212, %parallel_loop3A_467 : i32
        %parallel_loop3A_469 = arith.constant 48 : i32
        %parallel_loop3A_470 = arith.addi %parallel_loop3A_468, %parallel_loop3A_469 : i32
        %parallel_loop3A_471 = arith.index_cast %parallel_loop3A_470 : i32 to index
        %parallel_loop3A_472 = tpu.vector_load %arg8[%parallel_loop3A_471] {strides = array<i32>} : memref<16384xf32, #tpu.memory_space<vmem>>, vector<16xf32>,
        tpu.vector_store %arg8[%parallel_loop3A_471], %parallel_loop3A_466 {strides = array<i32>} : memref<16384xf32, #tpu.memory_space<vmem>>, vector<16xf32>,
        %parallel_loop3A_473 = arith.constant 0 : i32
        %parallel_loop3A_474 = vector.broadcast %parallel_loop3A_473 : i32 to vector<16xi32>
        %parallel_loop3A_475 = arith.cmpi slt, %parallel_loop3A_424, %parallel_loop3A_474 : vector<16xi32>
        %parallel_loop3A_476 = arith.constant 16 : i32
        %parallel_loop3A_477 = vector.broadcast %parallel_loop3A_476 : i32 to vector<16xi32>
        %parallel_loop3A_478 = arith.addi %parallel_loop3A_424, %parallel_loop3A_477 : vector<16xi32>
        %parallel_loop3A_479 = arith.select %parallel_loop3A_475, %parallel_loop3A_478, %parallel_loop3A_424 : vector<16xi1>, vector<16xi32>
        %parallel_loop3A_480 = vector.shape_cast %parallel_loop3A_479 : vector<16xi32> to vector<16x1xi32>
        %parallel_loop3A_481 = vector.shape_cast %parallel_loop3A_480 : vector<16x1xi32> to vector<16xi32>
        %parallel_loop3A_482 = tpu.dynamic_gather %mul3A_86[%parallel_loop3A_481] in [0] : vector<16xf32>, vector<16xi32> -> vector<16xf32>
        %parallel_loop3A_483 = arith.constant 384 : i32
        %parallel_loop3A_484 = arith.addi %parallel_loop3A_212, %parallel_loop3A_483 : i32
        %parallel_loop3A_485 = arith.constant 48 : i32
        %parallel_loop3A_486 = arith.addi %parallel_loop3A_484, %parallel_loop3A_485 : i32
        %parallel_loop3A_487 = arith.index_cast %parallel_loop3A_486 : i32 to index
        %parallel_loop3A_488 = tpu.vector_load %arg8[%parallel_loop3A_487] {strides = array<i32>} : memref<16384xf32, #tpu.memory_space<vmem>>, vector<16xf32>,
        tpu.vector_store %arg8[%parallel_loop3A_487], %parallel_loop3A_482 {strides = array<i32>} : memref<16384xf32, #tpu.memory_space<vmem>>, vector<16xf32>,
        %parallel_loop3A_489 = arith.constant 0 : i32
        %parallel_loop3A_490 = arith.index_cast %parallel_loop3A_210 : i32 to index
        %parallel_loop3A_491 = arith.index_cast %parallel_loop3A_489 : i32 to index
        %parallel_loop3A_492 = arith.constant 64 : index
        %parallel_loop3A_493 = tpu.vector_load %arg6[%parallel_loop3A_490, %parallel_loop3A_491, %parallel_loop3A_492] {strides = array<i32>} : memref<32x1x128xi32, #tpu.memory_space<vmem>>, vector<16xi32>,
        %parallel_loop3A_494 = arith.constant 0 : i32
        %parallel_loop3A_495 = vector.broadcast %parallel_loop3A_494 : i32 to vector<16xi32>
        %parallel_loop3A_496 = arith.cmpi slt, %parallel_loop3A_493, %parallel_loop3A_495 : vector<16xi32>
        %parallel_loop3A_497 = arith.constant 16 : i32
        %parallel_loop3A_498 = vector.broadcast %parallel_loop3A_497 : i32 to vector<16xi32>
        %parallel_loop3A_499 = arith.addi %parallel_loop3A_493, %parallel_loop3A_498 : vector<16xi32>
        %parallel_loop3A_500 = arith.select %parallel_loop3A_496, %parallel_loop3A_499, %parallel_loop3A_493 : vector<16xi1>, vector<16xi32>
        %parallel_loop3A_501 = vector.shape_cast %parallel_loop3A_500 : vector<16xi32> to vector<16x1xi32>
        %parallel_loop3A_502 = vector.shape_cast %parallel_loop3A_501 : vector<16x1xi32> to vector<16xi32>
        %parallel_loop3A_503 = tpu.dynamic_gather %mul3A_83[%parallel_loop3A_502] in [0] : vector<16xf32>, vector<16xi32> -> vector<16xf32>
        %parallel_loop3A_504 = arith.constant 0 : i32
        %parallel_loop3A_505 = arith.addi %parallel_loop3A_212, %parallel_loop3A_504 : i32
        %parallel_loop3A_506 = arith.constant 64 : i32
        %parallel_loop3A_507 = arith.addi %parallel_loop3A_505, %parallel_loop3A_506 : i32
        %parallel_loop3A_508 = arith.index_cast %parallel_loop3A_507 : i32 to index
        %parallel_loop3A_509 = tpu.vector_load %arg8[%parallel_loop3A_508] {strides = array<i32>} : memref<16384xf32, #tpu.memory_space<vmem>>, vector<16xf32>,
        tpu.vector_store %arg8[%parallel_loop3A_508], %parallel_loop3A_503 {strides = array<i32>} : memref<16384xf32, #tpu.memory_space<vmem>>, vector<16xf32>,
        %parallel_loop3A_510 = arith.constant 0 : i32
        %parallel_loop3A_511 = vector.broadcast %parallel_loop3A_510 : i32 to vector<16xi32>
        %parallel_loop3A_512 = arith.cmpi slt, %parallel_loop3A_493, %parallel_loop3A_511 : vector<16xi32>
        %parallel_loop3A_513 = arith.constant 16 : i32
        %parallel_loop3A_514 = vector.broadcast %parallel_loop3A_513 : i32 to vector<16xi32>
        %parallel_loop3A_515 = arith.addi %parallel_loop3A_493, %parallel_loop3A_514 : vector<16xi32>
        %parallel_loop3A_516 = arith.select %parallel_loop3A_512, %parallel_loop3A_515, %parallel_loop3A_493 : vector<16xi1>, vector<16xi32>
        %parallel_loop3A_517 = vector.shape_cast %parallel_loop3A_516 : vector<16xi32> to vector<16x1xi32>
        %parallel_loop3A_518 = vector.shape_cast %parallel_loop3A_517 : vector<16x1xi32> to vector<16xi32>
        %parallel_loop3A_519 = tpu.dynamic_gather %mul3A_84[%parallel_loop3A_518] in [0] : vector<16xf32>, vector<16xi32> -> vector<16xf32>
        %parallel_loop3A_520 = arith.constant 128 : i32
        %parallel_loop3A_521 = arith.addi %parallel_loop3A_212, %parallel_loop3A_520 : i32
        %parallel_loop3A_522 = arith.constant 64 : i32
        %parallel_loop3A_523 = arith.addi %parallel_loop3A_521, %parallel_loop3A_522 : i32
        %parallel_loop3A_524 = arith.index_cast %parallel_loop3A_523 : i32 to index
        %parallel_loop3A_525 = tpu.vector_load %arg8[%parallel_loop3A_524] {strides = array<i32>} : memref<16384xf32, #tpu.memory_space<vmem>>, vector<16xf32>,
        tpu.vector_store %arg8[%parallel_loop3A_524], %parallel_loop3A_519 {strides = array<i32>} : memref<16384xf32, #tpu.memory_space<vmem>>, vector<16xf32>,
        %parallel_loop3A_526 = arith.constant 0 : i32
        %parallel_loop3A_527 = vector.broadcast %parallel_loop3A_526 : i32 to vector<16xi32>
        %parallel_loop3A_528 = arith.cmpi slt, %parallel_loop3A_493, %parallel_loop3A_527 : vector<16xi32>
        %parallel_loop3A_529 = arith.constant 16 : i32
        %parallel_loop3A_530 = vector.broadcast %parallel_loop3A_529 : i32 to vector<16xi32>
        %parallel_loop3A_531 = arith.addi %parallel_loop3A_493, %parallel_loop3A_530 : vector<16xi32>
        %parallel_loop3A_532 = arith.select %parallel_loop3A_528, %parallel_loop3A_531, %parallel_loop3A_493 : vector<16xi1>, vector<16xi32>
        %parallel_loop3A_533 = vector.shape_cast %parallel_loop3A_532 : vector<16xi32> to vector<16x1xi32>
        %parallel_loop3A_534 = vector.shape_cast %parallel_loop3A_533 : vector<16x1xi32> to vector<16xi32>
        %parallel_loop3A_535 = tpu.dynamic_gather %mul3A_85[%parallel_loop3A_534] in [0] : vector<16xf32>, vector<16xi32> -> vector<16xf32>
        %parallel_loop3A_536 = arith.constant 256 : i32
        %parallel_loop3A_537 = arith.addi %parallel_loop3A_212, %parallel_loop3A_536 : i32
        %parallel_loop3A_538 = arith.constant 64 : i32
        %parallel_loop3A_539 = arith.addi %parallel_loop3A_537, %parallel_loop3A_538 : i32
        %parallel_loop3A_540 = arith.index_cast %parallel_loop3A_539 : i32 to index
        %parallel_loop3A_541 = tpu.vector_load %arg8[%parallel_loop3A_540] {strides = array<i32>} : memref<16384xf32, #tpu.memory_space<vmem>>, vector<16xf32>,
        tpu.vector_store %arg8[%parallel_loop3A_540], %parallel_loop3A_535 {strides = array<i32>} : memref<16384xf32, #tpu.memory_space<vmem>>, vector<16xf32>,
        %parallel_loop3A_542 = arith.constant 0 : i32
        %parallel_loop3A_543 = vector.broadcast %parallel_loop3A_542 : i32 to vector<16xi32>
        %parallel_loop3A_544 = arith.cmpi slt, %parallel_loop3A_493, %parallel_loop3A_543 : vector<16xi32>
        %parallel_loop3A_545 = arith.constant 16 : i32
        %parallel_loop3A_546 = vector.broadcast %parallel_loop3A_545 : i32 to vector<16xi32>
        %parallel_loop3A_547 = arith.addi %parallel_loop3A_493, %parallel_loop3A_546 : vector<16xi32>
        %parallel_loop3A_548 = arith.select %parallel_loop3A_544, %parallel_loop3A_547, %parallel_loop3A_493 : vector<16xi1>, vector<16xi32>
        %parallel_loop3A_549 = vector.shape_cast %parallel_loop3A_548 : vector<16xi32> to vector<16x1xi32>
        %parallel_loop3A_550 = vector.shape_cast %parallel_loop3A_549 : vector<16x1xi32> to vector<16xi32>
        %parallel_loop3A_551 = tpu.dynamic_gather %mul3A_86[%parallel_loop3A_550] in [0] : vector<16xf32>, vector<16xi32> -> vector<16xf32>
        %parallel_loop3A_552 = arith.constant 384 : i32
        %parallel_loop3A_553 = arith.addi %parallel_loop3A_212, %parallel_loop3A_552 : i32
        %parallel_loop3A_554 = arith.constant 64 : i32
        %parallel_loop3A_555 = arith.addi %parallel_loop3A_553, %parallel_loop3A_554 : i32
        %parallel_loop3A_556 = arith.index_cast %parallel_loop3A_555 : i32 to index
        %parallel_loop3A_557 = tpu.vector_load %arg8[%parallel_loop3A_556] {strides = array<i32>} : memref<16384xf32, #tpu.memory_space<vmem>>, vector<16xf32>,
        tpu.vector_store %arg8[%parallel_loop3A_556], %parallel_loop3A_551 {strides = array<i32>} : memref<16384xf32, #tpu.memory_space<vmem>>, vector<16xf32>,
        %parallel_loop3A_558 = arith.constant 0 : i32
        %parallel_loop3A_559 = arith.index_cast %parallel_loop3A_210 : i32 to index
        %parallel_loop3A_560 = arith.index_cast %parallel_loop3A_558 : i32 to index
        %parallel_loop3A_561 = arith.constant 80 : index
        %parallel_loop3A_562 = tpu.vector_load %arg6[%parallel_loop3A_559, %parallel_loop3A_560, %parallel_loop3A_561] {strides = array<i32>} : memref<32x1x128xi32, #tpu.memory_space<vmem>>, vector<16xi32>,
        %parallel_loop3A_563 = arith.constant 0 : i32
        %parallel_loop3A_564 = vector.broadcast %parallel_loop3A_563 : i32 to vector<16xi32>
        %parallel_loop3A_565 = arith.cmpi slt, %parallel_loop3A_562, %parallel_loop3A_564 : vector<16xi32>
        %parallel_loop3A_566 = arith.constant 16 : i32
        %parallel_loop3A_567 = vector.broadcast %parallel_loop3A_566 : i32 to vector<16xi32>
        %parallel_loop3A_568 = arith.addi %parallel_loop3A_562, %parallel_loop3A_567 : vector<16xi32>
        %parallel_loop3A_569 = arith.select %parallel_loop3A_565, %parallel_loop3A_568, %parallel_loop3A_562 : vector<16xi1>, vector<16xi32>
        %parallel_loop3A_570 = vector.shape_cast %parallel_loop3A_569 : vector<16xi32> to vector<16x1xi32>
        %parallel_loop3A_571 = vector.shape_cast %parallel_loop3A_570 : vector<16x1xi32> to vector<16xi32>
        %parallel_loop3A_572 = tpu.dynamic_gather %mul3A_83[%parallel_loop3A_571] in [0] : vector<16xf32>, vector<16xi32> -> vector<16xf32>
        %parallel_loop3A_573 = arith.constant 0 : i32
        %parallel_loop3A_574 = arith.addi %parallel_loop3A_212, %parallel_loop3A_573 : i32
        %parallel_loop3A_575 = arith.constant 80 : i32
        %parallel_loop3A_576 = arith.addi %parallel_loop3A_574, %parallel_loop3A_575 : i32
        %parallel_loop3A_577 = arith.index_cast %parallel_loop3A_576 : i32 to index
        %parallel_loop3A_578 = tpu.vector_load %arg8[%parallel_loop3A_577] {strides = array<i32>} : memref<16384xf32, #tpu.memory_space<vmem>>, vector<16xf32>,
        tpu.vector_store %arg8[%parallel_loop3A_577], %parallel_loop3A_572 {strides = array<i32>} : memref<16384xf32, #tpu.memory_space<vmem>>, vector<16xf32>,
        %parallel_loop3A_579 = arith.constant 0 : i32
        %parallel_loop3A_580 = vector.broadcast %parallel_loop3A_579 : i32 to vector<16xi32>
        %parallel_loop3A_581 = arith.cmpi slt, %parallel_loop3A_562, %parallel_loop3A_580 : vector<16xi32>
        %parallel_loop3A_582 = arith.constant 16 : i32
        %parallel_loop3A_583 = vector.broadcast %parallel_loop3A_582 : i32 to vector<16xi32>
        %parallel_loop3A_584 = arith.addi %parallel_loop3A_562, %parallel_loop3A_583 : vector<16xi32>
        %parallel_loop3A_585 = arith.select %parallel_loop3A_581, %parallel_loop3A_584, %parallel_loop3A_562 : vector<16xi1>, vector<16xi32>
        %parallel_loop3A_586 = vector.shape_cast %parallel_loop3A_585 : vector<16xi32> to vector<16x1xi32>
        %parallel_loop3A_587 = vector.shape_cast %parallel_loop3A_586 : vector<16x1xi32> to vector<16xi32>
        %parallel_loop3A_588 = tpu.dynamic_gather %mul3A_84[%parallel_loop3A_587] in [0] : vector<16xf32>, vector<16xi32> -> vector<16xf32>
        %parallel_loop3A_589 = arith.constant 128 : i32
        %parallel_loop3A_590 = arith.addi %parallel_loop3A_212, %parallel_loop3A_589 : i32
        %parallel_loop3A_591 = arith.constant 80 : i32
        %parallel_loop3A_592 = arith.addi %parallel_loop3A_590, %parallel_loop3A_591 : i32
        %parallel_loop3A_593 = arith.index_cast %parallel_loop3A_592 : i32 to index
        %parallel_loop3A_594 = tpu.vector_load %arg8[%parallel_loop3A_593] {strides = array<i32>} : memref<16384xf32, #tpu.memory_space<vmem>>, vector<16xf32>,
        tpu.vector_store %arg8[%parallel_loop3A_593], %parallel_loop3A_588 {strides = array<i32>} : memref<16384xf32, #tpu.memory_space<vmem>>, vector<16xf32>,
        %parallel_loop3A_595 = arith.constant 0 : i32
        %parallel_loop3A_596 = vector.broadcast %parallel_loop3A_595 : i32 to vector<16xi32>
        %parallel_loop3A_597 = arith.cmpi slt, %parallel_loop3A_562, %parallel_loop3A_596 : vector<16xi32>
        %parallel_loop3A_598 = arith.constant 16 : i32
        %parallel_loop3A_599 = vector.broadcast %parallel_loop3A_598 : i32 to vector<16xi32>
        %parallel_loop3A_600 = arith.addi %parallel_loop3A_562, %parallel_loop3A_599 : vector<16xi32>
        %parallel_loop3A_601 = arith.select %parallel_loop3A_597, %parallel_loop3A_600, %parallel_loop3A_562 : vector<16xi1>, vector<16xi32>
        %parallel_loop3A_602 = vector.shape_cast %parallel_loop3A_601 : vector<16xi32> to vector<16x1xi32>
        %parallel_loop3A_603 = vector.shape_cast %parallel_loop3A_602 : vector<16x1xi32> to vector<16xi32>
        %parallel_loop3A_604 = tpu.dynamic_gather %mul3A_85[%parallel_loop3A_603] in [0] : vector<16xf32>, vector<16xi32> -> vector<16xf32>
        %parallel_loop3A_605 = arith.constant 256 : i32
        %parallel_loop3A_606 = arith.addi %parallel_loop3A_212, %parallel_loop3A_605 : i32
        %parallel_loop3A_607 = arith.constant 80 : i32
        %parallel_loop3A_608 = arith.addi %parallel_loop3A_606, %parallel_loop3A_607 : i32
        %parallel_loop3A_609 = arith.index_cast %parallel_loop3A_608 : i32 to index
        %parallel_loop3A_610 = tpu.vector_load %arg8[%parallel_loop3A_609] {strides = array<i32>} : memref<16384xf32, #tpu.memory_space<vmem>>, vector<16xf32>,
        tpu.vector_store %arg8[%parallel_loop3A_609], %parallel_loop3A_604 {strides = array<i32>} : memref<16384xf32, #tpu.memory_space<vmem>>, vector<16xf32>,
        %parallel_loop3A_611 = arith.constant 0 : i32
        %parallel_loop3A_612 = vector.broadcast %parallel_loop3A_611 : i32 to vector<16xi32>
        %parallel_loop3A_613 = arith.cmpi slt, %parallel_loop3A_562, %parallel_loop3A_612 : vector<16xi32>
        %parallel_loop3A_614 = arith.constant 16 : i32
        %parallel_loop3A_615 = vector.broadcast %parallel_loop3A_614 : i32 to vector<16xi32>
        %parallel_loop3A_616 = arith.addi %parallel_loop3A_562, %parallel_loop3A_615 : vector<16xi32>
        %parallel_loop3A_617 = arith.select %parallel_loop3A_613, %parallel_loop3A_616, %parallel_loop3A_562 : vector<16xi1>, vector<16xi32>
        %parallel_loop3A_618 = vector.shape_cast %parallel_loop3A_617 : vector<16xi32> to vector<16x1xi32>
        %parallel_loop3A_619 = vector.shape_cast %parallel_loop3A_618 : vector<16x1xi32> to vector<16xi32>
        %parallel_loop3A_620 = tpu.dynamic_gather %mul3A_86[%parallel_loop3A_619] in [0] : vector<16xf32>, vector<16xi32> -> vector<16xf32>
        %parallel_loop3A_621 = arith.constant 384 : i32
        %parallel_loop3A_622 = arith.addi %parallel_loop3A_212, %parallel_loop3A_621 : i32
        %parallel_loop3A_623 = arith.constant 80 : i32
        %parallel_loop3A_624 = arith.addi %parallel_loop3A_622, %parallel_loop3A_623 : i32
        %parallel_loop3A_625 = arith.index_cast %parallel_loop3A_624 : i32 to index
        %parallel_loop3A_626 = tpu.vector_load %arg8[%parallel_loop3A_625] {strides = array<i32>} : memref<16384xf32, #tpu.memory_space<vmem>>, vector<16xf32>,
        tpu.vector_store %arg8[%parallel_loop3A_625], %parallel_loop3A_620 {strides = array<i32>} : memref<16384xf32, #tpu.memory_space<vmem>>, vector<16xf32>,
        %parallel_loop3A_627 = arith.constant 0 : i32
        %parallel_loop3A_628 = arith.index_cast %parallel_loop3A_210 : i32 to index
        %parallel_loop3A_629 = arith.index_cast %parallel_loop3A_627 : i32 to index
        %parallel_loop3A_630 = arith.constant 96 : index
        %parallel_loop3A_631 = tpu.vector_load %arg6[%parallel_loop3A_628, %parallel_loop3A_629, %parallel_loop3A_630] {strides = array<i32>} : memref<32x1x128xi32, #tpu.memory_space<vmem>>, vector<16xi32>,
        %parallel_loop3A_632 = arith.constant 0 : i32
        %parallel_loop3A_633 = vector.broadcast %parallel_loop3A_632 : i32 to vector<16xi32>
        %parallel_loop3A_634 = arith.cmpi slt, %parallel_loop3A_631, %parallel_loop3A_633 : vector<16xi32>
        %parallel_loop3A_635 = arith.constant 16 : i32
        %parallel_loop3A_636 = vector.broadcast %parallel_loop3A_635 : i32 to vector<16xi32>
        %parallel_loop3A_637 = arith.addi %parallel_loop3A_631, %parallel_loop3A_636 : vector<16xi32>
        %parallel_loop3A_638 = arith.select %parallel_loop3A_634, %parallel_loop3A_637, %parallel_loop3A_631 : vector<16xi1>, vector<16xi32>
        %parallel_loop3A_639 = vector.shape_cast %parallel_loop3A_638 : vector<16xi32> to vector<16x1xi32>
        %parallel_loop3A_640 = vector.shape_cast %parallel_loop3A_639 : vector<16x1xi32> to vector<16xi32>
        %parallel_loop3A_641 = tpu.dynamic_gather %mul3A_83[%parallel_loop3A_640] in [0] : vector<16xf32>, vector<16xi32> -> vector<16xf32>
        %parallel_loop3A_642 = arith.constant 0 : i32
        %parallel_loop3A_643 = arith.addi %parallel_loop3A_212, %parallel_loop3A_642 : i32
        %parallel_loop3A_644 = arith.constant 96 : i32
        %parallel_loop3A_645 = arith.addi %parallel_loop3A_643, %parallel_loop3A_644 : i32
        %parallel_loop3A_646 = arith.index_cast %parallel_loop3A_645 : i32 to index
        %parallel_loop3A_647 = tpu.vector_load %arg8[%parallel_loop3A_646] {strides = array<i32>} : memref<16384xf32, #tpu.memory_space<vmem>>, vector<16xf32>,
        tpu.vector_store %arg8[%parallel_loop3A_646], %parallel_loop3A_641 {strides = array<i32>} : memref<16384xf32, #tpu.memory_space<vmem>>, vector<16xf32>,
        %parallel_loop3A_648 = arith.constant 0 : i32
        %parallel_loop3A_649 = vector.broadcast %parallel_loop3A_648 : i32 to vector<16xi32>
        %parallel_loop3A_650 = arith.cmpi slt, %parallel_loop3A_631, %parallel_loop3A_649 : vector<16xi32>
        %parallel_loop3A_651 = arith.constant 16 : i32
        %parallel_loop3A_652 = vector.broadcast %parallel_loop3A_651 : i32 to vector<16xi32>
        %parallel_loop3A_653 = arith.addi %parallel_loop3A_631, %parallel_loop3A_652 : vector<16xi32>
        %parallel_loop3A_654 = arith.select %parallel_loop3A_650, %parallel_loop3A_653, %parallel_loop3A_631 : vector<16xi1>, vector<16xi32>
        %parallel_loop3A_655 = vector.shape_cast %parallel_loop3A_654 : vector<16xi32> to vector<16x1xi32>
        %parallel_loop3A_656 = vector.shape_cast %parallel_loop3A_655 : vector<16x1xi32> to vector<16xi32>
        %parallel_loop3A_657 = tpu.dynamic_gather %mul3A_84[%parallel_loop3A_656] in [0] : vector<16xf32>, vector<16xi32> -> vector<16xf32>
        %parallel_loop3A_658 = arith.constant 128 : i32
        %parallel_loop3A_659 = arith.addi %parallel_loop3A_212, %parallel_loop3A_658 : i32
        %parallel_loop3A_660 = arith.constant 96 : i32
        %parallel_loop3A_661 = arith.addi %parallel_loop3A_659, %parallel_loop3A_660 : i32
        %parallel_loop3A_662 = arith.index_cast %parallel_loop3A_661 : i32 to index
        %parallel_loop3A_663 = tpu.vector_load %arg8[%parallel_loop3A_662] {strides = array<i32>} : memref<16384xf32, #tpu.memory_space<vmem>>, vector<16xf32>,
        tpu.vector_store %arg8[%parallel_loop3A_662], %parallel_loop3A_657 {strides = array<i32>} : memref<16384xf32, #tpu.memory_space<vmem>>, vector<16xf32>,
        %parallel_loop3A_664 = arith.constant 0 : i32
        %parallel_loop3A_665 = vector.broadcast %parallel_loop3A_664 : i32 to vector<16xi32>
        %parallel_loop3A_666 = arith.cmpi slt, %parallel_loop3A_631, %parallel_loop3A_665 : vector<16xi32>
        %parallel_loop3A_667 = arith.constant 16 : i32
        %parallel_loop3A_668 = vector.broadcast %parallel_loop3A_667 : i32 to vector<16xi32>
        %parallel_loop3A_669 = arith.addi %parallel_loop3A_631, %parallel_loop3A_668 : vector<16xi32>
        %parallel_loop3A_670 = arith.select %parallel_loop3A_666, %parallel_loop3A_669, %parallel_loop3A_631 : vector<16xi1>, vector<16xi32>
        %parallel_loop3A_671 = vector.shape_cast %parallel_loop3A_670 : vector<16xi32> to vector<16x1xi32>
        %parallel_loop3A_672 = vector.shape_cast %parallel_loop3A_671 : vector<16x1xi32> to vector<16xi32>
        %parallel_loop3A_673 = tpu.dynamic_gather %mul3A_85[%parallel_loop3A_672] in [0] : vector<16xf32>, vector<16xi32> -> vector<16xf32>
        %parallel_loop3A_674 = arith.constant 256 : i32
        %parallel_loop3A_675 = arith.addi %parallel_loop3A_212, %parallel_loop3A_674 : i32
        %parallel_loop3A_676 = arith.constant 96 : i32
        %parallel_loop3A_677 = arith.addi %parallel_loop3A_675, %parallel_loop3A_676 : i32
        %parallel_loop3A_678 = arith.index_cast %parallel_loop3A_677 : i32 to index
        %parallel_loop3A_679 = tpu.vector_load %arg8[%parallel_loop3A_678] {strides = array<i32>} : memref<16384xf32, #tpu.memory_space<vmem>>, vector<16xf32>,
        tpu.vector_store %arg8[%parallel_loop3A_678], %parallel_loop3A_673 {strides = array<i32>} : memref<16384xf32, #tpu.memory_space<vmem>>, vector<16xf32>,
        %parallel_loop3A_680 = arith.constant 0 : i32
        %parallel_loop3A_681 = vector.broadcast %parallel_loop3A_680 : i32 to vector<16xi32>
        %parallel_loop3A_682 = arith.cmpi slt, %parallel_loop3A_631, %parallel_loop3A_681 : vector<16xi32>
        %parallel_loop3A_683 = arith.constant 16 : i32
        %parallel_loop3A_684 = vector.broadcast %parallel_loop3A_683 : i32 to vector<16xi32>
        %parallel_loop3A_685 = arith.addi %parallel_loop3A_631, %parallel_loop3A_684 : vector<16xi32>
        %parallel_loop3A_686 = arith.select %parallel_loop3A_682, %parallel_loop3A_685, %parallel_loop3A_631 : vector<16xi1>, vector<16xi32>
        %parallel_loop3A_687 = vector.shape_cast %parallel_loop3A_686 : vector<16xi32> to vector<16x1xi32>
        %parallel_loop3A_688 = vector.shape_cast %parallel_loop3A_687 : vector<16x1xi32> to vector<16xi32>
        %parallel_loop3A_689 = tpu.dynamic_gather %mul3A_86[%parallel_loop3A_688] in [0] : vector<16xf32>, vector<16xi32> -> vector<16xf32>
        %parallel_loop3A_690 = arith.constant 384 : i32
        %parallel_loop3A_691 = arith.addi %parallel_loop3A_212, %parallel_loop3A_690 : i32
        %parallel_loop3A_692 = arith.constant 96 : i32
        %parallel_loop3A_693 = arith.addi %parallel_loop3A_691, %parallel_loop3A_692 : i32
        %parallel_loop3A_694 = arith.index_cast %parallel_loop3A_693 : i32 to index
        %parallel_loop3A_695 = tpu.vector_load %arg8[%parallel_loop3A_694] {strides = array<i32>} : memref<16384xf32, #tpu.memory_space<vmem>>, vector<16xf32>,
        tpu.vector_store %arg8[%parallel_loop3A_694], %parallel_loop3A_689 {strides = array<i32>} : memref<16384xf32, #tpu.memory_space<vmem>>, vector<16xf32>,
        %parallel_loop3A_696 = arith.constant 0 : i32
        %parallel_loop3A_697 = arith.index_cast %parallel_loop3A_210 : i32 to index
        %parallel_loop3A_698 = arith.index_cast %parallel_loop3A_696 : i32 to index
        %parallel_loop3A_699 = arith.constant 112 : index
        %parallel_loop3A_700 = tpu.vector_load %arg6[%parallel_loop3A_697, %parallel_loop3A_698, %parallel_loop3A_699] {strides = array<i32>} : memref<32x1x128xi32, #tpu.memory_space<vmem>>, vector<16xi32>,
        %parallel_loop3A_701 = arith.constant 0 : i32
        %parallel_loop3A_702 = vector.broadcast %parallel_loop3A_701 : i32 to vector<16xi32>
        %parallel_loop3A_703 = arith.cmpi slt, %parallel_loop3A_700, %parallel_loop3A_702 : vector<16xi32>
        %parallel_loop3A_704 = arith.constant 16 : i32
        %parallel_loop3A_705 = vector.broadcast %parallel_loop3A_704 : i32 to vector<16xi32>
        %parallel_loop3A_706 = arith.addi %parallel_loop3A_700, %parallel_loop3A_705 : vector<16xi32>
        %parallel_loop3A_707 = arith.select %parallel_loop3A_703, %parallel_loop3A_706, %parallel_loop3A_700 : vector<16xi1>, vector<16xi32>
        %parallel_loop3A_708 = vector.shape_cast %parallel_loop3A_707 : vector<16xi32> to vector<16x1xi32>
        %parallel_loop3A_709 = vector.shape_cast %parallel_loop3A_708 : vector<16x1xi32> to vector<16xi32>
        %parallel_loop3A_710 = tpu.dynamic_gather %mul3A_83[%parallel_loop3A_709] in [0] : vector<16xf32>, vector<16xi32> -> vector<16xf32>
        %parallel_loop3A_711 = arith.constant 0 : i32
        %parallel_loop3A_712 = arith.addi %parallel_loop3A_212, %parallel_loop3A_711 : i32
        %parallel_loop3A_713 = arith.constant 112 : i32
        %parallel_loop3A_714 = arith.addi %parallel_loop3A_712, %parallel_loop3A_713 : i32
        %parallel_loop3A_715 = arith.index_cast %parallel_loop3A_714 : i32 to index
        %parallel_loop3A_716 = tpu.vector_load %arg8[%parallel_loop3A_715] {strides = array<i32>} : memref<16384xf32, #tpu.memory_space<vmem>>, vector<16xf32>,
        tpu.vector_store %arg8[%parallel_loop3A_715], %parallel_loop3A_710 {strides = array<i32>} : memref<16384xf32, #tpu.memory_space<vmem>>, vector<16xf32>,
        %parallel_loop3A_717 = arith.constant 0 : i32
        %parallel_loop3A_718 = vector.broadcast %parallel_loop3A_717 : i32 to vector<16xi32>
        %parallel_loop3A_719 = arith.cmpi slt, %parallel_loop3A_700, %parallel_loop3A_718 : vector<16xi32>
        %parallel_loop3A_720 = arith.constant 16 : i32
        %parallel_loop3A_721 = vector.broadcast %parallel_loop3A_720 : i32 to vector<16xi32>
        %parallel_loop3A_722 = arith.addi %parallel_loop3A_700, %parallel_loop3A_721 : vector<16xi32>
        %parallel_loop3A_723 = arith.select %parallel_loop3A_719, %parallel_loop3A_722, %parallel_loop3A_700 : vector<16xi1>, vector<16xi32>
        %parallel_loop3A_724 = vector.shape_cast %parallel_loop3A_723 : vector<16xi32> to vector<16x1xi32>
        %parallel_loop3A_725 = vector.shape_cast %parallel_loop3A_724 : vector<16x1xi32> to vector<16xi32>
        %parallel_loop3A_726 = tpu.dynamic_gather %mul3A_84[%parallel_loop3A_725] in [0] : vector<16xf32>, vector<16xi32> -> vector<16xf32>
        %parallel_loop3A_727 = arith.constant 128 : i32
        %parallel_loop3A_728 = arith.addi %parallel_loop3A_212, %parallel_loop3A_727 : i32
        %parallel_loop3A_729 = arith.constant 112 : i32
        %parallel_loop3A_730 = arith.addi %parallel_loop3A_728, %parallel_loop3A_729 : i32
        %parallel_loop3A_731 = arith.index_cast %parallel_loop3A_730 : i32 to index
        %parallel_loop3A_732 = tpu.vector_load %arg8[%parallel_loop3A_731] {strides = array<i32>} : memref<16384xf32, #tpu.memory_space<vmem>>, vector<16xf32>,
        tpu.vector_store %arg8[%parallel_loop3A_731], %parallel_loop3A_726 {strides = array<i32>} : memref<16384xf32, #tpu.memory_space<vmem>>, vector<16xf32>,
        %parallel_loop3A_733 = arith.constant 0 : i32
        %parallel_loop3A_734 = vector.broadcast %parallel_loop3A_733 : i32 to vector<16xi32>
        %parallel_loop3A_735 = arith.cmpi slt, %parallel_loop3A_700, %parallel_loop3A_734 : vector<16xi32>
        %parallel_loop3A_736 = arith.constant 16 : i32
        %parallel_loop3A_737 = vector.broadcast %parallel_loop3A_736 : i32 to vector<16xi32>
        %parallel_loop3A_738 = arith.addi %parallel_loop3A_700, %parallel_loop3A_737 : vector<16xi32>
        %parallel_loop3A_739 = arith.select %parallel_loop3A_735, %parallel_loop3A_738, %parallel_loop3A_700 : vector<16xi1>, vector<16xi32>
        %parallel_loop3A_740 = vector.shape_cast %parallel_loop3A_739 : vector<16xi32> to vector<16x1xi32>
        %parallel_loop3A_741 = vector.shape_cast %parallel_loop3A_740 : vector<16x1xi32> to vector<16xi32>
        %parallel_loop3A_742 = tpu.dynamic_gather %mul3A_85[%parallel_loop3A_741] in [0] : vector<16xf32>, vector<16xi32> -> vector<16xf32>
        %parallel_loop3A_743 = arith.constant 256 : i32
        %parallel_loop3A_744 = arith.addi %parallel_loop3A_212, %parallel_loop3A_743 : i32
        %parallel_loop3A_745 = arith.constant 112 : i32
        %parallel_loop3A_746 = arith.addi %parallel_loop3A_744, %parallel_loop3A_745 : i32
        %parallel_loop3A_747 = arith.index_cast %parallel_loop3A_746 : i32 to index
        %parallel_loop3A_748 = tpu.vector_load %arg8[%parallel_loop3A_747] {strides = array<i32>} : memref<16384xf32, #tpu.memory_space<vmem>>, vector<16xf32>,
        tpu.vector_store %arg8[%parallel_loop3A_747], %parallel_loop3A_742 {strides = array<i32>} : memref<16384xf32, #tpu.memory_space<vmem>>, vector<16xf32>,
        %parallel_loop3A_749 = arith.constant 0 : i32
        %parallel_loop3A_750 = vector.broadcast %parallel_loop3A_749 : i32 to vector<16xi32>
        %parallel_loop3A_751 = arith.cmpi slt, %parallel_loop3A_700, %parallel_loop3A_750 : vector<16xi32>
        %parallel_loop3A_752 = arith.constant 16 : i32
        %parallel_loop3A_753 = vector.broadcast %parallel_loop3A_752 : i32 to vector<16xi32>
        %parallel_loop3A_754 = arith.addi %parallel_loop3A_700, %parallel_loop3A_753 : vector<16xi32>
        %parallel_loop3A_755 = arith.select %parallel_loop3A_751, %parallel_loop3A_754, %parallel_loop3A_700 : vector<16xi1>, vector<16xi32>
        %parallel_loop3A_756 = vector.shape_cast %parallel_loop3A_755 : vector<16xi32> to vector<16x1xi32>
        %parallel_loop3A_757 = vector.shape_cast %parallel_loop3A_756 : vector<16x1xi32> to vector<16xi32>
        %parallel_loop3A_758 = tpu.dynamic_gather %mul3A_86[%parallel_loop3A_757] in [0] : vector<16xf32>, vector<16xi32> -> vector<16xf32>
        %parallel_loop3A_759 = arith.constant 384 : i32
        %parallel_loop3A_760 = arith.addi %parallel_loop3A_212, %parallel_loop3A_759 : i32
        %parallel_loop3A_761 = arith.constant 112 : i32
        %parallel_loop3A_762 = arith.addi %parallel_loop3A_760, %parallel_loop3A_761 : i32
        %parallel_loop3A_763 = arith.index_cast %parallel_loop3A_762 : i32 to index
        %parallel_loop3A_764 = tpu.vector_load %arg8[%parallel_loop3A_763] {strides = array<i32>} : memref<16384xf32, #tpu.memory_space<vmem>>, vector<16xf32>,
        tpu.vector_store %arg8[%parallel_loop3A_763], %parallel_loop3A_758 {strides = array<i32>} : memref<16384xf32, #tpu.memory_space<vmem>>, vector<16xf32>,
      } {sc.loop_unroll_factor = 4 : i64, sc.parallel_access}
      %add3A_156 = arith.addi %mul3A_2, %add3A_133 : i32
      %shift_right_logical3A_157 = arith.constant 2 : i32
      %shift_right_logical3A_158 = arith.shrui %add3A_156, %shift_right_logical3A_157 : i32
      %and3A_159 = arith.constant 3 : i32
      %and3A_160 = arith.andi %add3A_156, %and3A_159 : i32
      %mul3A_161 = arith.constant 65536 : i32
      %mul3A_162 = arith.muli %shift_right_logical3A_158, %mul3A_161 : i32
      %mul3A_163 = arith.constant 16384 : i32
      %mul3A_164 = arith.muli %and3A_160, %mul3A_163 : i32
      %add3A_165 = arith.addi %mul3A_162, %mul3A_164 : i32
      %dma_start3A_166 = tpu.memref_slice %arg4[%add3A_165] : memref<13107200xf32, #tpu.memory_space<hbm>> -> memref<16384xf32, #tpu.memory_space<hbm>>
      %dma_start3A_167 = tpu.memref_slice %arg4[%add3A_165] : memref<13107200xf32, #tpu.memory_space<hbm>> -> memref<16384xf32, #tpu.memory_space<hbm>>
      tpu.enqueue_dma source(%arg8 : memref<16384xf32, #tpu.memory_space<vmem>>) target(%dma_start3A_167 : memref<16384xf32, #tpu.memory_space<hbm>>) target_semaphore(%arg12 : memref<!tpu.dma_semaphore, #tpu.memory_space<semaphore_mem>>)
      %mul3A_168 = arith.constant 2 : i32
      %mul3A_169 = arith.muli %scan3A_129, %mul3A_168 : i32
      %add3A_170 = arith.constant 1 : i32
      %add3A_171 = arith.addi %mul3A_169, %add3A_170 : i32
      %add3A_172 = arith.constant 1 : i32
      %add3A_173 = arith.addi %add3A_171, %add3A_172 : i32
      %lt3A_174 = arith.constant 25 : i32
      %lt3A_175 = arith.cmpi slt, %add3A_173, %lt3A_174 : i32
      %convert_element_type3A_176 = arith.extui %lt3A_175 : i1 to i32
      %cond3A_177 = arith.constant 0 : i32
      %cond3A_178 = arith.cmpi ne, %convert_element_type3A_176, %cond3A_177 : i32
      scf.if %cond3A_178 {
        %add3A_210 = arith.constant 1 : i32
        %add3A_211 = arith.addi %add3A_171, %add3A_210 : i32
        %add3A_212 = arith.addi %mul3A_2, %add3A_211 : i32
        %shift_right_logical3A_213 = arith.constant 2 : i32
        %shift_right_logical3A_214 = arith.shrui %add3A_212, %shift_right_logical3A_213 : i32
        %and3A_215 = arith.constant 3 : i32
        %and3A_216 = arith.andi %add3A_212, %and3A_215 : i32
        %shift_right_logical3A_217 = arith.constant 3 : i32
        %shift_right_logical3A_218 = arith.shrui %shift_right_logical3A_214, %shift_right_logical3A_217 : i32
        %mul3A_219 = arith.constant 32 : i32
        %mul3A_220 = arith.muli %and3A_216, %mul3A_219 : i32
        %and3A_221 = arith.constant 7 : i32
        %and3A_222 = arith.andi %shift_right_logical3A_214, %and3A_221 : i32
        %dma_start3A_223 = arith.constant 0 : i32
        %dma_start3A_224 = tpu.memref_slice %arg2[%shift_right_logical3A_218, %mul3A_220, %and3A_222, %dma_start3A_223] : memref<25x128x8x128xi32, #tpu.memory_space<hbm>> -> memref<1x32x1x128xi32, #tpu.memory_space<hbm>>
        %dma_start3A_225 = tpu.memref_squeeze %dma_start3A_224 : memref<1x32x1x128xi32, #tpu.memory_space<hbm>> -> memref<32x1x128xi32, #tpu.memory_space<hbm>>
        %dma_start3A_226 = arith.constant 0 : i32
        %dma_start3A_227 = tpu.memref_slice %arg2[%shift_right_logical3A_218, %mul3A_220, %and3A_222, %dma_start3A_226] : memref<25x128x8x128xi32, #tpu.memory_space<hbm>> -> memref<1x32x1x128xi32, #tpu.memory_space<hbm>>
        %dma_start3A_228 = tpu.memref_squeeze %dma_start3A_227 : memref<1x32x1x128xi32, #tpu.memory_space<hbm>> -> memref<32x1x128xi32, #tpu.memory_space<hbm>>
        tpu.enqueue_dma source(%dma_start3A_228 : memref<32x1x128xi32, #tpu.memory_space<hbm>>) target(%arg6 : memref<32x1x128xi32, #tpu.memory_space<vmem>>) target_semaphore(%arg10 : memref<!tpu.dma_semaphore, #tpu.memory_space<semaphore_mem>>)
      } else {
      }
      %dma_wait3A_179 = arith.constant 0 : i32
      %dma_wait3A_180 = arith.constant 0 : i32
      %dma_wait3A_181 = arith.constant 0 : i32
      %dma_wait3A_182 = arith.constant 0 : i32
      %dma_wait3A_183 = tpu.memref_slice %arg2[%dma_wait3A_179, %dma_wait3A_180, %dma_wait3A_181, %dma_wait3A_182] : memref<25x128x8x128xi32, #tpu.memory_space<hbm>> -> memref<1x32x1x128xi32, #tpu.memory_space<hbm>>
      %dma_wait3A_184 = tpu.memref_squeeze %dma_wait3A_183 : memref<1x32x1x128xi32, #tpu.memory_space<hbm>> -> memref<32x1x128xi32, #tpu.memory_space<hbm>>
      %dma_wait3A_185 = arith.constant 0 : i32
      %dma_wait3A_186 = arith.constant 0 : i32
      %dma_wait3A_187 = arith.constant 0 : i32
      %dma_wait3A_188 = tpu.memref_slice %arg2[%dma_wait3A_179, %dma_wait3A_185, %dma_wait3A_186, %dma_wait3A_187] : memref<25x128x8x128xi32, #tpu.memory_space<hbm>> -> memref<1x32x1x128xi32, #tpu.memory_space<hbm>>
      %dma_wait3A_189 = tpu.memref_squeeze %dma_wait3A_188 : memref<1x32x1x128xi32, #tpu.memory_space<hbm>> -> memref<32x1x128xi32, #tpu.memory_space<hbm>>
      tpu.wait_dma2 semaphore(%arg11 : memref<!tpu.dma_semaphore, #tpu.memory_space<semaphore_mem>>) src(%dma_wait3A_189 : memref<32x1x128xi32, #tpu.memory_space<hbm>>) dst(%arg7 : memref<32x1x128xi32, #tpu.memory_space<vmem>>)
      %ge3A_190 = arith.constant 2 : i32
      %ge3A_191 = arith.cmpi sge, %add3A_171, %ge3A_190 : i32
      %convert_element_type3A_192 = arith.extui %ge3A_191 : i1 to i32
      %cond3A_193 = arith.constant 0 : i32
      %cond3A_194 = arith.cmpi ne, %convert_element_type3A_192, %cond3A_193 : i32
      scf.if %cond3A_194 {
        %dma_wait3A_210 = arith.constant 0 : i32
        %dma_wait3A_211 = tpu.memref_slice %arg4[%dma_wait3A_210] : memref<13107200xf32, #tpu.memory_space<hbm>> -> memref<16384xf32, #tpu.memory_space<hbm>>
        %dma_wait3A_212 = arith.constant 0 : i32
        %dma_wait3A_213 = tpu.memref_slice %arg4[%dma_wait3A_212] : memref<13107200xf32, #tpu.memory_space<hbm>> -> memref<16384xf32, #tpu.memory_space<hbm>>
        tpu.wait_dma2 semaphore(%arg13 : memref<!tpu.dma_semaphore, #tpu.memory_space<semaphore_mem>>) src(%arg9 : memref<16384xf32, #tpu.memory_space<vmem>>) dst(%dma_wait3A_213 : memref<16384xf32, #tpu.memory_space<hbm>>)
      } else {
      }
      %parallel_loop3A_195 = arith.constant 0 : i32
      %parallel_loop3A_196 = arith.constant 32 : i32
      %parallel_loop3A_197 = arith.constant 1 : i32
      scf.for %parallel_loop3A_210 = %parallel_loop3A_195 to %parallel_loop3A_196 step %parallel_loop3A_197  : i32 {
        %parallel_loop3A_211 = arith.constant 512 : i32
        %parallel_loop3A_212 = arith.muli %parallel_loop3A_210, %parallel_loop3A_211 : i32
        %parallel_loop3A_213 = arith.constant 0 : i32
        %parallel_loop3A_214 = arith.index_cast %parallel_loop3A_210 : i32 to index
        %parallel_loop3A_215 = arith.index_cast %parallel_loop3A_213 : i32 to index
        %parallel_loop3A_216 = arith.constant 0 : index
        %parallel_loop3A_217 = tpu.vector_load %arg7[%parallel_loop3A_214, %parallel_loop3A_215, %parallel_loop3A_216] {strides = array<i32>} : memref<32x1x128xi32, #tpu.memory_space<vmem>>, vector<16xi32>,
        %parallel_loop3A_218 = arith.constant 0 : i32
        %parallel_loop3A_219 = vector.broadcast %parallel_loop3A_218 : i32 to vector<16xi32>
        %parallel_loop3A_220 = arith.cmpi slt, %parallel_loop3A_217, %parallel_loop3A_219 : vector<16xi32>
        %parallel_loop3A_221 = arith.constant 16 : i32
        %parallel_loop3A_222 = vector.broadcast %parallel_loop3A_221 : i32 to vector<16xi32>
        %parallel_loop3A_223 = arith.addi %parallel_loop3A_217, %parallel_loop3A_222 : vector<16xi32>
        %parallel_loop3A_224 = arith.select %parallel_loop3A_220, %parallel_loop3A_223, %parallel_loop3A_217 : vector<16xi1>, vector<16xi32>
        %parallel_loop3A_225 = vector.shape_cast %parallel_loop3A_224 : vector<16xi32> to vector<16x1xi32>
        %parallel_loop3A_226 = vector.shape_cast %parallel_loop3A_225 : vector<16x1xi32> to vector<16xi32>
        %parallel_loop3A_227 = tpu.dynamic_gather %mul3A_83[%parallel_loop3A_226] in [0] : vector<16xf32>, vector<16xi32> -> vector<16xf32>
        %parallel_loop3A_228 = arith.constant 0 : i32
        %parallel_loop3A_229 = arith.addi %parallel_loop3A_212, %parallel_loop3A_228 : i32
        %parallel_loop3A_230 = arith.constant 0 : i32
        %parallel_loop3A_231 = arith.addi %parallel_loop3A_229, %parallel_loop3A_230 : i32
        %parallel_loop3A_232 = arith.index_cast %parallel_loop3A_231 : i32 to index
        %parallel_loop3A_233 = tpu.vector_load %arg9[%parallel_loop3A_232] {strides = array<i32>} : memref<16384xf32, #tpu.memory_space<vmem>>, vector<16xf32>,
        tpu.vector_store %arg9[%parallel_loop3A_232], %parallel_loop3A_227 {strides = array<i32>} : memref<16384xf32, #tpu.memory_space<vmem>>, vector<16xf32>,
        %parallel_loop3A_234 = arith.constant 0 : i32
        %parallel_loop3A_235 = vector.broadcast %parallel_loop3A_234 : i32 to vector<16xi32>
        %parallel_loop3A_236 = arith.cmpi slt, %parallel_loop3A_217, %parallel_loop3A_235 : vector<16xi32>
        %parallel_loop3A_237 = arith.constant 16 : i32
        %parallel_loop3A_238 = vector.broadcast %parallel_loop3A_237 : i32 to vector<16xi32>
        %parallel_loop3A_239 = arith.addi %parallel_loop3A_217, %parallel_loop3A_238 : vector<16xi32>
        %parallel_loop3A_240 = arith.select %parallel_loop3A_236, %parallel_loop3A_239, %parallel_loop3A_217 : vector<16xi1>, vector<16xi32>
        %parallel_loop3A_241 = vector.shape_cast %parallel_loop3A_240 : vector<16xi32> to vector<16x1xi32>
        %parallel_loop3A_242 = vector.shape_cast %parallel_loop3A_241 : vector<16x1xi32> to vector<16xi32>
        %parallel_loop3A_243 = tpu.dynamic_gather %mul3A_84[%parallel_loop3A_242] in [0] : vector<16xf32>, vector<16xi32> -> vector<16xf32>
        %parallel_loop3A_244 = arith.constant 128 : i32
        %parallel_loop3A_245 = arith.addi %parallel_loop3A_212, %parallel_loop3A_244 : i32
        %parallel_loop3A_246 = arith.constant 0 : i32
        %parallel_loop3A_247 = arith.addi %parallel_loop3A_245, %parallel_loop3A_246 : i32
        %parallel_loop3A_248 = arith.index_cast %parallel_loop3A_247 : i32 to index
        %parallel_loop3A_249 = tpu.vector_load %arg9[%parallel_loop3A_248] {strides = array<i32>} : memref<16384xf32, #tpu.memory_space<vmem>>, vector<16xf32>,
        tpu.vector_store %arg9[%parallel_loop3A_248], %parallel_loop3A_243 {strides = array<i32>} : memref<16384xf32, #tpu.memory_space<vmem>>, vector<16xf32>,
        %parallel_loop3A_250 = arith.constant 0 : i32
        %parallel_loop3A_251 = vector.broadcast %parallel_loop3A_250 : i32 to vector<16xi32>
        %parallel_loop3A_252 = arith.cmpi slt, %parallel_loop3A_217, %parallel_loop3A_251 : vector<16xi32>
        %parallel_loop3A_253 = arith.constant 16 : i32
        %parallel_loop3A_254 = vector.broadcast %parallel_loop3A_253 : i32 to vector<16xi32>
        %parallel_loop3A_255 = arith.addi %parallel_loop3A_217, %parallel_loop3A_254 : vector<16xi32>
        %parallel_loop3A_256 = arith.select %parallel_loop3A_252, %parallel_loop3A_255, %parallel_loop3A_217 : vector<16xi1>, vector<16xi32>
        %parallel_loop3A_257 = vector.shape_cast %parallel_loop3A_256 : vector<16xi32> to vector<16x1xi32>
        %parallel_loop3A_258 = vector.shape_cast %parallel_loop3A_257 : vector<16x1xi32> to vector<16xi32>
        %parallel_loop3A_259 = tpu.dynamic_gather %mul3A_85[%parallel_loop3A_258] in [0] : vector<16xf32>, vector<16xi32> -> vector<16xf32>
        %parallel_loop3A_260 = arith.constant 256 : i32
        %parallel_loop3A_261 = arith.addi %parallel_loop3A_212, %parallel_loop3A_260 : i32
        %parallel_loop3A_262 = arith.constant 0 : i32
        %parallel_loop3A_263 = arith.addi %parallel_loop3A_261, %parallel_loop3A_262 : i32
        %parallel_loop3A_264 = arith.index_cast %parallel_loop3A_263 : i32 to index
        %parallel_loop3A_265 = tpu.vector_load %arg9[%parallel_loop3A_264] {strides = array<i32>} : memref<16384xf32, #tpu.memory_space<vmem>>, vector<16xf32>,
        tpu.vector_store %arg9[%parallel_loop3A_264], %parallel_loop3A_259 {strides = array<i32>} : memref<16384xf32, #tpu.memory_space<vmem>>, vector<16xf32>,
        %parallel_loop3A_266 = arith.constant 0 : i32
        %parallel_loop3A_267 = vector.broadcast %parallel_loop3A_266 : i32 to vector<16xi32>
        %parallel_loop3A_268 = arith.cmpi slt, %parallel_loop3A_217, %parallel_loop3A_267 : vector<16xi32>
        %parallel_loop3A_269 = arith.constant 16 : i32
        %parallel_loop3A_270 = vector.broadcast %parallel_loop3A_269 : i32 to vector<16xi32>
        %parallel_loop3A_271 = arith.addi %parallel_loop3A_217, %parallel_loop3A_270 : vector<16xi32>
        %parallel_loop3A_272 = arith.select %parallel_loop3A_268, %parallel_loop3A_271, %parallel_loop3A_217 : vector<16xi1>, vector<16xi32>
        %parallel_loop3A_273 = vector.shape_cast %parallel_loop3A_272 : vector<16xi32> to vector<16x1xi32>
        %parallel_loop3A_274 = vector.shape_cast %parallel_loop3A_273 : vector<16x1xi32> to vector<16xi32>
        %parallel_loop3A_275 = tpu.dynamic_gather %mul3A_86[%parallel_loop3A_274] in [0] : vector<16xf32>, vector<16xi32> -> vector<16xf32>
        %parallel_loop3A_276 = arith.constant 384 : i32
        %parallel_loop3A_277 = arith.addi %parallel_loop3A_212, %parallel_loop3A_276 : i32
        %parallel_loop3A_278 = arith.constant 0 : i32
        %parallel_loop3A_279 = arith.addi %parallel_loop3A_277, %parallel_loop3A_278 : i32
        %parallel_loop3A_280 = arith.index_cast %parallel_loop3A_279 : i32 to index
        %parallel_loop3A_281 = tpu.vector_load %arg9[%parallel_loop3A_280] {strides = array<i32>} : memref<16384xf32, #tpu.memory_space<vmem>>, vector<16xf32>,
        tpu.vector_store %arg9[%parallel_loop3A_280], %parallel_loop3A_275 {strides = array<i32>} : memref<16384xf32, #tpu.memory_space<vmem>>, vector<16xf32>,
        %parallel_loop3A_282 = arith.constant 0 : i32
        %parallel_loop3A_283 = arith.index_cast %parallel_loop3A_210 : i32 to index
        %parallel_loop3A_284 = arith.index_cast %parallel_loop3A_282 : i32 to index
        %parallel_loop3A_285 = arith.constant 16 : index
        %parallel_loop3A_286 = tpu.vector_load %arg7[%parallel_loop3A_283, %parallel_loop3A_284, %parallel_loop3A_285] {strides = array<i32>} : memref<32x1x128xi32, #tpu.memory_space<vmem>>, vector<16xi32>,
        %parallel_loop3A_287 = arith.constant 0 : i32
        %parallel_loop3A_288 = vector.broadcast %parallel_loop3A_287 : i32 to vector<16xi32>
        %parallel_loop3A_289 = arith.cmpi slt, %parallel_loop3A_286, %parallel_loop3A_288 : vector<16xi32>
        %parallel_loop3A_290 = arith.constant 16 : i32
        %parallel_loop3A_291 = vector.broadcast %parallel_loop3A_290 : i32 to vector<16xi32>
        %parallel_loop3A_292 = arith.addi %parallel_loop3A_286, %parallel_loop3A_291 : vector<16xi32>
        %parallel_loop3A_293 = arith.select %parallel_loop3A_289, %parallel_loop3A_292, %parallel_loop3A_286 : vector<16xi1>, vector<16xi32>
        %parallel_loop3A_294 = vector.shape_cast %parallel_loop3A_293 : vector<16xi32> to vector<16x1xi32>
        %parallel_loop3A_295 = vector.shape_cast %parallel_loop3A_294 : vector<16x1xi32> to vector<16xi32>
        %parallel_loop3A_296 = tpu.dynamic_gather %mul3A_83[%parallel_loop3A_295] in [0] : vector<16xf32>, vector<16xi32> -> vector<16xf32>
        %parallel_loop3A_297 = arith.constant 0 : i32
        %parallel_loop3A_298 = arith.addi %parallel_loop3A_212, %parallel_loop3A_297 : i32
        %parallel_loop3A_299 = arith.constant 16 : i32
        %parallel_loop3A_300 = arith.addi %parallel_loop3A_298, %parallel_loop3A_299 : i32
        %parallel_loop3A_301 = arith.index_cast %parallel_loop3A_300 : i32 to index
        %parallel_loop3A_302 = tpu.vector_load %arg9[%parallel_loop3A_301] {strides = array<i32>} : memref<16384xf32, #tpu.memory_space<vmem>>, vector<16xf32>,
        tpu.vector_store %arg9[%parallel_loop3A_301], %parallel_loop3A_296 {strides = array<i32>} : memref<16384xf32, #tpu.memory_space<vmem>>, vector<16xf32>,
        %parallel_loop3A_303 = arith.constant 0 : i32
        %parallel_loop3A_304 = vector.broadcast %parallel_loop3A_303 : i32 to vector<16xi32>
        %parallel_loop3A_305 = arith.cmpi slt, %parallel_loop3A_286, %parallel_loop3A_304 : vector<16xi32>
        %parallel_loop3A_306 = arith.constant 16 : i32
        %parallel_loop3A_307 = vector.broadcast %parallel_loop3A_306 : i32 to vector<16xi32>
        %parallel_loop3A_308 = arith.addi %parallel_loop3A_286, %parallel_loop3A_307 : vector<16xi32>
        %parallel_loop3A_309 = arith.select %parallel_loop3A_305, %parallel_loop3A_308, %parallel_loop3A_286 : vector<16xi1>, vector<16xi32>
        %parallel_loop3A_310 = vector.shape_cast %parallel_loop3A_309 : vector<16xi32> to vector<16x1xi32>
        %parallel_loop3A_311 = vector.shape_cast %parallel_loop3A_310 : vector<16x1xi32> to vector<16xi32>
        %parallel_loop3A_312 = tpu.dynamic_gather %mul3A_84[%parallel_loop3A_311] in [0] : vector<16xf32>, vector<16xi32> -> vector<16xf32>
        %parallel_loop3A_313 = arith.constant 128 : i32
        %parallel_loop3A_314 = arith.addi %parallel_loop3A_212, %parallel_loop3A_313 : i32
        %parallel_loop3A_315 = arith.constant 16 : i32
        %parallel_loop3A_316 = arith.addi %parallel_loop3A_314, %parallel_loop3A_315 : i32
        %parallel_loop3A_317 = arith.index_cast %parallel_loop3A_316 : i32 to index
        %parallel_loop3A_318 = tpu.vector_load %arg9[%parallel_loop3A_317] {strides = array<i32>} : memref<16384xf32, #tpu.memory_space<vmem>>, vector<16xf32>,
        tpu.vector_store %arg9[%parallel_loop3A_317], %parallel_loop3A_312 {strides = array<i32>} : memref<16384xf32, #tpu.memory_space<vmem>>, vector<16xf32>,
        %parallel_loop3A_319 = arith.constant 0 : i32
        %parallel_loop3A_320 = vector.broadcast %parallel_loop3A_319 : i32 to vector<16xi32>
        %parallel_loop3A_321 = arith.cmpi slt, %parallel_loop3A_286, %parallel_loop3A_320 : vector<16xi32>
        %parallel_loop3A_322 = arith.constant 16 : i32
        %parallel_loop3A_323 = vector.broadcast %parallel_loop3A_322 : i32 to vector<16xi32>
        %parallel_loop3A_324 = arith.addi %parallel_loop3A_286, %parallel_loop3A_323 : vector<16xi32>
        %parallel_loop3A_325 = arith.select %parallel_loop3A_321, %parallel_loop3A_324, %parallel_loop3A_286 : vector<16xi1>, vector<16xi32>
        %parallel_loop3A_326 = vector.shape_cast %parallel_loop3A_325 : vector<16xi32> to vector<16x1xi32>
        %parallel_loop3A_327 = vector.shape_cast %parallel_loop3A_326 : vector<16x1xi32> to vector<16xi32>
        %parallel_loop3A_328 = tpu.dynamic_gather %mul3A_85[%parallel_loop3A_327] in [0] : vector<16xf32>, vector<16xi32> -> vector<16xf32>
        %parallel_loop3A_329 = arith.constant 256 : i32
        %parallel_loop3A_330 = arith.addi %parallel_loop3A_212, %parallel_loop3A_329 : i32
        %parallel_loop3A_331 = arith.constant 16 : i32
        %parallel_loop3A_332 = arith.addi %parallel_loop3A_330, %parallel_loop3A_331 : i32
        %parallel_loop3A_333 = arith.index_cast %parallel_loop3A_332 : i32 to index
        %parallel_loop3A_334 = tpu.vector_load %arg9[%parallel_loop3A_333] {strides = array<i32>} : memref<16384xf32, #tpu.memory_space<vmem>>, vector<16xf32>,
        tpu.vector_store %arg9[%parallel_loop3A_333], %parallel_loop3A_328 {strides = array<i32>} : memref<16384xf32, #tpu.memory_space<vmem>>, vector<16xf32>,
        %parallel_loop3A_335 = arith.constant 0 : i32
        %parallel_loop3A_336 = vector.broadcast %parallel_loop3A_335 : i32 to vector<16xi32>
        %parallel_loop3A_337 = arith.cmpi slt, %parallel_loop3A_286, %parallel_loop3A_336 : vector<16xi32>
        %parallel_loop3A_338 = arith.constant 16 : i32
        %parallel_loop3A_339 = vector.broadcast %parallel_loop3A_338 : i32 to vector<16xi32>
        %parallel_loop3A_340 = arith.addi %parallel_loop3A_286, %parallel_loop3A_339 : vector<16xi32>
        %parallel_loop3A_341 = arith.select %parallel_loop3A_337, %parallel_loop3A_340, %parallel_loop3A_286 : vector<16xi1>, vector<16xi32>
        %parallel_loop3A_342 = vector.shape_cast %parallel_loop3A_341 : vector<16xi32> to vector<16x1xi32>
        %parallel_loop3A_343 = vector.shape_cast %parallel_loop3A_342 : vector<16x1xi32> to vector<16xi32>
        %parallel_loop3A_344 = tpu.dynamic_gather %mul3A_86[%parallel_loop3A_343] in [0] : vector<16xf32>, vector<16xi32> -> vector<16xf32>
        %parallel_loop3A_345 = arith.constant 384 : i32
        %parallel_loop3A_346 = arith.addi %parallel_loop3A_212, %parallel_loop3A_345 : i32
        %parallel_loop3A_347 = arith.constant 16 : i32
        %parallel_loop3A_348 = arith.addi %parallel_loop3A_346, %parallel_loop3A_347 : i32
        %parallel_loop3A_349 = arith.index_cast %parallel_loop3A_348 : i32 to index
        %parallel_loop3A_350 = tpu.vector_load %arg9[%parallel_loop3A_349] {strides = array<i32>} : memref<16384xf32, #tpu.memory_space<vmem>>, vector<16xf32>,
        tpu.vector_store %arg9[%parallel_loop3A_349], %parallel_loop3A_344 {strides = array<i32>} : memref<16384xf32, #tpu.memory_space<vmem>>, vector<16xf32>,
        %parallel_loop3A_351 = arith.constant 0 : i32
        %parallel_loop3A_352 = arith.index_cast %parallel_loop3A_210 : i32 to index
        %parallel_loop3A_353 = arith.index_cast %parallel_loop3A_351 : i32 to index
        %parallel_loop3A_354 = arith.constant 32 : index
        %parallel_loop3A_355 = tpu.vector_load %arg7[%parallel_loop3A_352, %parallel_loop3A_353, %parallel_loop3A_354] {strides = array<i32>} : memref<32x1x128xi32, #tpu.memory_space<vmem>>, vector<16xi32>,
        %parallel_loop3A_356 = arith.constant 0 : i32
        %parallel_loop3A_357 = vector.broadcast %parallel_loop3A_356 : i32 to vector<16xi32>
        %parallel_loop3A_358 = arith.cmpi slt, %parallel_loop3A_355, %parallel_loop3A_357 : vector<16xi32>
        %parallel_loop3A_359 = arith.constant 16 : i32
        %parallel_loop3A_360 = vector.broadcast %parallel_loop3A_359 : i32 to vector<16xi32>
        %parallel_loop3A_361 = arith.addi %parallel_loop3A_355, %parallel_loop3A_360 : vector<16xi32>
        %parallel_loop3A_362 = arith.select %parallel_loop3A_358, %parallel_loop3A_361, %parallel_loop3A_355 : vector<16xi1>, vector<16xi32>
        %parallel_loop3A_363 = vector.shape_cast %parallel_loop3A_362 : vector<16xi32> to vector<16x1xi32>
        %parallel_loop3A_364 = vector.shape_cast %parallel_loop3A_363 : vector<16x1xi32> to vector<16xi32>
        %parallel_loop3A_365 = tpu.dynamic_gather %mul3A_83[%parallel_loop3A_364] in [0] : vector<16xf32>, vector<16xi32> -> vector<16xf32>
        %parallel_loop3A_366 = arith.constant 0 : i32
        %parallel_loop3A_367 = arith.addi %parallel_loop3A_212, %parallel_loop3A_366 : i32
        %parallel_loop3A_368 = arith.constant 32 : i32
        %parallel_loop3A_369 = arith.addi %parallel_loop3A_367, %parallel_loop3A_368 : i32
        %parallel_loop3A_370 = arith.index_cast %parallel_loop3A_369 : i32 to index
        %parallel_loop3A_371 = tpu.vector_load %arg9[%parallel_loop3A_370] {strides = array<i32>} : memref<16384xf32, #tpu.memory_space<vmem>>, vector<16xf32>,
        tpu.vector_store %arg9[%parallel_loop3A_370], %parallel_loop3A_365 {strides = array<i32>} : memref<16384xf32, #tpu.memory_space<vmem>>, vector<16xf32>,
        %parallel_loop3A_372 = arith.constant 0 : i32
        %parallel_loop3A_373 = vector.broadcast %parallel_loop3A_372 : i32 to vector<16xi32>
        %parallel_loop3A_374 = arith.cmpi slt, %parallel_loop3A_355, %parallel_loop3A_373 : vector<16xi32>
        %parallel_loop3A_375 = arith.constant 16 : i32
        %parallel_loop3A_376 = vector.broadcast %parallel_loop3A_375 : i32 to vector<16xi32>
        %parallel_loop3A_377 = arith.addi %parallel_loop3A_355, %parallel_loop3A_376 : vector<16xi32>
        %parallel_loop3A_378 = arith.select %parallel_loop3A_374, %parallel_loop3A_377, %parallel_loop3A_355 : vector<16xi1>, vector<16xi32>
        %parallel_loop3A_379 = vector.shape_cast %parallel_loop3A_378 : vector<16xi32> to vector<16x1xi32>
        %parallel_loop3A_380 = vector.shape_cast %parallel_loop3A_379 : vector<16x1xi32> to vector<16xi32>
        %parallel_loop3A_381 = tpu.dynamic_gather %mul3A_84[%parallel_loop3A_380] in [0] : vector<16xf32>, vector<16xi32> -> vector<16xf32>
        %parallel_loop3A_382 = arith.constant 128 : i32
        %parallel_loop3A_383 = arith.addi %parallel_loop3A_212, %parallel_loop3A_382 : i32
        %parallel_loop3A_384 = arith.constant 32 : i32
        %parallel_loop3A_385 = arith.addi %parallel_loop3A_383, %parallel_loop3A_384 : i32
        %parallel_loop3A_386 = arith.index_cast %parallel_loop3A_385 : i32 to index
        %parallel_loop3A_387 = tpu.vector_load %arg9[%parallel_loop3A_386] {strides = array<i32>} : memref<16384xf32, #tpu.memory_space<vmem>>, vector<16xf32>,
        tpu.vector_store %arg9[%parallel_loop3A_386], %parallel_loop3A_381 {strides = array<i32>} : memref<16384xf32, #tpu.memory_space<vmem>>, vector<16xf32>,
        %parallel_loop3A_388 = arith.constant 0 : i32
        %parallel_loop3A_389 = vector.broadcast %parallel_loop3A_388 : i32 to vector<16xi32>
        %parallel_loop3A_390 = arith.cmpi slt, %parallel_loop3A_355, %parallel_loop3A_389 : vector<16xi32>
        %parallel_loop3A_391 = arith.constant 16 : i32
        %parallel_loop3A_392 = vector.broadcast %parallel_loop3A_391 : i32 to vector<16xi32>
        %parallel_loop3A_393 = arith.addi %parallel_loop3A_355, %parallel_loop3A_392 : vector<16xi32>
        %parallel_loop3A_394 = arith.select %parallel_loop3A_390, %parallel_loop3A_393, %parallel_loop3A_355 : vector<16xi1>, vector<16xi32>
        %parallel_loop3A_395 = vector.shape_cast %parallel_loop3A_394 : vector<16xi32> to vector<16x1xi32>
        %parallel_loop3A_396 = vector.shape_cast %parallel_loop3A_395 : vector<16x1xi32> to vector<16xi32>
        %parallel_loop3A_397 = tpu.dynamic_gather %mul3A_85[%parallel_loop3A_396] in [0] : vector<16xf32>, vector<16xi32> -> vector<16xf32>
        %parallel_loop3A_398 = arith.constant 256 : i32
        %parallel_loop3A_399 = arith.addi %parallel_loop3A_212, %parallel_loop3A_398 : i32
        %parallel_loop3A_400 = arith.constant 32 : i32
        %parallel_loop3A_401 = arith.addi %parallel_loop3A_399, %parallel_loop3A_400 : i32
        %parallel_loop3A_402 = arith.index_cast %parallel_loop3A_401 : i32 to index
        %parallel_loop3A_403 = tpu.vector_load %arg9[%parallel_loop3A_402] {strides = array<i32>} : memref<16384xf32, #tpu.memory_space<vmem>>, vector<16xf32>,
        tpu.vector_store %arg9[%parallel_loop3A_402], %parallel_loop3A_397 {strides = array<i32>} : memref<16384xf32, #tpu.memory_space<vmem>>, vector<16xf32>,
        %parallel_loop3A_404 = arith.constant 0 : i32
        %parallel_loop3A_405 = vector.broadcast %parallel_loop3A_404 : i32 to vector<16xi32>
        %parallel_loop3A_406 = arith.cmpi slt, %parallel_loop3A_355, %parallel_loop3A_405 : vector<16xi32>
        %parallel_loop3A_407 = arith.constant 16 : i32
        %parallel_loop3A_408 = vector.broadcast %parallel_loop3A_407 : i32 to vector<16xi32>
        %parallel_loop3A_409 = arith.addi %parallel_loop3A_355, %parallel_loop3A_408 : vector<16xi32>
        %parallel_loop3A_410 = arith.select %parallel_loop3A_406, %parallel_loop3A_409, %parallel_loop3A_355 : vector<16xi1>, vector<16xi32>
        %parallel_loop3A_411 = vector.shape_cast %parallel_loop3A_410 : vector<16xi32> to vector<16x1xi32>
        %parallel_loop3A_412 = vector.shape_cast %parallel_loop3A_411 : vector<16x1xi32> to vector<16xi32>
        %parallel_loop3A_413 = tpu.dynamic_gather %mul3A_86[%parallel_loop3A_412] in [0] : vector<16xf32>, vector<16xi32> -> vector<16xf32>
        %parallel_loop3A_414 = arith.constant 384 : i32
        %parallel_loop3A_415 = arith.addi %parallel_loop3A_212, %parallel_loop3A_414 : i32
        %parallel_loop3A_416 = arith.constant 32 : i32
        %parallel_loop3A_417 = arith.addi %parallel_loop3A_415, %parallel_loop3A_416 : i32
        %parallel_loop3A_418 = arith.index_cast %parallel_loop3A_417 : i32 to index
        %parallel_loop3A_419 = tpu.vector_load %arg9[%parallel_loop3A_418] {strides = array<i32>} : memref<16384xf32, #tpu.memory_space<vmem>>, vector<16xf32>,
        tpu.vector_store %arg9[%parallel_loop3A_418], %parallel_loop3A_413 {strides = array<i32>} : memref<16384xf32, #tpu.memory_space<vmem>>, vector<16xf32>,
        %parallel_loop3A_420 = arith.constant 0 : i32
        %parallel_loop3A_421 = arith.index_cast %parallel_loop3A_210 : i32 to index
        %parallel_loop3A_422 = arith.index_cast %parallel_loop3A_420 : i32 to index
        %parallel_loop3A_423 = arith.constant 48 : index
        %parallel_loop3A_424 = tpu.vector_load %arg7[%parallel_loop3A_421, %parallel_loop3A_422, %parallel_loop3A_423] {strides = array<i32>} : memref<32x1x128xi32, #tpu.memory_space<vmem>>, vector<16xi32>,
        %parallel_loop3A_425 = arith.constant 0 : i32
        %parallel_loop3A_426 = vector.broadcast %parallel_loop3A_425 : i32 to vector<16xi32>
        %parallel_loop3A_427 = arith.cmpi slt, %parallel_loop3A_424, %parallel_loop3A_426 : vector<16xi32>
        %parallel_loop3A_428 = arith.constant 16 : i32
        %parallel_loop3A_429 = vector.broadcast %parallel_loop3A_428 : i32 to vector<16xi32>
        %parallel_loop3A_430 = arith.addi %parallel_loop3A_424, %parallel_loop3A_429 : vector<16xi32>
        %parallel_loop3A_431 = arith.select %parallel_loop3A_427, %parallel_loop3A_430, %parallel_loop3A_424 : vector<16xi1>, vector<16xi32>
        %parallel_loop3A_432 = vector.shape_cast %parallel_loop3A_431 : vector<16xi32> to vector<16x1xi32>
        %parallel_loop3A_433 = vector.shape_cast %parallel_loop3A_432 : vector<16x1xi32> to vector<16xi32>
        %parallel_loop3A_434 = tpu.dynamic_gather %mul3A_83[%parallel_loop3A_433] in [0] : vector<16xf32>, vector<16xi32> -> vector<16xf32>
        %parallel_loop3A_435 = arith.constant 0 : i32
        %parallel_loop3A_436 = arith.addi %parallel_loop3A_212, %parallel_loop3A_435 : i32
        %parallel_loop3A_437 = arith.constant 48 : i32
        %parallel_loop3A_438 = arith.addi %parallel_loop3A_436, %parallel_loop3A_437 : i32
        %parallel_loop3A_439 = arith.index_cast %parallel_loop3A_438 : i32 to index
        %parallel_loop3A_440 = tpu.vector_load %arg9[%parallel_loop3A_439] {strides = array<i32>} : memref<16384xf32, #tpu.memory_space<vmem>>, vector<16xf32>,
        tpu.vector_store %arg9[%parallel_loop3A_439], %parallel_loop3A_434 {strides = array<i32>} : memref<16384xf32, #tpu.memory_space<vmem>>, vector<16xf32>,
        %parallel_loop3A_441 = arith.constant 0 : i32
        %parallel_loop3A_442 = vector.broadcast %parallel_loop3A_441 : i32 to vector<16xi32>
        %parallel_loop3A_443 = arith.cmpi slt, %parallel_loop3A_424, %parallel_loop3A_442 : vector<16xi32>
        %parallel_loop3A_444 = arith.constant 16 : i32
        %parallel_loop3A_445 = vector.broadcast %parallel_loop3A_444 : i32 to vector<16xi32>
        %parallel_loop3A_446 = arith.addi %parallel_loop3A_424, %parallel_loop3A_445 : vector<16xi32>
        %parallel_loop3A_447 = arith.select %parallel_loop3A_443, %parallel_loop3A_446, %parallel_loop3A_424 : vector<16xi1>, vector<16xi32>
        %parallel_loop3A_448 = vector.shape_cast %parallel_loop3A_447 : vector<16xi32> to vector<16x1xi32>
        %parallel_loop3A_449 = vector.shape_cast %parallel_loop3A_448 : vector<16x1xi32> to vector<16xi32>
        %parallel_loop3A_450 = tpu.dynamic_gather %mul3A_84[%parallel_loop3A_449] in [0] : vector<16xf32>, vector<16xi32> -> vector<16xf32>
        %parallel_loop3A_451 = arith.constant 128 : i32
        %parallel_loop3A_452 = arith.addi %parallel_loop3A_212, %parallel_loop3A_451 : i32
        %parallel_loop3A_453 = arith.constant 48 : i32
        %parallel_loop3A_454 = arith.addi %parallel_loop3A_452, %parallel_loop3A_453 : i32
        %parallel_loop3A_455 = arith.index_cast %parallel_loop3A_454 : i32 to index
        %parallel_loop3A_456 = tpu.vector_load %arg9[%parallel_loop3A_455] {strides = array<i32>} : memref<16384xf32, #tpu.memory_space<vmem>>, vector<16xf32>,
        tpu.vector_store %arg9[%parallel_loop3A_455], %parallel_loop3A_450 {strides = array<i32>} : memref<16384xf32, #tpu.memory_space<vmem>>, vector<16xf32>,
        %parallel_loop3A_457 = arith.constant 0 : i32
        %parallel_loop3A_458 = vector.broadcast %parallel_loop3A_457 : i32 to vector<16xi32>
        %parallel_loop3A_459 = arith.cmpi slt, %parallel_loop3A_424, %parallel_loop3A_458 : vector<16xi32>
        %parallel_loop3A_460 = arith.constant 16 : i32
        %parallel_loop3A_461 = vector.broadcast %parallel_loop3A_460 : i32 to vector<16xi32>
        %parallel_loop3A_462 = arith.addi %parallel_loop3A_424, %parallel_loop3A_461 : vector<16xi32>
        %parallel_loop3A_463 = arith.select %parallel_loop3A_459, %parallel_loop3A_462, %parallel_loop3A_424 : vector<16xi1>, vector<16xi32>
        %parallel_loop3A_464 = vector.shape_cast %parallel_loop3A_463 : vector<16xi32> to vector<16x1xi32>
        %parallel_loop3A_465 = vector.shape_cast %parallel_loop3A_464 : vector<16x1xi32> to vector<16xi32>
        %parallel_loop3A_466 = tpu.dynamic_gather %mul3A_85[%parallel_loop3A_465] in [0] : vector<16xf32>, vector<16xi32> -> vector<16xf32>
        %parallel_loop3A_467 = arith.constant 256 : i32
        %parallel_loop3A_468 = arith.addi %parallel_loop3A_212, %parallel_loop3A_467 : i32
        %parallel_loop3A_469 = arith.constant 48 : i32
        %parallel_loop3A_470 = arith.addi %parallel_loop3A_468, %parallel_loop3A_469 : i32
        %parallel_loop3A_471 = arith.index_cast %parallel_loop3A_470 : i32 to index
        %parallel_loop3A_472 = tpu.vector_load %arg9[%parallel_loop3A_471] {strides = array<i32>} : memref<16384xf32, #tpu.memory_space<vmem>>, vector<16xf32>,
        tpu.vector_store %arg9[%parallel_loop3A_471], %parallel_loop3A_466 {strides = array<i32>} : memref<16384xf32, #tpu.memory_space<vmem>>, vector<16xf32>,
        %parallel_loop3A_473 = arith.constant 0 : i32
        %parallel_loop3A_474 = vector.broadcast %parallel_loop3A_473 : i32 to vector<16xi32>
        %parallel_loop3A_475 = arith.cmpi slt, %parallel_loop3A_424, %parallel_loop3A_474 : vector<16xi32>
        %parallel_loop3A_476 = arith.constant 16 : i32
        %parallel_loop3A_477 = vector.broadcast %parallel_loop3A_476 : i32 to vector<16xi32>
        %parallel_loop3A_478 = arith.addi %parallel_loop3A_424, %parallel_loop3A_477 : vector<16xi32>
        %parallel_loop3A_479 = arith.select %parallel_loop3A_475, %parallel_loop3A_478, %parallel_loop3A_424 : vector<16xi1>, vector<16xi32>
        %parallel_loop3A_480 = vector.shape_cast %parallel_loop3A_479 : vector<16xi32> to vector<16x1xi32>
        %parallel_loop3A_481 = vector.shape_cast %parallel_loop3A_480 : vector<16x1xi32> to vector<16xi32>
        %parallel_loop3A_482 = tpu.dynamic_gather %mul3A_86[%parallel_loop3A_481] in [0] : vector<16xf32>, vector<16xi32> -> vector<16xf32>
        %parallel_loop3A_483 = arith.constant 384 : i32
        %parallel_loop3A_484 = arith.addi %parallel_loop3A_212, %parallel_loop3A_483 : i32
        %parallel_loop3A_485 = arith.constant 48 : i32
        %parallel_loop3A_486 = arith.addi %parallel_loop3A_484, %parallel_loop3A_485 : i32
        %parallel_loop3A_487 = arith.index_cast %parallel_loop3A_486 : i32 to index
        %parallel_loop3A_488 = tpu.vector_load %arg9[%parallel_loop3A_487] {strides = array<i32>} : memref<16384xf32, #tpu.memory_space<vmem>>, vector<16xf32>,
        tpu.vector_store %arg9[%parallel_loop3A_487], %parallel_loop3A_482 {strides = array<i32>} : memref<16384xf32, #tpu.memory_space<vmem>>, vector<16xf32>,
        %parallel_loop3A_489 = arith.constant 0 : i32
        %parallel_loop3A_490 = arith.index_cast %parallel_loop3A_210 : i32 to index
        %parallel_loop3A_491 = arith.index_cast %parallel_loop3A_489 : i32 to index
        %parallel_loop3A_492 = arith.constant 64 : index
        %parallel_loop3A_493 = tpu.vector_load %arg7[%parallel_loop3A_490, %parallel_loop3A_491, %parallel_loop3A_492] {strides = array<i32>} : memref<32x1x128xi32, #tpu.memory_space<vmem>>, vector<16xi32>,
        %parallel_loop3A_494 = arith.constant 0 : i32
        %parallel_loop3A_495 = vector.broadcast %parallel_loop3A_494 : i32 to vector<16xi32>
        %parallel_loop3A_496 = arith.cmpi slt, %parallel_loop3A_493, %parallel_loop3A_495 : vector<16xi32>
        %parallel_loop3A_497 = arith.constant 16 : i32
        %parallel_loop3A_498 = vector.broadcast %parallel_loop3A_497 : i32 to vector<16xi32>
        %parallel_loop3A_499 = arith.addi %parallel_loop3A_493, %parallel_loop3A_498 : vector<16xi32>
        %parallel_loop3A_500 = arith.select %parallel_loop3A_496, %parallel_loop3A_499, %parallel_loop3A_493 : vector<16xi1>, vector<16xi32>
        %parallel_loop3A_501 = vector.shape_cast %parallel_loop3A_500 : vector<16xi32> to vector<16x1xi32>
        %parallel_loop3A_502 = vector.shape_cast %parallel_loop3A_501 : vector<16x1xi32> to vector<16xi32>
        %parallel_loop3A_503 = tpu.dynamic_gather %mul3A_83[%parallel_loop3A_502] in [0] : vector<16xf32>, vector<16xi32> -> vector<16xf32>
        %parallel_loop3A_504 = arith.constant 0 : i32
        %parallel_loop3A_505 = arith.addi %parallel_loop3A_212, %parallel_loop3A_504 : i32
        %parallel_loop3A_506 = arith.constant 64 : i32
        %parallel_loop3A_507 = arith.addi %parallel_loop3A_505, %parallel_loop3A_506 : i32
        %parallel_loop3A_508 = arith.index_cast %parallel_loop3A_507 : i32 to index
        %parallel_loop3A_509 = tpu.vector_load %arg9[%parallel_loop3A_508] {strides = array<i32>} : memref<16384xf32, #tpu.memory_space<vmem>>, vector<16xf32>,
        tpu.vector_store %arg9[%parallel_loop3A_508], %parallel_loop3A_503 {strides = array<i32>} : memref<16384xf32, #tpu.memory_space<vmem>>, vector<16xf32>,
        %parallel_loop3A_510 = arith.constant 0 : i32
        %parallel_loop3A_511 = vector.broadcast %parallel_loop3A_510 : i32 to vector<16xi32>
        %parallel_loop3A_512 = arith.cmpi slt, %parallel_loop3A_493, %parallel_loop3A_511 : vector<16xi32>
        %parallel_loop3A_513 = arith.constant 16 : i32
        %parallel_loop3A_514 = vector.broadcast %parallel_loop3A_513 : i32 to vector<16xi32>
        %parallel_loop3A_515 = arith.addi %parallel_loop3A_493, %parallel_loop3A_514 : vector<16xi32>
        %parallel_loop3A_516 = arith.select %parallel_loop3A_512, %parallel_loop3A_515, %parallel_loop3A_493 : vector<16xi1>, vector<16xi32>
        %parallel_loop3A_517 = vector.shape_cast %parallel_loop3A_516 : vector<16xi32> to vector<16x1xi32>
        %parallel_loop3A_518 = vector.shape_cast %parallel_loop3A_517 : vector<16x1xi32> to vector<16xi32>
        %parallel_loop3A_519 = tpu.dynamic_gather %mul3A_84[%parallel_loop3A_518] in [0] : vector<16xf32>, vector<16xi32> -> vector<16xf32>
        %parallel_loop3A_520 = arith.constant 128 : i32
        %parallel_loop3A_521 = arith.addi %parallel_loop3A_212, %parallel_loop3A_520 : i32
        %parallel_loop3A_522 = arith.constant 64 : i32
        %parallel_loop3A_523 = arith.addi %parallel_loop3A_521, %parallel_loop3A_522 : i32
        %parallel_loop3A_524 = arith.index_cast %parallel_loop3A_523 : i32 to index
        %parallel_loop3A_525 = tpu.vector_load %arg9[%parallel_loop3A_524] {strides = array<i32>} : memref<16384xf32, #tpu.memory_space<vmem>>, vector<16xf32>,
        tpu.vector_store %arg9[%parallel_loop3A_524], %parallel_loop3A_519 {strides = array<i32>} : memref<16384xf32, #tpu.memory_space<vmem>>, vector<16xf32>,
        %parallel_loop3A_526 = arith.constant 0 : i32
        %parallel_loop3A_527 = vector.broadcast %parallel_loop3A_526 : i32 to vector<16xi32>
        %parallel_loop3A_528 = arith.cmpi slt, %parallel_loop3A_493, %parallel_loop3A_527 : vector<16xi32>
        %parallel_loop3A_529 = arith.constant 16 : i32
        %parallel_loop3A_530 = vector.broadcast %parallel_loop3A_529 : i32 to vector<16xi32>
        %parallel_loop3A_531 = arith.addi %parallel_loop3A_493, %parallel_loop3A_530 : vector<16xi32>
        %parallel_loop3A_532 = arith.select %parallel_loop3A_528, %parallel_loop3A_531, %parallel_loop3A_493 : vector<16xi1>, vector<16xi32>
        %parallel_loop3A_533 = vector.shape_cast %parallel_loop3A_532 : vector<16xi32> to vector<16x1xi32>
        %parallel_loop3A_534 = vector.shape_cast %parallel_loop3A_533 : vector<16x1xi32> to vector<16xi32>
        %parallel_loop3A_535 = tpu.dynamic_gather %mul3A_85[%parallel_loop3A_534] in [0] : vector<16xf32>, vector<16xi32> -> vector<16xf32>
        %parallel_loop3A_536 = arith.constant 256 : i32
        %parallel_loop3A_537 = arith.addi %parallel_loop3A_212, %parallel_loop3A_536 : i32
        %parallel_loop3A_538 = arith.constant 64 : i32
        %parallel_loop3A_539 = arith.addi %parallel_loop3A_537, %parallel_loop3A_538 : i32
        %parallel_loop3A_540 = arith.index_cast %parallel_loop3A_539 : i32 to index
        %parallel_loop3A_541 = tpu.vector_load %arg9[%parallel_loop3A_540] {strides = array<i32>} : memref<16384xf32, #tpu.memory_space<vmem>>, vector<16xf32>,
        tpu.vector_store %arg9[%parallel_loop3A_540], %parallel_loop3A_535 {strides = array<i32>} : memref<16384xf32, #tpu.memory_space<vmem>>, vector<16xf32>,
        %parallel_loop3A_542 = arith.constant 0 : i32
        %parallel_loop3A_543 = vector.broadcast %parallel_loop3A_542 : i32 to vector<16xi32>
        %parallel_loop3A_544 = arith.cmpi slt, %parallel_loop3A_493, %parallel_loop3A_543 : vector<16xi32>
        %parallel_loop3A_545 = arith.constant 16 : i32
        %parallel_loop3A_546 = vector.broadcast %parallel_loop3A_545 : i32 to vector<16xi32>
        %parallel_loop3A_547 = arith.addi %parallel_loop3A_493, %parallel_loop3A_546 : vector<16xi32>
        %parallel_loop3A_548 = arith.select %parallel_loop3A_544, %parallel_loop3A_547, %parallel_loop3A_493 : vector<16xi1>, vector<16xi32>
        %parallel_loop3A_549 = vector.shape_cast %parallel_loop3A_548 : vector<16xi32> to vector<16x1xi32>
        %parallel_loop3A_550 = vector.shape_cast %parallel_loop3A_549 : vector<16x1xi32> to vector<16xi32>
        %parallel_loop3A_551 = tpu.dynamic_gather %mul3A_86[%parallel_loop3A_550] in [0] : vector<16xf32>, vector<16xi32> -> vector<16xf32>
        %parallel_loop3A_552 = arith.constant 384 : i32
        %parallel_loop3A_553 = arith.addi %parallel_loop3A_212, %parallel_loop3A_552 : i32
        %parallel_loop3A_554 = arith.constant 64 : i32
        %parallel_loop3A_555 = arith.addi %parallel_loop3A_553, %parallel_loop3A_554 : i32
        %parallel_loop3A_556 = arith.index_cast %parallel_loop3A_555 : i32 to index
        %parallel_loop3A_557 = tpu.vector_load %arg9[%parallel_loop3A_556] {strides = array<i32>} : memref<16384xf32, #tpu.memory_space<vmem>>, vector<16xf32>,
        tpu.vector_store %arg9[%parallel_loop3A_556], %parallel_loop3A_551 {strides = array<i32>} : memref<16384xf32, #tpu.memory_space<vmem>>, vector<16xf32>,
        %parallel_loop3A_558 = arith.constant 0 : i32
        %parallel_loop3A_559 = arith.index_cast %parallel_loop3A_210 : i32 to index
        %parallel_loop3A_560 = arith.index_cast %parallel_loop3A_558 : i32 to index
        %parallel_loop3A_561 = arith.constant 80 : index
        %parallel_loop3A_562 = tpu.vector_load %arg7[%parallel_loop3A_559, %parallel_loop3A_560, %parallel_loop3A_561] {strides = array<i32>} : memref<32x1x128xi32, #tpu.memory_space<vmem>>, vector<16xi32>,
        %parallel_loop3A_563 = arith.constant 0 : i32
        %parallel_loop3A_564 = vector.broadcast %parallel_loop3A_563 : i32 to vector<16xi32>
        %parallel_loop3A_565 = arith.cmpi slt, %parallel_loop3A_562, %parallel_loop3A_564 : vector<16xi32>
        %parallel_loop3A_566 = arith.constant 16 : i32
        %parallel_loop3A_567 = vector.broadcast %parallel_loop3A_566 : i32 to vector<16xi32>
        %parallel_loop3A_568 = arith.addi %parallel_loop3A_562, %parallel_loop3A_567 : vector<16xi32>
        %parallel_loop3A_569 = arith.select %parallel_loop3A_565, %parallel_loop3A_568, %parallel_loop3A_562 : vector<16xi1>, vector<16xi32>
        %parallel_loop3A_570 = vector.shape_cast %parallel_loop3A_569 : vector<16xi32> to vector<16x1xi32>
        %parallel_loop3A_571 = vector.shape_cast %parallel_loop3A_570 : vector<16x1xi32> to vector<16xi32>
        %parallel_loop3A_572 = tpu.dynamic_gather %mul3A_83[%parallel_loop3A_571] in [0] : vector<16xf32>, vector<16xi32> -> vector<16xf32>
        %parallel_loop3A_573 = arith.constant 0 : i32
        %parallel_loop3A_574 = arith.addi %parallel_loop3A_212, %parallel_loop3A_573 : i32
        %parallel_loop3A_575 = arith.constant 80 : i32
        %parallel_loop3A_576 = arith.addi %parallel_loop3A_574, %parallel_loop3A_575 : i32
        %parallel_loop3A_577 = arith.index_cast %parallel_loop3A_576 : i32 to index
        %parallel_loop3A_578 = tpu.vector_load %arg9[%parallel_loop3A_577] {strides = array<i32>} : memref<16384xf32, #tpu.memory_space<vmem>>, vector<16xf32>,
        tpu.vector_store %arg9[%parallel_loop3A_577], %parallel_loop3A_572 {strides = array<i32>} : memref<16384xf32, #tpu.memory_space<vmem>>, vector<16xf32>,
        %parallel_loop3A_579 = arith.constant 0 : i32
        %parallel_loop3A_580 = vector.broadcast %parallel_loop3A_579 : i32 to vector<16xi32>
        %parallel_loop3A_581 = arith.cmpi slt, %parallel_loop3A_562, %parallel_loop3A_580 : vector<16xi32>
        %parallel_loop3A_582 = arith.constant 16 : i32
        %parallel_loop3A_583 = vector.broadcast %parallel_loop3A_582 : i32 to vector<16xi32>
        %parallel_loop3A_584 = arith.addi %parallel_loop3A_562, %parallel_loop3A_583 : vector<16xi32>
        %parallel_loop3A_585 = arith.select %parallel_loop3A_581, %parallel_loop3A_584, %parallel_loop3A_562 : vector<16xi1>, vector<16xi32>
        %parallel_loop3A_586 = vector.shape_cast %parallel_loop3A_585 : vector<16xi32> to vector<16x1xi32>
        %parallel_loop3A_587 = vector.shape_cast %parallel_loop3A_586 : vector<16x1xi32> to vector<16xi32>
        %parallel_loop3A_588 = tpu.dynamic_gather %mul3A_84[%parallel_loop3A_587] in [0] : vector<16xf32>, vector<16xi32> -> vector<16xf32>
        %parallel_loop3A_589 = arith.constant 128 : i32
        %parallel_loop3A_590 = arith.addi %parallel_loop3A_212, %parallel_loop3A_589 : i32
        %parallel_loop3A_591 = arith.constant 80 : i32
        %parallel_loop3A_592 = arith.addi %parallel_loop3A_590, %parallel_loop3A_591 : i32
        %parallel_loop3A_593 = arith.index_cast %parallel_loop3A_592 : i32 to index
        %parallel_loop3A_594 = tpu.vector_load %arg9[%parallel_loop3A_593] {strides = array<i32>} : memref<16384xf32, #tpu.memory_space<vmem>>, vector<16xf32>,
        tpu.vector_store %arg9[%parallel_loop3A_593], %parallel_loop3A_588 {strides = array<i32>} : memref<16384xf32, #tpu.memory_space<vmem>>, vector<16xf32>,
        %parallel_loop3A_595 = arith.constant 0 : i32
        %parallel_loop3A_596 = vector.broadcast %parallel_loop3A_595 : i32 to vector<16xi32>
        %parallel_loop3A_597 = arith.cmpi slt, %parallel_loop3A_562, %parallel_loop3A_596 : vector<16xi32>
        %parallel_loop3A_598 = arith.constant 16 : i32
        %parallel_loop3A_599 = vector.broadcast %parallel_loop3A_598 : i32 to vector<16xi32>
        %parallel_loop3A_600 = arith.addi %parallel_loop3A_562, %parallel_loop3A_599 : vector<16xi32>
        %parallel_loop3A_601 = arith.select %parallel_loop3A_597, %parallel_loop3A_600, %parallel_loop3A_562 : vector<16xi1>, vector<16xi32>
        %parallel_loop3A_602 = vector.shape_cast %parallel_loop3A_601 : vector<16xi32> to vector<16x1xi32>
        %parallel_loop3A_603 = vector.shape_cast %parallel_loop3A_602 : vector<16x1xi32> to vector<16xi32>
        %parallel_loop3A_604 = tpu.dynamic_gather %mul3A_85[%parallel_loop3A_603] in [0] : vector<16xf32>, vector<16xi32> -> vector<16xf32>
        %parallel_loop3A_605 = arith.constant 256 : i32
        %parallel_loop3A_606 = arith.addi %parallel_loop3A_212, %parallel_loop3A_605 : i32
        %parallel_loop3A_607 = arith.constant 80 : i32
        %parallel_loop3A_608 = arith.addi %parallel_loop3A_606, %parallel_loop3A_607 : i32
        %parallel_loop3A_609 = arith.index_cast %parallel_loop3A_608 : i32 to index
        %parallel_loop3A_610 = tpu.vector_load %arg9[%parallel_loop3A_609] {strides = array<i32>} : memref<16384xf32, #tpu.memory_space<vmem>>, vector<16xf32>,
        tpu.vector_store %arg9[%parallel_loop3A_609], %parallel_loop3A_604 {strides = array<i32>} : memref<16384xf32, #tpu.memory_space<vmem>>, vector<16xf32>,
        %parallel_loop3A_611 = arith.constant 0 : i32
        %parallel_loop3A_612 = vector.broadcast %parallel_loop3A_611 : i32 to vector<16xi32>
        %parallel_loop3A_613 = arith.cmpi slt, %parallel_loop3A_562, %parallel_loop3A_612 : vector<16xi32>
        %parallel_loop3A_614 = arith.constant 16 : i32
        %parallel_loop3A_615 = vector.broadcast %parallel_loop3A_614 : i32 to vector<16xi32>
        %parallel_loop3A_616 = arith.addi %parallel_loop3A_562, %parallel_loop3A_615 : vector<16xi32>
        %parallel_loop3A_617 = arith.select %parallel_loop3A_613, %parallel_loop3A_616, %parallel_loop3A_562 : vector<16xi1>, vector<16xi32>
        %parallel_loop3A_618 = vector.shape_cast %parallel_loop3A_617 : vector<16xi32> to vector<16x1xi32>
        %parallel_loop3A_619 = vector.shape_cast %parallel_loop3A_618 : vector<16x1xi32> to vector<16xi32>
        %parallel_loop3A_620 = tpu.dynamic_gather %mul3A_86[%parallel_loop3A_619] in [0] : vector<16xf32>, vector<16xi32> -> vector<16xf32>
        %parallel_loop3A_621 = arith.constant 384 : i32
        %parallel_loop3A_622 = arith.addi %parallel_loop3A_212, %parallel_loop3A_621 : i32
        %parallel_loop3A_623 = arith.constant 80 : i32
        %parallel_loop3A_624 = arith.addi %parallel_loop3A_622, %parallel_loop3A_623 : i32
        %parallel_loop3A_625 = arith.index_cast %parallel_loop3A_624 : i32 to index
        %parallel_loop3A_626 = tpu.vector_load %arg9[%parallel_loop3A_625] {strides = array<i32>} : memref<16384xf32, #tpu.memory_space<vmem>>, vector<16xf32>,
        tpu.vector_store %arg9[%parallel_loop3A_625], %parallel_loop3A_620 {strides = array<i32>} : memref<16384xf32, #tpu.memory_space<vmem>>, vector<16xf32>,
        %parallel_loop3A_627 = arith.constant 0 : i32
        %parallel_loop3A_628 = arith.index_cast %parallel_loop3A_210 : i32 to index
        %parallel_loop3A_629 = arith.index_cast %parallel_loop3A_627 : i32 to index
        %parallel_loop3A_630 = arith.constant 96 : index
        %parallel_loop3A_631 = tpu.vector_load %arg7[%parallel_loop3A_628, %parallel_loop3A_629, %parallel_loop3A_630] {strides = array<i32>} : memref<32x1x128xi32, #tpu.memory_space<vmem>>, vector<16xi32>,
        %parallel_loop3A_632 = arith.constant 0 : i32
        %parallel_loop3A_633 = vector.broadcast %parallel_loop3A_632 : i32 to vector<16xi32>
        %parallel_loop3A_634 = arith.cmpi slt, %parallel_loop3A_631, %parallel_loop3A_633 : vector<16xi32>
        %parallel_loop3A_635 = arith.constant 16 : i32
        %parallel_loop3A_636 = vector.broadcast %parallel_loop3A_635 : i32 to vector<16xi32>
        %parallel_loop3A_637 = arith.addi %parallel_loop3A_631, %parallel_loop3A_636 : vector<16xi32>
        %parallel_loop3A_638 = arith.select %parallel_loop3A_634, %parallel_loop3A_637, %parallel_loop3A_631 : vector<16xi1>, vector<16xi32>
        %parallel_loop3A_639 = vector.shape_cast %parallel_loop3A_638 : vector<16xi32> to vector<16x1xi32>
        %parallel_loop3A_640 = vector.shape_cast %parallel_loop3A_639 : vector<16x1xi32> to vector<16xi32>
        %parallel_loop3A_641 = tpu.dynamic_gather %mul3A_83[%parallel_loop3A_640] in [0] : vector<16xf32>, vector<16xi32> -> vector<16xf32>
        %parallel_loop3A_642 = arith.constant 0 : i32
        %parallel_loop3A_643 = arith.addi %parallel_loop3A_212, %parallel_loop3A_642 : i32
        %parallel_loop3A_644 = arith.constant 96 : i32
        %parallel_loop3A_645 = arith.addi %parallel_loop3A_643, %parallel_loop3A_644 : i32
        %parallel_loop3A_646 = arith.index_cast %parallel_loop3A_645 : i32 to index
        %parallel_loop3A_647 = tpu.vector_load %arg9[%parallel_loop3A_646] {strides = array<i32>} : memref<16384xf32, #tpu.memory_space<vmem>>, vector<16xf32>,
        tpu.vector_store %arg9[%parallel_loop3A_646], %parallel_loop3A_641 {strides = array<i32>} : memref<16384xf32, #tpu.memory_space<vmem>>, vector<16xf32>,
        %parallel_loop3A_648 = arith.constant 0 : i32
        %parallel_loop3A_649 = vector.broadcast %parallel_loop3A_648 : i32 to vector<16xi32>
        %parallel_loop3A_650 = arith.cmpi slt, %parallel_loop3A_631, %parallel_loop3A_649 : vector<16xi32>
        %parallel_loop3A_651 = arith.constant 16 : i32
        %parallel_loop3A_652 = vector.broadcast %parallel_loop3A_651 : i32 to vector<16xi32>
        %parallel_loop3A_653 = arith.addi %parallel_loop3A_631, %parallel_loop3A_652 : vector<16xi32>
        %parallel_loop3A_654 = arith.select %parallel_loop3A_650, %parallel_loop3A_653, %parallel_loop3A_631 : vector<16xi1>, vector<16xi32>
        %parallel_loop3A_655 = vector.shape_cast %parallel_loop3A_654 : vector<16xi32> to vector<16x1xi32>
        %parallel_loop3A_656 = vector.shape_cast %parallel_loop3A_655 : vector<16x1xi32> to vector<16xi32>
        %parallel_loop3A_657 = tpu.dynamic_gather %mul3A_84[%parallel_loop3A_656] in [0] : vector<16xf32>, vector<16xi32> -> vector<16xf32>
        %parallel_loop3A_658 = arith.constant 128 : i32
        %parallel_loop3A_659 = arith.addi %parallel_loop3A_212, %parallel_loop3A_658 : i32
        %parallel_loop3A_660 = arith.constant 96 : i32
        %parallel_loop3A_661 = arith.addi %parallel_loop3A_659, %parallel_loop3A_660 : i32
        %parallel_loop3A_662 = arith.index_cast %parallel_loop3A_661 : i32 to index
        %parallel_loop3A_663 = tpu.vector_load %arg9[%parallel_loop3A_662] {strides = array<i32>} : memref<16384xf32, #tpu.memory_space<vmem>>, vector<16xf32>,
        tpu.vector_store %arg9[%parallel_loop3A_662], %parallel_loop3A_657 {strides = array<i32>} : memref<16384xf32, #tpu.memory_space<vmem>>, vector<16xf32>,
        %parallel_loop3A_664 = arith.constant 0 : i32
        %parallel_loop3A_665 = vector.broadcast %parallel_loop3A_664 : i32 to vector<16xi32>
        %parallel_loop3A_666 = arith.cmpi slt, %parallel_loop3A_631, %parallel_loop3A_665 : vector<16xi32>
        %parallel_loop3A_667 = arith.constant 16 : i32
        %parallel_loop3A_668 = vector.broadcast %parallel_loop3A_667 : i32 to vector<16xi32>
        %parallel_loop3A_669 = arith.addi %parallel_loop3A_631, %parallel_loop3A_668 : vector<16xi32>
        %parallel_loop3A_670 = arith.select %parallel_loop3A_666, %parallel_loop3A_669, %parallel_loop3A_631 : vector<16xi1>, vector<16xi32>
        %parallel_loop3A_671 = vector.shape_cast %parallel_loop3A_670 : vector<16xi32> to vector<16x1xi32>
        %parallel_loop3A_672 = vector.shape_cast %parallel_loop3A_671 : vector<16x1xi32> to vector<16xi32>
        %parallel_loop3A_673 = tpu.dynamic_gather %mul3A_85[%parallel_loop3A_672] in [0] : vector<16xf32>, vector<16xi32> -> vector<16xf32>
        %parallel_loop3A_674 = arith.constant 256 : i32
        %parallel_loop3A_675 = arith.addi %parallel_loop3A_212, %parallel_loop3A_674 : i32
        %parallel_loop3A_676 = arith.constant 96 : i32
        %parallel_loop3A_677 = arith.addi %parallel_loop3A_675, %parallel_loop3A_676 : i32
        %parallel_loop3A_678 = arith.index_cast %parallel_loop3A_677 : i32 to index
        %parallel_loop3A_679 = tpu.vector_load %arg9[%parallel_loop3A_678] {strides = array<i32>} : memref<16384xf32, #tpu.memory_space<vmem>>, vector<16xf32>,
        tpu.vector_store %arg9[%parallel_loop3A_678], %parallel_loop3A_673 {strides = array<i32>} : memref<16384xf32, #tpu.memory_space<vmem>>, vector<16xf32>,
        %parallel_loop3A_680 = arith.constant 0 : i32
        %parallel_loop3A_681 = vector.broadcast %parallel_loop3A_680 : i32 to vector<16xi32>
        %parallel_loop3A_682 = arith.cmpi slt, %parallel_loop3A_631, %parallel_loop3A_681 : vector<16xi32>
        %parallel_loop3A_683 = arith.constant 16 : i32
        %parallel_loop3A_684 = vector.broadcast %parallel_loop3A_683 : i32 to vector<16xi32>
        %parallel_loop3A_685 = arith.addi %parallel_loop3A_631, %parallel_loop3A_684 : vector<16xi32>
        %parallel_loop3A_686 = arith.select %parallel_loop3A_682, %parallel_loop3A_685, %parallel_loop3A_631 : vector<16xi1>, vector<16xi32>
        %parallel_loop3A_687 = vector.shape_cast %parallel_loop3A_686 : vector<16xi32> to vector<16x1xi32>
        %parallel_loop3A_688 = vector.shape_cast %parallel_loop3A_687 : vector<16x1xi32> to vector<16xi32>
        %parallel_loop3A_689 = tpu.dynamic_gather %mul3A_86[%parallel_loop3A_688] in [0] : vector<16xf32>, vector<16xi32> -> vector<16xf32>
        %parallel_loop3A_690 = arith.constant 384 : i32
        %parallel_loop3A_691 = arith.addi %parallel_loop3A_212, %parallel_loop3A_690 : i32
        %parallel_loop3A_692 = arith.constant 96 : i32
        %parallel_loop3A_693 = arith.addi %parallel_loop3A_691, %parallel_loop3A_692 : i32
        %parallel_loop3A_694 = arith.index_cast %parallel_loop3A_693 : i32 to index
        %parallel_loop3A_695 = tpu.vector_load %arg9[%parallel_loop3A_694] {strides = array<i32>} : memref<16384xf32, #tpu.memory_space<vmem>>, vector<16xf32>,
        tpu.vector_store %arg9[%parallel_loop3A_694], %parallel_loop3A_689 {strides = array<i32>} : memref<16384xf32, #tpu.memory_space<vmem>>, vector<16xf32>,
        %parallel_loop3A_696 = arith.constant 0 : i32
        %parallel_loop3A_697 = arith.index_cast %parallel_loop3A_210 : i32 to index
        %parallel_loop3A_698 = arith.index_cast %parallel_loop3A_696 : i32 to index
        %parallel_loop3A_699 = arith.constant 112 : index
        %parallel_loop3A_700 = tpu.vector_load %arg7[%parallel_loop3A_697, %parallel_loop3A_698, %parallel_loop3A_699] {strides = array<i32>} : memref<32x1x128xi32, #tpu.memory_space<vmem>>, vector<16xi32>,
        %parallel_loop3A_701 = arith.constant 0 : i32
        %parallel_loop3A_702 = vector.broadcast %parallel_loop3A_701 : i32 to vector<16xi32>
        %parallel_loop3A_703 = arith.cmpi slt, %parallel_loop3A_700, %parallel_loop3A_702 : vector<16xi32>
        %parallel_loop3A_704 = arith.constant 16 : i32
        %parallel_loop3A_705 = vector.broadcast %parallel_loop3A_704 : i32 to vector<16xi32>
        %parallel_loop3A_706 = arith.addi %parallel_loop3A_700, %parallel_loop3A_705 : vector<16xi32>
        %parallel_loop3A_707 = arith.select %parallel_loop3A_703, %parallel_loop3A_706, %parallel_loop3A_700 : vector<16xi1>, vector<16xi32>
        %parallel_loop3A_708 = vector.shape_cast %parallel_loop3A_707 : vector<16xi32> to vector<16x1xi32>
        %parallel_loop3A_709 = vector.shape_cast %parallel_loop3A_708 : vector<16x1xi32> to vector<16xi32>
        %parallel_loop3A_710 = tpu.dynamic_gather %mul3A_83[%parallel_loop3A_709] in [0] : vector<16xf32>, vector<16xi32> -> vector<16xf32>
        %parallel_loop3A_711 = arith.constant 0 : i32
        %parallel_loop3A_712 = arith.addi %parallel_loop3A_212, %parallel_loop3A_711 : i32
        %parallel_loop3A_713 = arith.constant 112 : i32
        %parallel_loop3A_714 = arith.addi %parallel_loop3A_712, %parallel_loop3A_713 : i32
        %parallel_loop3A_715 = arith.index_cast %parallel_loop3A_714 : i32 to index
        %parallel_loop3A_716 = tpu.vector_load %arg9[%parallel_loop3A_715] {strides = array<i32>} : memref<16384xf32, #tpu.memory_space<vmem>>, vector<16xf32>,
        tpu.vector_store %arg9[%parallel_loop3A_715], %parallel_loop3A_710 {strides = array<i32>} : memref<16384xf32, #tpu.memory_space<vmem>>, vector<16xf32>,
        %parallel_loop3A_717 = arith.constant 0 : i32
        %parallel_loop3A_718 = vector.broadcast %parallel_loop3A_717 : i32 to vector<16xi32>
        %parallel_loop3A_719 = arith.cmpi slt, %parallel_loop3A_700, %parallel_loop3A_718 : vector<16xi32>
        %parallel_loop3A_720 = arith.constant 16 : i32
        %parallel_loop3A_721 = vector.broadcast %parallel_loop3A_720 : i32 to vector<16xi32>
        %parallel_loop3A_722 = arith.addi %parallel_loop3A_700, %parallel_loop3A_721 : vector<16xi32>
        %parallel_loop3A_723 = arith.select %parallel_loop3A_719, %parallel_loop3A_722, %parallel_loop3A_700 : vector<16xi1>, vector<16xi32>
        %parallel_loop3A_724 = vector.shape_cast %parallel_loop3A_723 : vector<16xi32> to vector<16x1xi32>
        %parallel_loop3A_725 = vector.shape_cast %parallel_loop3A_724 : vector<16x1xi32> to vector<16xi32>
        %parallel_loop3A_726 = tpu.dynamic_gather %mul3A_84[%parallel_loop3A_725] in [0] : vector<16xf32>, vector<16xi32> -> vector<16xf32>
        %parallel_loop3A_727 = arith.constant 128 : i32
        %parallel_loop3A_728 = arith.addi %parallel_loop3A_212, %parallel_loop3A_727 : i32
        %parallel_loop3A_729 = arith.constant 112 : i32
        %parallel_loop3A_730 = arith.addi %parallel_loop3A_728, %parallel_loop3A_729 : i32
        %parallel_loop3A_731 = arith.index_cast %parallel_loop3A_730 : i32 to index
        %parallel_loop3A_732 = tpu.vector_load %arg9[%parallel_loop3A_731] {strides = array<i32>} : memref<16384xf32, #tpu.memory_space<vmem>>, vector<16xf32>,
        tpu.vector_store %arg9[%parallel_loop3A_731], %parallel_loop3A_726 {strides = array<i32>} : memref<16384xf32, #tpu.memory_space<vmem>>, vector<16xf32>,
        %parallel_loop3A_733 = arith.constant 0 : i32
        %parallel_loop3A_734 = vector.broadcast %parallel_loop3A_733 : i32 to vector<16xi32>
        %parallel_loop3A_735 = arith.cmpi slt, %parallel_loop3A_700, %parallel_loop3A_734 : vector<16xi32>
        %parallel_loop3A_736 = arith.constant 16 : i32
        %parallel_loop3A_737 = vector.broadcast %parallel_loop3A_736 : i32 to vector<16xi32>
        %parallel_loop3A_738 = arith.addi %parallel_loop3A_700, %parallel_loop3A_737 : vector<16xi32>
        %parallel_loop3A_739 = arith.select %parallel_loop3A_735, %parallel_loop3A_738, %parallel_loop3A_700 : vector<16xi1>, vector<16xi32>
        %parallel_loop3A_740 = vector.shape_cast %parallel_loop3A_739 : vector<16xi32> to vector<16x1xi32>
        %parallel_loop3A_741 = vector.shape_cast %parallel_loop3A_740 : vector<16x1xi32> to vector<16xi32>
        %parallel_loop3A_742 = tpu.dynamic_gather %mul3A_85[%parallel_loop3A_741] in [0] : vector<16xf32>, vector<16xi32> -> vector<16xf32>
        %parallel_loop3A_743 = arith.constant 256 : i32
        %parallel_loop3A_744 = arith.addi %parallel_loop3A_212, %parallel_loop3A_743 : i32
        %parallel_loop3A_745 = arith.constant 112 : i32
        %parallel_loop3A_746 = arith.addi %parallel_loop3A_744, %parallel_loop3A_745 : i32
        %parallel_loop3A_747 = arith.index_cast %parallel_loop3A_746 : i32 to index
        %parallel_loop3A_748 = tpu.vector_load %arg9[%parallel_loop3A_747] {strides = array<i32>} : memref<16384xf32, #tpu.memory_space<vmem>>, vector<16xf32>,
        tpu.vector_store %arg9[%parallel_loop3A_747], %parallel_loop3A_742 {strides = array<i32>} : memref<16384xf32, #tpu.memory_space<vmem>>, vector<16xf32>,
        %parallel_loop3A_749 = arith.constant 0 : i32
        %parallel_loop3A_750 = vector.broadcast %parallel_loop3A_749 : i32 to vector<16xi32>
        %parallel_loop3A_751 = arith.cmpi slt, %parallel_loop3A_700, %parallel_loop3A_750 : vector<16xi32>
        %parallel_loop3A_752 = arith.constant 16 : i32
        %parallel_loop3A_753 = vector.broadcast %parallel_loop3A_752 : i32 to vector<16xi32>
        %parallel_loop3A_754 = arith.addi %parallel_loop3A_700, %parallel_loop3A_753 : vector<16xi32>
        %parallel_loop3A_755 = arith.select %parallel_loop3A_751, %parallel_loop3A_754, %parallel_loop3A_700 : vector<16xi1>, vector<16xi32>
        %parallel_loop3A_756 = vector.shape_cast %parallel_loop3A_755 : vector<16xi32> to vector<16x1xi32>
        %parallel_loop3A_757 = vector.shape_cast %parallel_loop3A_756 : vector<16x1xi32> to vector<16xi32>
        %parallel_loop3A_758 = tpu.dynamic_gather %mul3A_86[%parallel_loop3A_757] in [0] : vector<16xf32>, vector<16xi32> -> vector<16xf32>
        %parallel_loop3A_759 = arith.constant 384 : i32
        %parallel_loop3A_760 = arith.addi %parallel_loop3A_212, %parallel_loop3A_759 : i32
        %parallel_loop3A_761 = arith.constant 112 : i32
        %parallel_loop3A_762 = arith.addi %parallel_loop3A_760, %parallel_loop3A_761 : i32
        %parallel_loop3A_763 = arith.index_cast %parallel_loop3A_762 : i32 to index
        %parallel_loop3A_764 = tpu.vector_load %arg9[%parallel_loop3A_763] {strides = array<i32>} : memref<16384xf32, #tpu.memory_space<vmem>>, vector<16xf32>,
        tpu.vector_store %arg9[%parallel_loop3A_763], %parallel_loop3A_758 {strides = array<i32>} : memref<16384xf32, #tpu.memory_space<vmem>>, vector<16xf32>,
      } {sc.loop_unroll_factor = 4 : i64, sc.parallel_access}
      %add3A_198 = arith.addi %mul3A_2, %add3A_171 : i32
      %shift_right_logical3A_199 = arith.constant 2 : i32
      %shift_right_logical3A_200 = arith.shrui %add3A_198, %shift_right_logical3A_199 : i32
      %and3A_201 = arith.constant 3 : i32
      %and3A_202 = arith.andi %add3A_198, %and3A_201 : i32
      %mul3A_203 = arith.constant 65536 : i32
      %mul3A_204 = arith.muli %shift_right_logical3A_200, %mul3A_203 : i32
      %mul3A_205 = arith.constant 16384 : i32
      %mul3A_206 = arith.muli %and3A_202, %mul3A_205 : i32
      %add3A_207 = arith.addi %mul3A_204, %mul3A_206 : i32
      %dma_start3A_208 = tpu.memref_slice %arg4[%add3A_207] : memref<13107200xf32, #tpu.memory_space<hbm>> -> memref<16384xf32, #tpu.memory_space<hbm>>
      %dma_start3A_209 = tpu.memref_slice %arg4[%add3A_207] : memref<13107200xf32, #tpu.memory_space<hbm>> -> memref<16384xf32, #tpu.memory_space<hbm>>
      tpu.enqueue_dma source(%arg9 : memref<16384xf32, #tpu.memory_space<vmem>>) target(%dma_start3A_209 : memref<16384xf32, #tpu.memory_space<hbm>>) target_semaphore(%arg13 : memref<!tpu.dma_semaphore, #tpu.memory_space<semaphore_mem>>)
    }
    %scan3A_91 = arith.constant 12 : i32
    %dma_wait3A = arith.constant 0 : i32
    %dma_wait3A_92 = arith.constant 0 : i32
    %dma_wait3A_93 = arith.constant 0 : i32
    %dma_wait3A_94 = arith.constant 0 : i32
    %dma_wait3A_95 = tpu.memref_slice %arg2[%dma_wait3A, %dma_wait3A_92, %dma_wait3A_93, %dma_wait3A_94] : memref<25x128x8x128xi32, #tpu.memory_space<hbm>> -> memref<1x32x1x128xi32, #tpu.memory_space<hbm>>
    %dma_wait3A_96 = tpu.memref_squeeze %dma_wait3A_95 : memref<1x32x1x128xi32, #tpu.memory_space<hbm>> -> memref<32x1x128xi32, #tpu.memory_space<hbm>>
    %dma_wait3A_97 = arith.constant 0 : i32
    %dma_wait3A_98 = arith.constant 0 : i32
    %dma_wait3A_99 = arith.constant 0 : i32
    %dma_wait3A_100 = tpu.memref_slice %arg2[%dma_wait3A, %dma_wait3A_97, %dma_wait3A_98, %dma_wait3A_99] : memref<25x128x8x128xi32, #tpu.memory_space<hbm>> -> memref<1x32x1x128xi32, #tpu.memory_space<hbm>>
    %dma_wait3A_101 = tpu.memref_squeeze %dma_wait3A_100 : memref<1x32x1x128xi32, #tpu.memory_space<hbm>> -> memref<32x1x128xi32, #tpu.memory_space<hbm>>
    tpu.wait_dma2 semaphore(%arg10 : memref<!tpu.dma_semaphore, #tpu.memory_space<semaphore_mem>>) src(%dma_wait3A_101 : memref<32x1x128xi32, #tpu.memory_space<hbm>>) dst(%arg6 : memref<32x1x128xi32, #tpu.memory_space<vmem>>)
    %dma_wait3A_102 = arith.constant 0 : i32
    %dma_wait3A_103 = tpu.memref_slice %arg4[%dma_wait3A_102] : memref<13107200xf32, #tpu.memory_space<hbm>> -> memref<16384xf32, #tpu.memory_space<hbm>>
    %dma_wait3A_104 = arith.constant 0 : i32
    %dma_wait3A_105 = tpu.memref_slice %arg4[%dma_wait3A_104] : memref<13107200xf32, #tpu.memory_space<hbm>> -> memref<16384xf32, #tpu.memory_space<hbm>>
    tpu.wait_dma2 semaphore(%arg12 : memref<!tpu.dma_semaphore, #tpu.memory_space<semaphore_mem>>) src(%arg8 : memref<16384xf32, #tpu.memory_space<vmem>>) dst(%dma_wait3A_105 : memref<16384xf32, #tpu.memory_space<hbm>>)
    %parallel_loop3A = arith.constant 0 : i32
    %parallel_loop3A_106 = arith.constant 32 : i32
    %parallel_loop3A_107 = arith.constant 1 : i32
    scf.for %parallel_loop3A_129 = %parallel_loop3A to %parallel_loop3A_106 step %parallel_loop3A_107  : i32 {
      %parallel_loop3A_130 = arith.constant 512 : i32
      %parallel_loop3A_131 = arith.muli %parallel_loop3A_129, %parallel_loop3A_130 : i32
      %parallel_loop3A_132 = arith.constant 0 : i32
      %parallel_loop3A_133 = arith.index_cast %parallel_loop3A_129 : i32 to index
      %parallel_loop3A_134 = arith.index_cast %parallel_loop3A_132 : i32 to index
      %parallel_loop3A_135 = arith.constant 0 : index
      %parallel_loop3A_136 = tpu.vector_load %arg6[%parallel_loop3A_133, %parallel_loop3A_134, %parallel_loop3A_135] {strides = array<i32>} : memref<32x1x128xi32, #tpu.memory_space<vmem>>, vector<16xi32>,
      %parallel_loop3A_137 = arith.constant 0 : i32
      %parallel_loop3A_138 = vector.broadcast %parallel_loop3A_137 : i32 to vector<16xi32>
      %parallel_loop3A_139 = arith.cmpi slt, %parallel_loop3A_136, %parallel_loop3A_138 : vector<16xi32>
      %parallel_loop3A_140 = arith.constant 16 : i32
      %parallel_loop3A_141 = vector.broadcast %parallel_loop3A_140 : i32 to vector<16xi32>
      %parallel_loop3A_142 = arith.addi %parallel_loop3A_136, %parallel_loop3A_141 : vector<16xi32>
      %parallel_loop3A_143 = arith.select %parallel_loop3A_139, %parallel_loop3A_142, %parallel_loop3A_136 : vector<16xi1>, vector<16xi32>
      %parallel_loop3A_144 = vector.shape_cast %parallel_loop3A_143 : vector<16xi32> to vector<16x1xi32>
      %parallel_loop3A_145 = vector.shape_cast %parallel_loop3A_144 : vector<16x1xi32> to vector<16xi32>
      %parallel_loop3A_146 = tpu.dynamic_gather %mul3A_83[%parallel_loop3A_145] in [0] : vector<16xf32>, vector<16xi32> -> vector<16xf32>
      %parallel_loop3A_147 = arith.constant 0 : i32
      %parallel_loop3A_148 = arith.addi %parallel_loop3A_131, %parallel_loop3A_147 : i32
      %parallel_loop3A_149 = arith.constant 0 : i32
      %parallel_loop3A_150 = arith.addi %parallel_loop3A_148, %parallel_loop3A_149 : i32
      %parallel_loop3A_151 = arith.index_cast %parallel_loop3A_150 : i32 to index
      %parallel_loop3A_152 = tpu.vector_load %arg8[%parallel_loop3A_151] {strides = array<i32>} : memref<16384xf32, #tpu.memory_space<vmem>>, vector<16xf32>,
      tpu.vector_store %arg8[%parallel_loop3A_151], %parallel_loop3A_146 {strides = array<i32>} : memref<16384xf32, #tpu.memory_space<vmem>>, vector<16xf32>,
      %parallel_loop3A_153 = arith.constant 0 : i32
      %parallel_loop3A_154 = vector.broadcast %parallel_loop3A_153 : i32 to vector<16xi32>
      %parallel_loop3A_155 = arith.cmpi slt, %parallel_loop3A_136, %parallel_loop3A_154 : vector<16xi32>
      %parallel_loop3A_156 = arith.constant 16 : i32
      %parallel_loop3A_157 = vector.broadcast %parallel_loop3A_156 : i32 to vector<16xi32>
      %parallel_loop3A_158 = arith.addi %parallel_loop3A_136, %parallel_loop3A_157 : vector<16xi32>
      %parallel_loop3A_159 = arith.select %parallel_loop3A_155, %parallel_loop3A_158, %parallel_loop3A_136 : vector<16xi1>, vector<16xi32>
      %parallel_loop3A_160 = vector.shape_cast %parallel_loop3A_159 : vector<16xi32> to vector<16x1xi32>
      %parallel_loop3A_161 = vector.shape_cast %parallel_loop3A_160 : vector<16x1xi32> to vector<16xi32>
      %parallel_loop3A_162 = tpu.dynamic_gather %mul3A_84[%parallel_loop3A_161] in [0] : vector<16xf32>, vector<16xi32> -> vector<16xf32>
      %parallel_loop3A_163 = arith.constant 128 : i32
      %parallel_loop3A_164 = arith.addi %parallel_loop3A_131, %parallel_loop3A_163 : i32
      %parallel_loop3A_165 = arith.constant 0 : i32
      %parallel_loop3A_166 = arith.addi %parallel_loop3A_164, %parallel_loop3A_165 : i32
      %parallel_loop3A_167 = arith.index_cast %parallel_loop3A_166 : i32 to index
      %parallel_loop3A_168 = tpu.vector_load %arg8[%parallel_loop3A_167] {strides = array<i32>} : memref<16384xf32, #tpu.memory_space<vmem>>, vector<16xf32>,
      tpu.vector_store %arg8[%parallel_loop3A_167], %parallel_loop3A_162 {strides = array<i32>} : memref<16384xf32, #tpu.memory_space<vmem>>, vector<16xf32>,
      %parallel_loop3A_169 = arith.constant 0 : i32
      %parallel_loop3A_170 = vector.broadcast %parallel_loop3A_169 : i32 to vector<16xi32>
      %parallel_loop3A_171 = arith.cmpi slt, %parallel_loop3A_136, %parallel_loop3A_170 : vector<16xi32>
      %parallel_loop3A_172 = arith.constant 16 : i32
      %parallel_loop3A_173 = vector.broadcast %parallel_loop3A_172 : i32 to vector<16xi32>
      %parallel_loop3A_174 = arith.addi %parallel_loop3A_136, %parallel_loop3A_173 : vector<16xi32>
      %parallel_loop3A_175 = arith.select %parallel_loop3A_171, %parallel_loop3A_174, %parallel_loop3A_136 : vector<16xi1>, vector<16xi32>
      %parallel_loop3A_176 = vector.shape_cast %parallel_loop3A_175 : vector<16xi32> to vector<16x1xi32>
      %parallel_loop3A_177 = vector.shape_cast %parallel_loop3A_176 : vector<16x1xi32> to vector<16xi32>
      %parallel_loop3A_178 = tpu.dynamic_gather %mul3A_85[%parallel_loop3A_177] in [0] : vector<16xf32>, vector<16xi32> -> vector<16xf32>
      %parallel_loop3A_179 = arith.constant 256 : i32
      %parallel_loop3A_180 = arith.addi %parallel_loop3A_131, %parallel_loop3A_179 : i32
      %parallel_loop3A_181 = arith.constant 0 : i32
      %parallel_loop3A_182 = arith.addi %parallel_loop3A_180, %parallel_loop3A_181 : i32
      %parallel_loop3A_183 = arith.index_cast %parallel_loop3A_182 : i32 to index
      %parallel_loop3A_184 = tpu.vector_load %arg8[%parallel_loop3A_183] {strides = array<i32>} : memref<16384xf32, #tpu.memory_space<vmem>>, vector<16xf32>,
      tpu.vector_store %arg8[%parallel_loop3A_183], %parallel_loop3A_178 {strides = array<i32>} : memref<16384xf32, #tpu.memory_space<vmem>>, vector<16xf32>,
      %parallel_loop3A_185 = arith.constant 0 : i32
      %parallel_loop3A_186 = vector.broadcast %parallel_loop3A_185 : i32 to vector<16xi32>
      %parallel_loop3A_187 = arith.cmpi slt, %parallel_loop3A_136, %parallel_loop3A_186 : vector<16xi32>
      %parallel_loop3A_188 = arith.constant 16 : i32
      %parallel_loop3A_189 = vector.broadcast %parallel_loop3A_188 : i32 to vector<16xi32>
      %parallel_loop3A_190 = arith.addi %parallel_loop3A_136, %parallel_loop3A_189 : vector<16xi32>
      %parallel_loop3A_191 = arith.select %parallel_loop3A_187, %parallel_loop3A_190, %parallel_loop3A_136 : vector<16xi1>, vector<16xi32>
      %parallel_loop3A_192 = vector.shape_cast %parallel_loop3A_191 : vector<16xi32> to vector<16x1xi32>
      %parallel_loop3A_193 = vector.shape_cast %parallel_loop3A_192 : vector<16x1xi32> to vector<16xi32>
      %parallel_loop3A_194 = tpu.dynamic_gather %mul3A_86[%parallel_loop3A_193] in [0] : vector<16xf32>, vector<16xi32> -> vector<16xf32>
      %parallel_loop3A_195 = arith.constant 384 : i32
      %parallel_loop3A_196 = arith.addi %parallel_loop3A_131, %parallel_loop3A_195 : i32
      %parallel_loop3A_197 = arith.constant 0 : i32
      %parallel_loop3A_198 = arith.addi %parallel_loop3A_196, %parallel_loop3A_197 : i32
      %parallel_loop3A_199 = arith.index_cast %parallel_loop3A_198 : i32 to index
      %parallel_loop3A_200 = tpu.vector_load %arg8[%parallel_loop3A_199] {strides = array<i32>} : memref<16384xf32, #tpu.memory_space<vmem>>, vector<16xf32>,
      tpu.vector_store %arg8[%parallel_loop3A_199], %parallel_loop3A_194 {strides = array<i32>} : memref<16384xf32, #tpu.memory_space<vmem>>, vector<16xf32>,
      %parallel_loop3A_201 = arith.constant 0 : i32
      %parallel_loop3A_202 = arith.index_cast %parallel_loop3A_129 : i32 to index
      %parallel_loop3A_203 = arith.index_cast %parallel_loop3A_201 : i32 to index
      %parallel_loop3A_204 = arith.constant 16 : index
      %parallel_loop3A_205 = tpu.vector_load %arg6[%parallel_loop3A_202, %parallel_loop3A_203, %parallel_loop3A_204] {strides = array<i32>} : memref<32x1x128xi32, #tpu.memory_space<vmem>>, vector<16xi32>,
      %parallel_loop3A_206 = arith.constant 0 : i32
      %parallel_loop3A_207 = vector.broadcast %parallel_loop3A_206 : i32 to vector<16xi32>
      %parallel_loop3A_208 = arith.cmpi slt, %parallel_loop3A_205, %parallel_loop3A_207 : vector<16xi32>
      %parallel_loop3A_209 = arith.constant 16 : i32
      %parallel_loop3A_210 = vector.broadcast %parallel_loop3A_209 : i32 to vector<16xi32>
      %parallel_loop3A_211 = arith.addi %parallel_loop3A_205, %parallel_loop3A_210 : vector<16xi32>
      %parallel_loop3A_212 = arith.select %parallel_loop3A_208, %parallel_loop3A_211, %parallel_loop3A_205 : vector<16xi1>, vector<16xi32>
      %parallel_loop3A_213 = vector.shape_cast %parallel_loop3A_212 : vector<16xi32> to vector<16x1xi32>
      %parallel_loop3A_214 = vector.shape_cast %parallel_loop3A_213 : vector<16x1xi32> to vector<16xi32>
      %parallel_loop3A_215 = tpu.dynamic_gather %mul3A_83[%parallel_loop3A_214] in [0] : vector<16xf32>, vector<16xi32> -> vector<16xf32>
      %parallel_loop3A_216 = arith.constant 0 : i32
      %parallel_loop3A_217 = arith.addi %parallel_loop3A_131, %parallel_loop3A_216 : i32
      %parallel_loop3A_218 = arith.constant 16 : i32
      %parallel_loop3A_219 = arith.addi %parallel_loop3A_217, %parallel_loop3A_218 : i32
      %parallel_loop3A_220 = arith.index_cast %parallel_loop3A_219 : i32 to index
      %parallel_loop3A_221 = tpu.vector_load %arg8[%parallel_loop3A_220] {strides = array<i32>} : memref<16384xf32, #tpu.memory_space<vmem>>, vector<16xf32>,
      tpu.vector_store %arg8[%parallel_loop3A_220], %parallel_loop3A_215 {strides = array<i32>} : memref<16384xf32, #tpu.memory_space<vmem>>, vector<16xf32>,
      %parallel_loop3A_222 = arith.constant 0 : i32
      %parallel_loop3A_223 = vector.broadcast %parallel_loop3A_222 : i32 to vector<16xi32>
      %parallel_loop3A_224 = arith.cmpi slt, %parallel_loop3A_205, %parallel_loop3A_223 : vector<16xi32>
      %parallel_loop3A_225 = arith.constant 16 : i32
      %parallel_loop3A_226 = vector.broadcast %parallel_loop3A_225 : i32 to vector<16xi32>
      %parallel_loop3A_227 = arith.addi %parallel_loop3A_205, %parallel_loop3A_226 : vector<16xi32>
      %parallel_loop3A_228 = arith.select %parallel_loop3A_224, %parallel_loop3A_227, %parallel_loop3A_205 : vector<16xi1>, vector<16xi32>
      %parallel_loop3A_229 = vector.shape_cast %parallel_loop3A_228 : vector<16xi32> to vector<16x1xi32>
      %parallel_loop3A_230 = vector.shape_cast %parallel_loop3A_229 : vector<16x1xi32> to vector<16xi32>
      %parallel_loop3A_231 = tpu.dynamic_gather %mul3A_84[%parallel_loop3A_230] in [0] : vector<16xf32>, vector<16xi32> -> vector<16xf32>
      %parallel_loop3A_232 = arith.constant 128 : i32
      %parallel_loop3A_233 = arith.addi %parallel_loop3A_131, %parallel_loop3A_232 : i32
      %parallel_loop3A_234 = arith.constant 16 : i32
      %parallel_loop3A_235 = arith.addi %parallel_loop3A_233, %parallel_loop3A_234 : i32
      %parallel_loop3A_236 = arith.index_cast %parallel_loop3A_235 : i32 to index
      %parallel_loop3A_237 = tpu.vector_load %arg8[%parallel_loop3A_236] {strides = array<i32>} : memref<16384xf32, #tpu.memory_space<vmem>>, vector<16xf32>,
      tpu.vector_store %arg8[%parallel_loop3A_236], %parallel_loop3A_231 {strides = array<i32>} : memref<16384xf32, #tpu.memory_space<vmem>>, vector<16xf32>,
      %parallel_loop3A_238 = arith.constant 0 : i32
      %parallel_loop3A_239 = vector.broadcast %parallel_loop3A_238 : i32 to vector<16xi32>
      %parallel_loop3A_240 = arith.cmpi slt, %parallel_loop3A_205, %parallel_loop3A_239 : vector<16xi32>
      %parallel_loop3A_241 = arith.constant 16 : i32
      %parallel_loop3A_242 = vector.broadcast %parallel_loop3A_241 : i32 to vector<16xi32>
      %parallel_loop3A_243 = arith.addi %parallel_loop3A_205, %parallel_loop3A_242 : vector<16xi32>
      %parallel_loop3A_244 = arith.select %parallel_loop3A_240, %parallel_loop3A_243, %parallel_loop3A_205 : vector<16xi1>, vector<16xi32>
      %parallel_loop3A_245 = vector.shape_cast %parallel_loop3A_244 : vector<16xi32> to vector<16x1xi32>
      %parallel_loop3A_246 = vector.shape_cast %parallel_loop3A_245 : vector<16x1xi32> to vector<16xi32>
      %parallel_loop3A_247 = tpu.dynamic_gather %mul3A_85[%parallel_loop3A_246] in [0] : vector<16xf32>, vector<16xi32> -> vector<16xf32>
      %parallel_loop3A_248 = arith.constant 256 : i32
      %parallel_loop3A_249 = arith.addi %parallel_loop3A_131, %parallel_loop3A_248 : i32
      %parallel_loop3A_250 = arith.constant 16 : i32
      %parallel_loop3A_251 = arith.addi %parallel_loop3A_249, %parallel_loop3A_250 : i32
      %parallel_loop3A_252 = arith.index_cast %parallel_loop3A_251 : i32 to index
      %parallel_loop3A_253 = tpu.vector_load %arg8[%parallel_loop3A_252] {strides = array<i32>} : memref<16384xf32, #tpu.memory_space<vmem>>, vector<16xf32>,
      tpu.vector_store %arg8[%parallel_loop3A_252], %parallel_loop3A_247 {strides = array<i32>} : memref<16384xf32, #tpu.memory_space<vmem>>, vector<16xf32>,
      %parallel_loop3A_254 = arith.constant 0 : i32
      %parallel_loop3A_255 = vector.broadcast %parallel_loop3A_254 : i32 to vector<16xi32>
      %parallel_loop3A_256 = arith.cmpi slt, %parallel_loop3A_205, %parallel_loop3A_255 : vector<16xi32>
      %parallel_loop3A_257 = arith.constant 16 : i32
      %parallel_loop3A_258 = vector.broadcast %parallel_loop3A_257 : i32 to vector<16xi32>
      %parallel_loop3A_259 = arith.addi %parallel_loop3A_205, %parallel_loop3A_258 : vector<16xi32>
      %parallel_loop3A_260 = arith.select %parallel_loop3A_256, %parallel_loop3A_259, %parallel_loop3A_205 : vector<16xi1>, vector<16xi32>
      %parallel_loop3A_261 = vector.shape_cast %parallel_loop3A_260 : vector<16xi32> to vector<16x1xi32>
      %parallel_loop3A_262 = vector.shape_cast %parallel_loop3A_261 : vector<16x1xi32> to vector<16xi32>
      %parallel_loop3A_263 = tpu.dynamic_gather %mul3A_86[%parallel_loop3A_262] in [0] : vector<16xf32>, vector<16xi32> -> vector<16xf32>
      %parallel_loop3A_264 = arith.constant 384 : i32
      %parallel_loop3A_265 = arith.addi %parallel_loop3A_131, %parallel_loop3A_264 : i32
      %parallel_loop3A_266 = arith.constant 16 : i32
      %parallel_loop3A_267 = arith.addi %parallel_loop3A_265, %parallel_loop3A_266 : i32
      %parallel_loop3A_268 = arith.index_cast %parallel_loop3A_267 : i32 to index
      %parallel_loop3A_269 = tpu.vector_load %arg8[%parallel_loop3A_268] {strides = array<i32>} : memref<16384xf32, #tpu.memory_space<vmem>>, vector<16xf32>,
      tpu.vector_store %arg8[%parallel_loop3A_268], %parallel_loop3A_263 {strides = array<i32>} : memref<16384xf32, #tpu.memory_space<vmem>>, vector<16xf32>,
      %parallel_loop3A_270 = arith.constant 0 : i32
      %parallel_loop3A_271 = arith.index_cast %parallel_loop3A_129 : i32 to index
      %parallel_loop3A_272 = arith.index_cast %parallel_loop3A_270 : i32 to index
      %parallel_loop3A_273 = arith.constant 32 : index
      %parallel_loop3A_274 = tpu.vector_load %arg6[%parallel_loop3A_271, %parallel_loop3A_272, %parallel_loop3A_273] {strides = array<i32>} : memref<32x1x128xi32, #tpu.memory_space<vmem>>, vector<16xi32>,
      %parallel_loop3A_275 = arith.constant 0 : i32
      %parallel_loop3A_276 = vector.broadcast %parallel_loop3A_275 : i32 to vector<16xi32>
      %parallel_loop3A_277 = arith.cmpi slt, %parallel_loop3A_274, %parallel_loop3A_276 : vector<16xi32>
      %parallel_loop3A_278 = arith.constant 16 : i32
      %parallel_loop3A_279 = vector.broadcast %parallel_loop3A_278 : i32 to vector<16xi32>
      %parallel_loop3A_280 = arith.addi %parallel_loop3A_274, %parallel_loop3A_279 : vector<16xi32>
      %parallel_loop3A_281 = arith.select %parallel_loop3A_277, %parallel_loop3A_280, %parallel_loop3A_274 : vector<16xi1>, vector<16xi32>
      %parallel_loop3A_282 = vector.shape_cast %parallel_loop3A_281 : vector<16xi32> to vector<16x1xi32>
      %parallel_loop3A_283 = vector.shape_cast %parallel_loop3A_282 : vector<16x1xi32> to vector<16xi32>
      %parallel_loop3A_284 = tpu.dynamic_gather %mul3A_83[%parallel_loop3A_283] in [0] : vector<16xf32>, vector<16xi32> -> vector<16xf32>
      %parallel_loop3A_285 = arith.constant 0 : i32
      %parallel_loop3A_286 = arith.addi %parallel_loop3A_131, %parallel_loop3A_285 : i32
      %parallel_loop3A_287 = arith.constant 32 : i32
      %parallel_loop3A_288 = arith.addi %parallel_loop3A_286, %parallel_loop3A_287 : i32
      %parallel_loop3A_289 = arith.index_cast %parallel_loop3A_288 : i32 to index
      %parallel_loop3A_290 = tpu.vector_load %arg8[%parallel_loop3A_289] {strides = array<i32>} : memref<16384xf32, #tpu.memory_space<vmem>>, vector<16xf32>,
      tpu.vector_store %arg8[%parallel_loop3A_289], %parallel_loop3A_284 {strides = array<i32>} : memref<16384xf32, #tpu.memory_space<vmem>>, vector<16xf32>,
      %parallel_loop3A_291 = arith.constant 0 : i32
      %parallel_loop3A_292 = vector.broadcast %parallel_loop3A_291 : i32 to vector<16xi32>
      %parallel_loop3A_293 = arith.cmpi slt, %parallel_loop3A_274, %parallel_loop3A_292 : vector<16xi32>
      %parallel_loop3A_294 = arith.constant 16 : i32
      %parallel_loop3A_295 = vector.broadcast %parallel_loop3A_294 : i32 to vector<16xi32>
      %parallel_loop3A_296 = arith.addi %parallel_loop3A_274, %parallel_loop3A_295 : vector<16xi32>
      %parallel_loop3A_297 = arith.select %parallel_loop3A_293, %parallel_loop3A_296, %parallel_loop3A_274 : vector<16xi1>, vector<16xi32>
      %parallel_loop3A_298 = vector.shape_cast %parallel_loop3A_297 : vector<16xi32> to vector<16x1xi32>
      %parallel_loop3A_299 = vector.shape_cast %parallel_loop3A_298 : vector<16x1xi32> to vector<16xi32>
      %parallel_loop3A_300 = tpu.dynamic_gather %mul3A_84[%parallel_loop3A_299] in [0] : vector<16xf32>, vector<16xi32> -> vector<16xf32>
      %parallel_loop3A_301 = arith.constant 128 : i32
      %parallel_loop3A_302 = arith.addi %parallel_loop3A_131, %parallel_loop3A_301 : i32
      %parallel_loop3A_303 = arith.constant 32 : i32
      %parallel_loop3A_304 = arith.addi %parallel_loop3A_302, %parallel_loop3A_303 : i32
      %parallel_loop3A_305 = arith.index_cast %parallel_loop3A_304 : i32 to index
      %parallel_loop3A_306 = tpu.vector_load %arg8[%parallel_loop3A_305] {strides = array<i32>} : memref<16384xf32, #tpu.memory_space<vmem>>, vector<16xf32>,
      tpu.vector_store %arg8[%parallel_loop3A_305], %parallel_loop3A_300 {strides = array<i32>} : memref<16384xf32, #tpu.memory_space<vmem>>, vector<16xf32>,
      %parallel_loop3A_307 = arith.constant 0 : i32
      %parallel_loop3A_308 = vector.broadcast %parallel_loop3A_307 : i32 to vector<16xi32>
      %parallel_loop3A_309 = arith.cmpi slt, %parallel_loop3A_274, %parallel_loop3A_308 : vector<16xi32>
      %parallel_loop3A_310 = arith.constant 16 : i32
      %parallel_loop3A_311 = vector.broadcast %parallel_loop3A_310 : i32 to vector<16xi32>
      %parallel_loop3A_312 = arith.addi %parallel_loop3A_274, %parallel_loop3A_311 : vector<16xi32>
      %parallel_loop3A_313 = arith.select %parallel_loop3A_309, %parallel_loop3A_312, %parallel_loop3A_274 : vector<16xi1>, vector<16xi32>
      %parallel_loop3A_314 = vector.shape_cast %parallel_loop3A_313 : vector<16xi32> to vector<16x1xi32>
      %parallel_loop3A_315 = vector.shape_cast %parallel_loop3A_314 : vector<16x1xi32> to vector<16xi32>
      %parallel_loop3A_316 = tpu.dynamic_gather %mul3A_85[%parallel_loop3A_315] in [0] : vector<16xf32>, vector<16xi32> -> vector<16xf32>
      %parallel_loop3A_317 = arith.constant 256 : i32
      %parallel_loop3A_318 = arith.addi %parallel_loop3A_131, %parallel_loop3A_317 : i32
      %parallel_loop3A_319 = arith.constant 32 : i32
      %parallel_loop3A_320 = arith.addi %parallel_loop3A_318, %parallel_loop3A_319 : i32
      %parallel_loop3A_321 = arith.index_cast %parallel_loop3A_320 : i32 to index
      %parallel_loop3A_322 = tpu.vector_load %arg8[%parallel_loop3A_321] {strides = array<i32>} : memref<16384xf32, #tpu.memory_space<vmem>>, vector<16xf32>,
      tpu.vector_store %arg8[%parallel_loop3A_321], %parallel_loop3A_316 {strides = array<i32>} : memref<16384xf32, #tpu.memory_space<vmem>>, vector<16xf32>,
      %parallel_loop3A_323 = arith.constant 0 : i32
      %parallel_loop3A_324 = vector.broadcast %parallel_loop3A_323 : i32 to vector<16xi32>
      %parallel_loop3A_325 = arith.cmpi slt, %parallel_loop3A_274, %parallel_loop3A_324 : vector<16xi32>
      %parallel_loop3A_326 = arith.constant 16 : i32
      %parallel_loop3A_327 = vector.broadcast %parallel_loop3A_326 : i32 to vector<16xi32>
      %parallel_loop3A_328 = arith.addi %parallel_loop3A_274, %parallel_loop3A_327 : vector<16xi32>
      %parallel_loop3A_329 = arith.select %parallel_loop3A_325, %parallel_loop3A_328, %parallel_loop3A_274 : vector<16xi1>, vector<16xi32>
      %parallel_loop3A_330 = vector.shape_cast %parallel_loop3A_329 : vector<16xi32> to vector<16x1xi32>
      %parallel_loop3A_331 = vector.shape_cast %parallel_loop3A_330 : vector<16x1xi32> to vector<16xi32>
      %parallel_loop3A_332 = tpu.dynamic_gather %mul3A_86[%parallel_loop3A_331] in [0] : vector<16xf32>, vector<16xi32> -> vector<16xf32>
      %parallel_loop3A_333 = arith.constant 384 : i32
      %parallel_loop3A_334 = arith.addi %parallel_loop3A_131, %parallel_loop3A_333 : i32
      %parallel_loop3A_335 = arith.constant 32 : i32
      %parallel_loop3A_336 = arith.addi %parallel_loop3A_334, %parallel_loop3A_335 : i32
      %parallel_loop3A_337 = arith.index_cast %parallel_loop3A_336 : i32 to index
      %parallel_loop3A_338 = tpu.vector_load %arg8[%parallel_loop3A_337] {strides = array<i32>} : memref<16384xf32, #tpu.memory_space<vmem>>, vector<16xf32>,
      tpu.vector_store %arg8[%parallel_loop3A_337], %parallel_loop3A_332 {strides = array<i32>} : memref<16384xf32, #tpu.memory_space<vmem>>, vector<16xf32>,
      %parallel_loop3A_339 = arith.constant 0 : i32
      %parallel_loop3A_340 = arith.index_cast %parallel_loop3A_129 : i32 to index
      %parallel_loop3A_341 = arith.index_cast %parallel_loop3A_339 : i32 to index
      %parallel_loop3A_342 = arith.constant 48 : index
      %parallel_loop3A_343 = tpu.vector_load %arg6[%parallel_loop3A_340, %parallel_loop3A_341, %parallel_loop3A_342] {strides = array<i32>} : memref<32x1x128xi32, #tpu.memory_space<vmem>>, vector<16xi32>,
      %parallel_loop3A_344 = arith.constant 0 : i32
      %parallel_loop3A_345 = vector.broadcast %parallel_loop3A_344 : i32 to vector<16xi32>
      %parallel_loop3A_346 = arith.cmpi slt, %parallel_loop3A_343, %parallel_loop3A_345 : vector<16xi32>
      %parallel_loop3A_347 = arith.constant 16 : i32
      %parallel_loop3A_348 = vector.broadcast %parallel_loop3A_347 : i32 to vector<16xi32>
      %parallel_loop3A_349 = arith.addi %parallel_loop3A_343, %parallel_loop3A_348 : vector<16xi32>
      %parallel_loop3A_350 = arith.select %parallel_loop3A_346, %parallel_loop3A_349, %parallel_loop3A_343 : vector<16xi1>, vector<16xi32>
      %parallel_loop3A_351 = vector.shape_cast %parallel_loop3A_350 : vector<16xi32> to vector<16x1xi32>
      %parallel_loop3A_352 = vector.shape_cast %parallel_loop3A_351 : vector<16x1xi32> to vector<16xi32>
      %parallel_loop3A_353 = tpu.dynamic_gather %mul3A_83[%parallel_loop3A_352] in [0] : vector<16xf32>, vector<16xi32> -> vector<16xf32>
      %parallel_loop3A_354 = arith.constant 0 : i32
      %parallel_loop3A_355 = arith.addi %parallel_loop3A_131, %parallel_loop3A_354 : i32
      %parallel_loop3A_356 = arith.constant 48 : i32
      %parallel_loop3A_357 = arith.addi %parallel_loop3A_355, %parallel_loop3A_356 : i32
      %parallel_loop3A_358 = arith.index_cast %parallel_loop3A_357 : i32 to index
      %parallel_loop3A_359 = tpu.vector_load %arg8[%parallel_loop3A_358] {strides = array<i32>} : memref<16384xf32, #tpu.memory_space<vmem>>, vector<16xf32>,
      tpu.vector_store %arg8[%parallel_loop3A_358], %parallel_loop3A_353 {strides = array<i32>} : memref<16384xf32, #tpu.memory_space<vmem>>, vector<16xf32>,
      %parallel_loop3A_360 = arith.constant 0 : i32
      %parallel_loop3A_361 = vector.broadcast %parallel_loop3A_360 : i32 to vector<16xi32>
      %parallel_loop3A_362 = arith.cmpi slt, %parallel_loop3A_343, %parallel_loop3A_361 : vector<16xi32>
      %parallel_loop3A_363 = arith.constant 16 : i32
      %parallel_loop3A_364 = vector.broadcast %parallel_loop3A_363 : i32 to vector<16xi32>
      %parallel_loop3A_365 = arith.addi %parallel_loop3A_343, %parallel_loop3A_364 : vector<16xi32>
      %parallel_loop3A_366 = arith.select %parallel_loop3A_362, %parallel_loop3A_365, %parallel_loop3A_343 : vector<16xi1>, vector<16xi32>
      %parallel_loop3A_367 = vector.shape_cast %parallel_loop3A_366 : vector<16xi32> to vector<16x1xi32>
      %parallel_loop3A_368 = vector.shape_cast %parallel_loop3A_367 : vector<16x1xi32> to vector<16xi32>
      %parallel_loop3A_369 = tpu.dynamic_gather %mul3A_84[%parallel_loop3A_368] in [0] : vector<16xf32>, vector<16xi32> -> vector<16xf32>
      %parallel_loop3A_370 = arith.constant 128 : i32
      %parallel_loop3A_371 = arith.addi %parallel_loop3A_131, %parallel_loop3A_370 : i32
      %parallel_loop3A_372 = arith.constant 48 : i32
      %parallel_loop3A_373 = arith.addi %parallel_loop3A_371, %parallel_loop3A_372 : i32
      %parallel_loop3A_374 = arith.index_cast %parallel_loop3A_373 : i32 to index
      %parallel_loop3A_375 = tpu.vector_load %arg8[%parallel_loop3A_374] {strides = array<i32>} : memref<16384xf32, #tpu.memory_space<vmem>>, vector<16xf32>,
      tpu.vector_store %arg8[%parallel_loop3A_374], %parallel_loop3A_369 {strides = array<i32>} : memref<16384xf32, #tpu.memory_space<vmem>>, vector<16xf32>,
      %parallel_loop3A_376 = arith.constant 0 : i32
      %parallel_loop3A_377 = vector.broadcast %parallel_loop3A_376 : i32 to vector<16xi32>
      %parallel_loop3A_378 = arith.cmpi slt, %parallel_loop3A_343, %parallel_loop3A_377 : vector<16xi32>
      %parallel_loop3A_379 = arith.constant 16 : i32
      %parallel_loop3A_380 = vector.broadcast %parallel_loop3A_379 : i32 to vector<16xi32>
      %parallel_loop3A_381 = arith.addi %parallel_loop3A_343, %parallel_loop3A_380 : vector<16xi32>
      %parallel_loop3A_382 = arith.select %parallel_loop3A_378, %parallel_loop3A_381, %parallel_loop3A_343 : vector<16xi1>, vector<16xi32>
      %parallel_loop3A_383 = vector.shape_cast %parallel_loop3A_382 : vector<16xi32> to vector<16x1xi32>
      %parallel_loop3A_384 = vector.shape_cast %parallel_loop3A_383 : vector<16x1xi32> to vector<16xi32>
      %parallel_loop3A_385 = tpu.dynamic_gather %mul3A_85[%parallel_loop3A_384] in [0] : vector<16xf32>, vector<16xi32> -> vector<16xf32>
      %parallel_loop3A_386 = arith.constant 256 : i32
      %parallel_loop3A_387 = arith.addi %parallel_loop3A_131, %parallel_loop3A_386 : i32
      %parallel_loop3A_388 = arith.constant 48 : i32
      %parallel_loop3A_389 = arith.addi %parallel_loop3A_387, %parallel_loop3A_388 : i32
      %parallel_loop3A_390 = arith.index_cast %parallel_loop3A_389 : i32 to index
      %parallel_loop3A_391 = tpu.vector_load %arg8[%parallel_loop3A_390] {strides = array<i32>} : memref<16384xf32, #tpu.memory_space<vmem>>, vector<16xf32>,
      tpu.vector_store %arg8[%parallel_loop3A_390], %parallel_loop3A_385 {strides = array<i32>} : memref<16384xf32, #tpu.memory_space<vmem>>, vector<16xf32>,
      %parallel_loop3A_392 = arith.constant 0 : i32
      %parallel_loop3A_393 = vector.broadcast %parallel_loop3A_392 : i32 to vector<16xi32>
      %parallel_loop3A_394 = arith.cmpi slt, %parallel_loop3A_343, %parallel_loop3A_393 : vector<16xi32>
      %parallel_loop3A_395 = arith.constant 16 : i32
      %parallel_loop3A_396 = vector.broadcast %parallel_loop3A_395 : i32 to vector<16xi32>
      %parallel_loop3A_397 = arith.addi %parallel_loop3A_343, %parallel_loop3A_396 : vector<16xi32>
      %parallel_loop3A_398 = arith.select %parallel_loop3A_394, %parallel_loop3A_397, %parallel_loop3A_343 : vector<16xi1>, vector<16xi32>
      %parallel_loop3A_399 = vector.shape_cast %parallel_loop3A_398 : vector<16xi32> to vector<16x1xi32>
      %parallel_loop3A_400 = vector.shape_cast %parallel_loop3A_399 : vector<16x1xi32> to vector<16xi32>
      %parallel_loop3A_401 = tpu.dynamic_gather %mul3A_86[%parallel_loop3A_400] in [0] : vector<16xf32>, vector<16xi32> -> vector<16xf32>
      %parallel_loop3A_402 = arith.constant 384 : i32
      %parallel_loop3A_403 = arith.addi %parallel_loop3A_131, %parallel_loop3A_402 : i32
      %parallel_loop3A_404 = arith.constant 48 : i32
      %parallel_loop3A_405 = arith.addi %parallel_loop3A_403, %parallel_loop3A_404 : i32
      %parallel_loop3A_406 = arith.index_cast %parallel_loop3A_405 : i32 to index
      %parallel_loop3A_407 = tpu.vector_load %arg8[%parallel_loop3A_406] {strides = array<i32>} : memref<16384xf32, #tpu.memory_space<vmem>>, vector<16xf32>,
      tpu.vector_store %arg8[%parallel_loop3A_406], %parallel_loop3A_401 {strides = array<i32>} : memref<16384xf32, #tpu.memory_space<vmem>>, vector<16xf32>,
      %parallel_loop3A_408 = arith.constant 0 : i32
      %parallel_loop3A_409 = arith.index_cast %parallel_loop3A_129 : i32 to index
      %parallel_loop3A_410 = arith.index_cast %parallel_loop3A_408 : i32 to index
      %parallel_loop3A_411 = arith.constant 64 : index
      %parallel_loop3A_412 = tpu.vector_load %arg6[%parallel_loop3A_409, %parallel_loop3A_410, %parallel_loop3A_411] {strides = array<i32>} : memref<32x1x128xi32, #tpu.memory_space<vmem>>, vector<16xi32>,
      %parallel_loop3A_413 = arith.constant 0 : i32
      %parallel_loop3A_414 = vector.broadcast %parallel_loop3A_413 : i32 to vector<16xi32>
      %parallel_loop3A_415 = arith.cmpi slt, %parallel_loop3A_412, %parallel_loop3A_414 : vector<16xi32>
      %parallel_loop3A_416 = arith.constant 16 : i32
      %parallel_loop3A_417 = vector.broadcast %parallel_loop3A_416 : i32 to vector<16xi32>
      %parallel_loop3A_418 = arith.addi %parallel_loop3A_412, %parallel_loop3A_417 : vector<16xi32>
      %parallel_loop3A_419 = arith.select %parallel_loop3A_415, %parallel_loop3A_418, %parallel_loop3A_412 : vector<16xi1>, vector<16xi32>
      %parallel_loop3A_420 = vector.shape_cast %parallel_loop3A_419 : vector<16xi32> to vector<16x1xi32>
      %parallel_loop3A_421 = vector.shape_cast %parallel_loop3A_420 : vector<16x1xi32> to vector<16xi32>
      %parallel_loop3A_422 = tpu.dynamic_gather %mul3A_83[%parallel_loop3A_421] in [0] : vector<16xf32>, vector<16xi32> -> vector<16xf32>
      %parallel_loop3A_423 = arith.constant 0 : i32
      %parallel_loop3A_424 = arith.addi %parallel_loop3A_131, %parallel_loop3A_423 : i32
      %parallel_loop3A_425 = arith.constant 64 : i32
      %parallel_loop3A_426 = arith.addi %parallel_loop3A_424, %parallel_loop3A_425 : i32
      %parallel_loop3A_427 = arith.index_cast %parallel_loop3A_426 : i32 to index
      %parallel_loop3A_428 = tpu.vector_load %arg8[%parallel_loop3A_427] {strides = array<i32>} : memref<16384xf32, #tpu.memory_space<vmem>>, vector<16xf32>,
      tpu.vector_store %arg8[%parallel_loop3A_427], %parallel_loop3A_422 {strides = array<i32>} : memref<16384xf32, #tpu.memory_space<vmem>>, vector<16xf32>,
      %parallel_loop3A_429 = arith.constant 0 : i32
      %parallel_loop3A_430 = vector.broadcast %parallel_loop3A_429 : i32 to vector<16xi32>
      %parallel_loop3A_431 = arith.cmpi slt, %parallel_loop3A_412, %parallel_loop3A_430 : vector<16xi32>
      %parallel_loop3A_432 = arith.constant 16 : i32
      %parallel_loop3A_433 = vector.broadcast %parallel_loop3A_432 : i32 to vector<16xi32>
      %parallel_loop3A_434 = arith.addi %parallel_loop3A_412, %parallel_loop3A_433 : vector<16xi32>
      %parallel_loop3A_435 = arith.select %parallel_loop3A_431, %parallel_loop3A_434, %parallel_loop3A_412 : vector<16xi1>, vector<16xi32>
      %parallel_loop3A_436 = vector.shape_cast %parallel_loop3A_435 : vector<16xi32> to vector<16x1xi32>
      %parallel_loop3A_437 = vector.shape_cast %parallel_loop3A_436 : vector<16x1xi32> to vector<16xi32>
      %parallel_loop3A_438 = tpu.dynamic_gather %mul3A_84[%parallel_loop3A_437] in [0] : vector<16xf32>, vector<16xi32> -> vector<16xf32>
      %parallel_loop3A_439 = arith.constant 128 : i32
      %parallel_loop3A_440 = arith.addi %parallel_loop3A_131, %parallel_loop3A_439 : i32
      %parallel_loop3A_441 = arith.constant 64 : i32
      %parallel_loop3A_442 = arith.addi %parallel_loop3A_440, %parallel_loop3A_441 : i32
      %parallel_loop3A_443 = arith.index_cast %parallel_loop3A_442 : i32 to index
      %parallel_loop3A_444 = tpu.vector_load %arg8[%parallel_loop3A_443] {strides = array<i32>} : memref<16384xf32, #tpu.memory_space<vmem>>, vector<16xf32>,
      tpu.vector_store %arg8[%parallel_loop3A_443], %parallel_loop3A_438 {strides = array<i32>} : memref<16384xf32, #tpu.memory_space<vmem>>, vector<16xf32>,
      %parallel_loop3A_445 = arith.constant 0 : i32
      %parallel_loop3A_446 = vector.broadcast %parallel_loop3A_445 : i32 to vector<16xi32>
      %parallel_loop3A_447 = arith.cmpi slt, %parallel_loop3A_412, %parallel_loop3A_446 : vector<16xi32>
      %parallel_loop3A_448 = arith.constant 16 : i32
      %parallel_loop3A_449 = vector.broadcast %parallel_loop3A_448 : i32 to vector<16xi32>
      %parallel_loop3A_450 = arith.addi %parallel_loop3A_412, %parallel_loop3A_449 : vector<16xi32>
      %parallel_loop3A_451 = arith.select %parallel_loop3A_447, %parallel_loop3A_450, %parallel_loop3A_412 : vector<16xi1>, vector<16xi32>
      %parallel_loop3A_452 = vector.shape_cast %parallel_loop3A_451 : vector<16xi32> to vector<16x1xi32>
      %parallel_loop3A_453 = vector.shape_cast %parallel_loop3A_452 : vector<16x1xi32> to vector<16xi32>
      %parallel_loop3A_454 = tpu.dynamic_gather %mul3A_85[%parallel_loop3A_453] in [0] : vector<16xf32>, vector<16xi32> -> vector<16xf32>
      %parallel_loop3A_455 = arith.constant 256 : i32
      %parallel_loop3A_456 = arith.addi %parallel_loop3A_131, %parallel_loop3A_455 : i32
      %parallel_loop3A_457 = arith.constant 64 : i32
      %parallel_loop3A_458 = arith.addi %parallel_loop3A_456, %parallel_loop3A_457 : i32
      %parallel_loop3A_459 = arith.index_cast %parallel_loop3A_458 : i32 to index
      %parallel_loop3A_460 = tpu.vector_load %arg8[%parallel_loop3A_459] {strides = array<i32>} : memref<16384xf32, #tpu.memory_space<vmem>>, vector<16xf32>,
      tpu.vector_store %arg8[%parallel_loop3A_459], %parallel_loop3A_454 {strides = array<i32>} : memref<16384xf32, #tpu.memory_space<vmem>>, vector<16xf32>,
      %parallel_loop3A_461 = arith.constant 0 : i32
      %parallel_loop3A_462 = vector.broadcast %parallel_loop3A_461 : i32 to vector<16xi32>
      %parallel_loop3A_463 = arith.cmpi slt, %parallel_loop3A_412, %parallel_loop3A_462 : vector<16xi32>
      %parallel_loop3A_464 = arith.constant 16 : i32
      %parallel_loop3A_465 = vector.broadcast %parallel_loop3A_464 : i32 to vector<16xi32>
      %parallel_loop3A_466 = arith.addi %parallel_loop3A_412, %parallel_loop3A_465 : vector<16xi32>
      %parallel_loop3A_467 = arith.select %parallel_loop3A_463, %parallel_loop3A_466, %parallel_loop3A_412 : vector<16xi1>, vector<16xi32>
      %parallel_loop3A_468 = vector.shape_cast %parallel_loop3A_467 : vector<16xi32> to vector<16x1xi32>
      %parallel_loop3A_469 = vector.shape_cast %parallel_loop3A_468 : vector<16x1xi32> to vector<16xi32>
      %parallel_loop3A_470 = tpu.dynamic_gather %mul3A_86[%parallel_loop3A_469] in [0] : vector<16xf32>, vector<16xi32> -> vector<16xf32>
      %parallel_loop3A_471 = arith.constant 384 : i32
      %parallel_loop3A_472 = arith.addi %parallel_loop3A_131, %parallel_loop3A_471 : i32
      %parallel_loop3A_473 = arith.constant 64 : i32
      %parallel_loop3A_474 = arith.addi %parallel_loop3A_472, %parallel_loop3A_473 : i32
      %parallel_loop3A_475 = arith.index_cast %parallel_loop3A_474 : i32 to index
      %parallel_loop3A_476 = tpu.vector_load %arg8[%parallel_loop3A_475] {strides = array<i32>} : memref<16384xf32, #tpu.memory_space<vmem>>, vector<16xf32>,
      tpu.vector_store %arg8[%parallel_loop3A_475], %parallel_loop3A_470 {strides = array<i32>} : memref<16384xf32, #tpu.memory_space<vmem>>, vector<16xf32>,
      %parallel_loop3A_477 = arith.constant 0 : i32
      %parallel_loop3A_478 = arith.index_cast %parallel_loop3A_129 : i32 to index
      %parallel_loop3A_479 = arith.index_cast %parallel_loop3A_477 : i32 to index
      %parallel_loop3A_480 = arith.constant 80 : index
      %parallel_loop3A_481 = tpu.vector_load %arg6[%parallel_loop3A_478, %parallel_loop3A_479, %parallel_loop3A_480] {strides = array<i32>} : memref<32x1x128xi32, #tpu.memory_space<vmem>>, vector<16xi32>,
      %parallel_loop3A_482 = arith.constant 0 : i32
      %parallel_loop3A_483 = vector.broadcast %parallel_loop3A_482 : i32 to vector<16xi32>
      %parallel_loop3A_484 = arith.cmpi slt, %parallel_loop3A_481, %parallel_loop3A_483 : vector<16xi32>
      %parallel_loop3A_485 = arith.constant 16 : i32
      %parallel_loop3A_486 = vector.broadcast %parallel_loop3A_485 : i32 to vector<16xi32>
      %parallel_loop3A_487 = arith.addi %parallel_loop3A_481, %parallel_loop3A_486 : vector<16xi32>
      %parallel_loop3A_488 = arith.select %parallel_loop3A_484, %parallel_loop3A_487, %parallel_loop3A_481 : vector<16xi1>, vector<16xi32>
      %parallel_loop3A_489 = vector.shape_cast %parallel_loop3A_488 : vector<16xi32> to vector<16x1xi32>
      %parallel_loop3A_490 = vector.shape_cast %parallel_loop3A_489 : vector<16x1xi32> to vector<16xi32>
      %parallel_loop3A_491 = tpu.dynamic_gather %mul3A_83[%parallel_loop3A_490] in [0] : vector<16xf32>, vector<16xi32> -> vector<16xf32>
      %parallel_loop3A_492 = arith.constant 0 : i32
      %parallel_loop3A_493 = arith.addi %parallel_loop3A_131, %parallel_loop3A_492 : i32
      %parallel_loop3A_494 = arith.constant 80 : i32
      %parallel_loop3A_495 = arith.addi %parallel_loop3A_493, %parallel_loop3A_494 : i32
      %parallel_loop3A_496 = arith.index_cast %parallel_loop3A_495 : i32 to index
      %parallel_loop3A_497 = tpu.vector_load %arg8[%parallel_loop3A_496] {strides = array<i32>} : memref<16384xf32, #tpu.memory_space<vmem>>, vector<16xf32>,
      tpu.vector_store %arg8[%parallel_loop3A_496], %parallel_loop3A_491 {strides = array<i32>} : memref<16384xf32, #tpu.memory_space<vmem>>, vector<16xf32>,
      %parallel_loop3A_498 = arith.constant 0 : i32
      %parallel_loop3A_499 = vector.broadcast %parallel_loop3A_498 : i32 to vector<16xi32>
      %parallel_loop3A_500 = arith.cmpi slt, %parallel_loop3A_481, %parallel_loop3A_499 : vector<16xi32>
      %parallel_loop3A_501 = arith.constant 16 : i32
      %parallel_loop3A_502 = vector.broadcast %parallel_loop3A_501 : i32 to vector<16xi32>
      %parallel_loop3A_503 = arith.addi %parallel_loop3A_481, %parallel_loop3A_502 : vector<16xi32>
      %parallel_loop3A_504 = arith.select %parallel_loop3A_500, %parallel_loop3A_503, %parallel_loop3A_481 : vector<16xi1>, vector<16xi32>
      %parallel_loop3A_505 = vector.shape_cast %parallel_loop3A_504 : vector<16xi32> to vector<16x1xi32>
      %parallel_loop3A_506 = vector.shape_cast %parallel_loop3A_505 : vector<16x1xi32> to vector<16xi32>
      %parallel_loop3A_507 = tpu.dynamic_gather %mul3A_84[%parallel_loop3A_506] in [0] : vector<16xf32>, vector<16xi32> -> vector<16xf32>
      %parallel_loop3A_508 = arith.constant 128 : i32
      %parallel_loop3A_509 = arith.addi %parallel_loop3A_131, %parallel_loop3A_508 : i32
      %parallel_loop3A_510 = arith.constant 80 : i32
      %parallel_loop3A_511 = arith.addi %parallel_loop3A_509, %parallel_loop3A_510 : i32
      %parallel_loop3A_512 = arith.index_cast %parallel_loop3A_511 : i32 to index
      %parallel_loop3A_513 = tpu.vector_load %arg8[%parallel_loop3A_512] {strides = array<i32>} : memref<16384xf32, #tpu.memory_space<vmem>>, vector<16xf32>,
      tpu.vector_store %arg8[%parallel_loop3A_512], %parallel_loop3A_507 {strides = array<i32>} : memref<16384xf32, #tpu.memory_space<vmem>>, vector<16xf32>,
      %parallel_loop3A_514 = arith.constant 0 : i32
      %parallel_loop3A_515 = vector.broadcast %parallel_loop3A_514 : i32 to vector<16xi32>
      %parallel_loop3A_516 = arith.cmpi slt, %parallel_loop3A_481, %parallel_loop3A_515 : vector<16xi32>
      %parallel_loop3A_517 = arith.constant 16 : i32
      %parallel_loop3A_518 = vector.broadcast %parallel_loop3A_517 : i32 to vector<16xi32>
      %parallel_loop3A_519 = arith.addi %parallel_loop3A_481, %parallel_loop3A_518 : vector<16xi32>
      %parallel_loop3A_520 = arith.select %parallel_loop3A_516, %parallel_loop3A_519, %parallel_loop3A_481 : vector<16xi1>, vector<16xi32>
      %parallel_loop3A_521 = vector.shape_cast %parallel_loop3A_520 : vector<16xi32> to vector<16x1xi32>
      %parallel_loop3A_522 = vector.shape_cast %parallel_loop3A_521 : vector<16x1xi32> to vector<16xi32>
      %parallel_loop3A_523 = tpu.dynamic_gather %mul3A_85[%parallel_loop3A_522] in [0] : vector<16xf32>, vector<16xi32> -> vector<16xf32>
      %parallel_loop3A_524 = arith.constant 256 : i32
      %parallel_loop3A_525 = arith.addi %parallel_loop3A_131, %parallel_loop3A_524 : i32
      %parallel_loop3A_526 = arith.constant 80 : i32
      %parallel_loop3A_527 = arith.addi %parallel_loop3A_525, %parallel_loop3A_526 : i32
      %parallel_loop3A_528 = arith.index_cast %parallel_loop3A_527 : i32 to index
      %parallel_loop3A_529 = tpu.vector_load %arg8[%parallel_loop3A_528] {strides = array<i32>} : memref<16384xf32, #tpu.memory_space<vmem>>, vector<16xf32>,
      tpu.vector_store %arg8[%parallel_loop3A_528], %parallel_loop3A_523 {strides = array<i32>} : memref<16384xf32, #tpu.memory_space<vmem>>, vector<16xf32>,
      %parallel_loop3A_530 = arith.constant 0 : i32
      %parallel_loop3A_531 = vector.broadcast %parallel_loop3A_530 : i32 to vector<16xi32>
      %parallel_loop3A_532 = arith.cmpi slt, %parallel_loop3A_481, %parallel_loop3A_531 : vector<16xi32>
      %parallel_loop3A_533 = arith.constant 16 : i32
      %parallel_loop3A_534 = vector.broadcast %parallel_loop3A_533 : i32 to vector<16xi32>
      %parallel_loop3A_535 = arith.addi %parallel_loop3A_481, %parallel_loop3A_534 : vector<16xi32>
      %parallel_loop3A_536 = arith.select %parallel_loop3A_532, %parallel_loop3A_535, %parallel_loop3A_481 : vector<16xi1>, vector<16xi32>
      %parallel_loop3A_537 = vector.shape_cast %parallel_loop3A_536 : vector<16xi32> to vector<16x1xi32>
      %parallel_loop3A_538 = vector.shape_cast %parallel_loop3A_537 : vector<16x1xi32> to vector<16xi32>
      %parallel_loop3A_539 = tpu.dynamic_gather %mul3A_86[%parallel_loop3A_538] in [0] : vector<16xf32>, vector<16xi32> -> vector<16xf32>
      %parallel_loop3A_540 = arith.constant 384 : i32
      %parallel_loop3A_541 = arith.addi %parallel_loop3A_131, %parallel_loop3A_540 : i32
      %parallel_loop3A_542 = arith.constant 80 : i32
      %parallel_loop3A_543 = arith.addi %parallel_loop3A_541, %parallel_loop3A_542 : i32
      %parallel_loop3A_544 = arith.index_cast %parallel_loop3A_543 : i32 to index
      %parallel_loop3A_545 = tpu.vector_load %arg8[%parallel_loop3A_544] {strides = array<i32>} : memref<16384xf32, #tpu.memory_space<vmem>>, vector<16xf32>,
      tpu.vector_store %arg8[%parallel_loop3A_544], %parallel_loop3A_539 {strides = array<i32>} : memref<16384xf32, #tpu.memory_space<vmem>>, vector<16xf32>,
      %parallel_loop3A_546 = arith.constant 0 : i32
      %parallel_loop3A_547 = arith.index_cast %parallel_loop3A_129 : i32 to index
      %parallel_loop3A_548 = arith.index_cast %parallel_loop3A_546 : i32 to index
      %parallel_loop3A_549 = arith.constant 96 : index
      %parallel_loop3A_550 = tpu.vector_load %arg6[%parallel_loop3A_547, %parallel_loop3A_548, %parallel_loop3A_549] {strides = array<i32>} : memref<32x1x128xi32, #tpu.memory_space<vmem>>, vector<16xi32>,
      %parallel_loop3A_551 = arith.constant 0 : i32
      %parallel_loop3A_552 = vector.broadcast %parallel_loop3A_551 : i32 to vector<16xi32>
      %parallel_loop3A_553 = arith.cmpi slt, %parallel_loop3A_550, %parallel_loop3A_552 : vector<16xi32>
      %parallel_loop3A_554 = arith.constant 16 : i32
      %parallel_loop3A_555 = vector.broadcast %parallel_loop3A_554 : i32 to vector<16xi32>
      %parallel_loop3A_556 = arith.addi %parallel_loop3A_550, %parallel_loop3A_555 : vector<16xi32>
      %parallel_loop3A_557 = arith.select %parallel_loop3A_553, %parallel_loop3A_556, %parallel_loop3A_550 : vector<16xi1>, vector<16xi32>
      %parallel_loop3A_558 = vector.shape_cast %parallel_loop3A_557 : vector<16xi32> to vector<16x1xi32>
      %parallel_loop3A_559 = vector.shape_cast %parallel_loop3A_558 : vector<16x1xi32> to vector<16xi32>
      %parallel_loop3A_560 = tpu.dynamic_gather %mul3A_83[%parallel_loop3A_559] in [0] : vector<16xf32>, vector<16xi32> -> vector<16xf32>
      %parallel_loop3A_561 = arith.constant 0 : i32
      %parallel_loop3A_562 = arith.addi %parallel_loop3A_131, %parallel_loop3A_561 : i32
      %parallel_loop3A_563 = arith.constant 96 : i32
      %parallel_loop3A_564 = arith.addi %parallel_loop3A_562, %parallel_loop3A_563 : i32
      %parallel_loop3A_565 = arith.index_cast %parallel_loop3A_564 : i32 to index
      %parallel_loop3A_566 = tpu.vector_load %arg8[%parallel_loop3A_565] {strides = array<i32>} : memref<16384xf32, #tpu.memory_space<vmem>>, vector<16xf32>,
      tpu.vector_store %arg8[%parallel_loop3A_565], %parallel_loop3A_560 {strides = array<i32>} : memref<16384xf32, #tpu.memory_space<vmem>>, vector<16xf32>,
      %parallel_loop3A_567 = arith.constant 0 : i32
      %parallel_loop3A_568 = vector.broadcast %parallel_loop3A_567 : i32 to vector<16xi32>
      %parallel_loop3A_569 = arith.cmpi slt, %parallel_loop3A_550, %parallel_loop3A_568 : vector<16xi32>
      %parallel_loop3A_570 = arith.constant 16 : i32
      %parallel_loop3A_571 = vector.broadcast %parallel_loop3A_570 : i32 to vector<16xi32>
      %parallel_loop3A_572 = arith.addi %parallel_loop3A_550, %parallel_loop3A_571 : vector<16xi32>
      %parallel_loop3A_573 = arith.select %parallel_loop3A_569, %parallel_loop3A_572, %parallel_loop3A_550 : vector<16xi1>, vector<16xi32>
      %parallel_loop3A_574 = vector.shape_cast %parallel_loop3A_573 : vector<16xi32> to vector<16x1xi32>
      %parallel_loop3A_575 = vector.shape_cast %parallel_loop3A_574 : vector<16x1xi32> to vector<16xi32>
      %parallel_loop3A_576 = tpu.dynamic_gather %mul3A_84[%parallel_loop3A_575] in [0] : vector<16xf32>, vector<16xi32> -> vector<16xf32>
      %parallel_loop3A_577 = arith.constant 128 : i32
      %parallel_loop3A_578 = arith.addi %parallel_loop3A_131, %parallel_loop3A_577 : i32
      %parallel_loop3A_579 = arith.constant 96 : i32
      %parallel_loop3A_580 = arith.addi %parallel_loop3A_578, %parallel_loop3A_579 : i32
      %parallel_loop3A_581 = arith.index_cast %parallel_loop3A_580 : i32 to index
      %parallel_loop3A_582 = tpu.vector_load %arg8[%parallel_loop3A_581] {strides = array<i32>} : memref<16384xf32, #tpu.memory_space<vmem>>, vector<16xf32>,
      tpu.vector_store %arg8[%parallel_loop3A_581], %parallel_loop3A_576 {strides = array<i32>} : memref<16384xf32, #tpu.memory_space<vmem>>, vector<16xf32>,
      %parallel_loop3A_583 = arith.constant 0 : i32
      %parallel_loop3A_584 = vector.broadcast %parallel_loop3A_583 : i32 to vector<16xi32>
      %parallel_loop3A_585 = arith.cmpi slt, %parallel_loop3A_550, %parallel_loop3A_584 : vector<16xi32>
      %parallel_loop3A_586 = arith.constant 16 : i32
      %parallel_loop3A_587 = vector.broadcast %parallel_loop3A_586 : i32 to vector<16xi32>
      %parallel_loop3A_588 = arith.addi %parallel_loop3A_550, %parallel_loop3A_587 : vector<16xi32>
      %parallel_loop3A_589 = arith.select %parallel_loop3A_585, %parallel_loop3A_588, %parallel_loop3A_550 : vector<16xi1>, vector<16xi32>
      %parallel_loop3A_590 = vector.shape_cast %parallel_loop3A_589 : vector<16xi32> to vector<16x1xi32>
      %parallel_loop3A_591 = vector.shape_cast %parallel_loop3A_590 : vector<16x1xi32> to vector<16xi32>
      %parallel_loop3A_592 = tpu.dynamic_gather %mul3A_85[%parallel_loop3A_591] in [0] : vector<16xf32>, vector<16xi32> -> vector<16xf32>
      %parallel_loop3A_593 = arith.constant 256 : i32
      %parallel_loop3A_594 = arith.addi %parallel_loop3A_131, %parallel_loop3A_593 : i32
      %parallel_loop3A_595 = arith.constant 96 : i32
      %parallel_loop3A_596 = arith.addi %parallel_loop3A_594, %parallel_loop3A_595 : i32
      %parallel_loop3A_597 = arith.index_cast %parallel_loop3A_596 : i32 to index
      %parallel_loop3A_598 = tpu.vector_load %arg8[%parallel_loop3A_597] {strides = array<i32>} : memref<16384xf32, #tpu.memory_space<vmem>>, vector<16xf32>,
      tpu.vector_store %arg8[%parallel_loop3A_597], %parallel_loop3A_592 {strides = array<i32>} : memref<16384xf32, #tpu.memory_space<vmem>>, vector<16xf32>,
      %parallel_loop3A_599 = arith.constant 0 : i32
      %parallel_loop3A_600 = vector.broadcast %parallel_loop3A_599 : i32 to vector<16xi32>
      %parallel_loop3A_601 = arith.cmpi slt, %parallel_loop3A_550, %parallel_loop3A_600 : vector<16xi32>
      %parallel_loop3A_602 = arith.constant 16 : i32
      %parallel_loop3A_603 = vector.broadcast %parallel_loop3A_602 : i32 to vector<16xi32>
      %parallel_loop3A_604 = arith.addi %parallel_loop3A_550, %parallel_loop3A_603 : vector<16xi32>
      %parallel_loop3A_605 = arith.select %parallel_loop3A_601, %parallel_loop3A_604, %parallel_loop3A_550 : vector<16xi1>, vector<16xi32>
      %parallel_loop3A_606 = vector.shape_cast %parallel_loop3A_605 : vector<16xi32> to vector<16x1xi32>
      %parallel_loop3A_607 = vector.shape_cast %parallel_loop3A_606 : vector<16x1xi32> to vector<16xi32>
      %parallel_loop3A_608 = tpu.dynamic_gather %mul3A_86[%parallel_loop3A_607] in [0] : vector<16xf32>, vector<16xi32> -> vector<16xf32>
      %parallel_loop3A_609 = arith.constant 384 : i32
      %parallel_loop3A_610 = arith.addi %parallel_loop3A_131, %parallel_loop3A_609 : i32
      %parallel_loop3A_611 = arith.constant 96 : i32
      %parallel_loop3A_612 = arith.addi %parallel_loop3A_610, %parallel_loop3A_611 : i32
      %parallel_loop3A_613 = arith.index_cast %parallel_loop3A_612 : i32 to index
      %parallel_loop3A_614 = tpu.vector_load %arg8[%parallel_loop3A_613] {strides = array<i32>} : memref<16384xf32, #tpu.memory_space<vmem>>, vector<16xf32>,
      tpu.vector_store %arg8[%parallel_loop3A_613], %parallel_loop3A_608 {strides = array<i32>} : memref<16384xf32, #tpu.memory_space<vmem>>, vector<16xf32>,
      %parallel_loop3A_615 = arith.constant 0 : i32
      %parallel_loop3A_616 = arith.index_cast %parallel_loop3A_129 : i32 to index
      %parallel_loop3A_617 = arith.index_cast %parallel_loop3A_615 : i32 to index
      %parallel_loop3A_618 = arith.constant 112 : index
      %parallel_loop3A_619 = tpu.vector_load %arg6[%parallel_loop3A_616, %parallel_loop3A_617, %parallel_loop3A_618] {strides = array<i32>} : memref<32x1x128xi32, #tpu.memory_space<vmem>>, vector<16xi32>,
      %parallel_loop3A_620 = arith.constant 0 : i32
      %parallel_loop3A_621 = vector.broadcast %parallel_loop3A_620 : i32 to vector<16xi32>
      %parallel_loop3A_622 = arith.cmpi slt, %parallel_loop3A_619, %parallel_loop3A_621 : vector<16xi32>
      %parallel_loop3A_623 = arith.constant 16 : i32
      %parallel_loop3A_624 = vector.broadcast %parallel_loop3A_623 : i32 to vector<16xi32>
      %parallel_loop3A_625 = arith.addi %parallel_loop3A_619, %parallel_loop3A_624 : vector<16xi32>
      %parallel_loop3A_626 = arith.select %parallel_loop3A_622, %parallel_loop3A_625, %parallel_loop3A_619 : vector<16xi1>, vector<16xi32>
      %parallel_loop3A_627 = vector.shape_cast %parallel_loop3A_626 : vector<16xi32> to vector<16x1xi32>
      %parallel_loop3A_628 = vector.shape_cast %parallel_loop3A_627 : vector<16x1xi32> to vector<16xi32>
      %parallel_loop3A_629 = tpu.dynamic_gather %mul3A_83[%parallel_loop3A_628] in [0] : vector<16xf32>, vector<16xi32> -> vector<16xf32>
      %parallel_loop3A_630 = arith.constant 0 : i32
      %parallel_loop3A_631 = arith.addi %parallel_loop3A_131, %parallel_loop3A_630 : i32
      %parallel_loop3A_632 = arith.constant 112 : i32
      %parallel_loop3A_633 = arith.addi %parallel_loop3A_631, %parallel_loop3A_632 : i32
      %parallel_loop3A_634 = arith.index_cast %parallel_loop3A_633 : i32 to index
      %parallel_loop3A_635 = tpu.vector_load %arg8[%parallel_loop3A_634] {strides = array<i32>} : memref<16384xf32, #tpu.memory_space<vmem>>, vector<16xf32>,
      tpu.vector_store %arg8[%parallel_loop3A_634], %parallel_loop3A_629 {strides = array<i32>} : memref<16384xf32, #tpu.memory_space<vmem>>, vector<16xf32>,
      %parallel_loop3A_636 = arith.constant 0 : i32
      %parallel_loop3A_637 = vector.broadcast %parallel_loop3A_636 : i32 to vector<16xi32>
      %parallel_loop3A_638 = arith.cmpi slt, %parallel_loop3A_619, %parallel_loop3A_637 : vector<16xi32>
      %parallel_loop3A_639 = arith.constant 16 : i32
      %parallel_loop3A_640 = vector.broadcast %parallel_loop3A_639 : i32 to vector<16xi32>
      %parallel_loop3A_641 = arith.addi %parallel_loop3A_619, %parallel_loop3A_640 : vector<16xi32>
      %parallel_loop3A_642 = arith.select %parallel_loop3A_638, %parallel_loop3A_641, %parallel_loop3A_619 : vector<16xi1>, vector<16xi32>
      %parallel_loop3A_643 = vector.shape_cast %parallel_loop3A_642 : vector<16xi32> to vector<16x1xi32>
      %parallel_loop3A_644 = vector.shape_cast %parallel_loop3A_643 : vector<16x1xi32> to vector<16xi32>
      %parallel_loop3A_645 = tpu.dynamic_gather %mul3A_84[%parallel_loop3A_644] in [0] : vector<16xf32>, vector<16xi32> -> vector<16xf32>
      %parallel_loop3A_646 = arith.constant 128 : i32
      %parallel_loop3A_647 = arith.addi %parallel_loop3A_131, %parallel_loop3A_646 : i32
      %parallel_loop3A_648 = arith.constant 112 : i32
      %parallel_loop3A_649 = arith.addi %parallel_loop3A_647, %parallel_loop3A_648 : i32
      %parallel_loop3A_650 = arith.index_cast %parallel_loop3A_649 : i32 to index
      %parallel_loop3A_651 = tpu.vector_load %arg8[%parallel_loop3A_650] {strides = array<i32>} : memref<16384xf32, #tpu.memory_space<vmem>>, vector<16xf32>,
      tpu.vector_store %arg8[%parallel_loop3A_650], %parallel_loop3A_645 {strides = array<i32>} : memref<16384xf32, #tpu.memory_space<vmem>>, vector<16xf32>,
      %parallel_loop3A_652 = arith.constant 0 : i32
      %parallel_loop3A_653 = vector.broadcast %parallel_loop3A_652 : i32 to vector<16xi32>
      %parallel_loop3A_654 = arith.cmpi slt, %parallel_loop3A_619, %parallel_loop3A_653 : vector<16xi32>
      %parallel_loop3A_655 = arith.constant 16 : i32
      %parallel_loop3A_656 = vector.broadcast %parallel_loop3A_655 : i32 to vector<16xi32>
      %parallel_loop3A_657 = arith.addi %parallel_loop3A_619, %parallel_loop3A_656 : vector<16xi32>
      %parallel_loop3A_658 = arith.select %parallel_loop3A_654, %parallel_loop3A_657, %parallel_loop3A_619 : vector<16xi1>, vector<16xi32>
      %parallel_loop3A_659 = vector.shape_cast %parallel_loop3A_658 : vector<16xi32> to vector<16x1xi32>
      %parallel_loop3A_660 = vector.shape_cast %parallel_loop3A_659 : vector<16x1xi32> to vector<16xi32>
      %parallel_loop3A_661 = tpu.dynamic_gather %mul3A_85[%parallel_loop3A_660] in [0] : vector<16xf32>, vector<16xi32> -> vector<16xf32>
      %parallel_loop3A_662 = arith.constant 256 : i32
      %parallel_loop3A_663 = arith.addi %parallel_loop3A_131, %parallel_loop3A_662 : i32
      %parallel_loop3A_664 = arith.constant 112 : i32
      %parallel_loop3A_665 = arith.addi %parallel_loop3A_663, %parallel_loop3A_664 : i32
      %parallel_loop3A_666 = arith.index_cast %parallel_loop3A_665 : i32 to index
      %parallel_loop3A_667 = tpu.vector_load %arg8[%parallel_loop3A_666] {strides = array<i32>} : memref<16384xf32, #tpu.memory_space<vmem>>, vector<16xf32>,
      tpu.vector_store %arg8[%parallel_loop3A_666], %parallel_loop3A_661 {strides = array<i32>} : memref<16384xf32, #tpu.memory_space<vmem>>, vector<16xf32>,
      %parallel_loop3A_668 = arith.constant 0 : i32
      %parallel_loop3A_669 = vector.broadcast %parallel_loop3A_668 : i32 to vector<16xi32>
      %parallel_loop3A_670 = arith.cmpi slt, %parallel_loop3A_619, %parallel_loop3A_669 : vector<16xi32>
      %parallel_loop3A_671 = arith.constant 16 : i32
      %parallel_loop3A_672 = vector.broadcast %parallel_loop3A_671 : i32 to vector<16xi32>
      %parallel_loop3A_673 = arith.addi %parallel_loop3A_619, %parallel_loop3A_672 : vector<16xi32>
      %parallel_loop3A_674 = arith.select %parallel_loop3A_670, %parallel_loop3A_673, %parallel_loop3A_619 : vector<16xi1>, vector<16xi32>
      %parallel_loop3A_675 = vector.shape_cast %parallel_loop3A_674 : vector<16xi32> to vector<16x1xi32>
      %parallel_loop3A_676 = vector.shape_cast %parallel_loop3A_675 : vector<16x1xi32> to vector<16xi32>
      %parallel_loop3A_677 = tpu.dynamic_gather %mul3A_86[%parallel_loop3A_676] in [0] : vector<16xf32>, vector<16xi32> -> vector<16xf32>
      %parallel_loop3A_678 = arith.constant 384 : i32
      %parallel_loop3A_679 = arith.addi %parallel_loop3A_131, %parallel_loop3A_678 : i32
      %parallel_loop3A_680 = arith.constant 112 : i32
      %parallel_loop3A_681 = arith.addi %parallel_loop3A_679, %parallel_loop3A_680 : i32
      %parallel_loop3A_682 = arith.index_cast %parallel_loop3A_681 : i32 to index
      %parallel_loop3A_683 = tpu.vector_load %arg8[%parallel_loop3A_682] {strides = array<i32>} : memref<16384xf32, #tpu.memory_space<vmem>>, vector<16xf32>,
      tpu.vector_store %arg8[%parallel_loop3A_682], %parallel_loop3A_677 {strides = array<i32>} : memref<16384xf32, #tpu.memory_space<vmem>>, vector<16xf32>,
    } {sc.loop_unroll_factor = 4 : i64, sc.parallel_access}
    %add3A_108 = arith.constant 24 : i32
    %add3A_109 = arith.addi %mul3A_2, %add3A_108 : i32
    %shift_right_logical3A_110 = arith.constant 2 : i32
    %shift_right_logical3A_111 = arith.shrui %add3A_109, %shift_right_logical3A_110 : i32
    %and3A_112 = arith.constant 3 : i32
    %and3A_113 = arith.andi %add3A_109, %and3A_112 : i32
    %mul3A_114 = arith.constant 65536 : i32
    %mul3A_115 = arith.muli %shift_right_logical3A_111, %mul3A_114 : i32
    %mul3A_116 = arith.constant 16384 : i32
    %mul3A_117 = arith.muli %and3A_113, %mul3A_116 : i32
    %add3A_118 = arith.addi %mul3A_115, %mul3A_117 : i32
    %dma_start3A_119 = tpu.memref_slice %arg4[%add3A_118] : memref<13107200xf32, #tpu.memory_space<hbm>> -> memref<16384xf32, #tpu.memory_space<hbm>>
    %dma_start3A_120 = tpu.memref_slice %arg4[%add3A_118] : memref<13107200xf32, #tpu.memory_space<hbm>> -> memref<16384xf32, #tpu.memory_space<hbm>>
    tpu.enqueue_dma source(%arg8 : memref<16384xf32, #tpu.memory_space<vmem>>) target(%dma_start3A_120 : memref<16384xf32, #tpu.memory_space<hbm>>) target_semaphore(%arg12 : memref<!tpu.dma_semaphore, #tpu.memory_space<semaphore_mem>>)
    %dma_wait3A_121 = arith.constant 0 : i32
    %dma_wait3A_122 = tpu.memref_slice %arg4[%dma_wait3A_121] : memref<13107200xf32, #tpu.memory_space<hbm>> -> memref<16384xf32, #tpu.memory_space<hbm>>
    %dma_wait3A_123 = arith.constant 0 : i32
    %dma_wait3A_124 = tpu.memref_slice %arg4[%dma_wait3A_123] : memref<13107200xf32, #tpu.memory_space<hbm>> -> memref<16384xf32, #tpu.memory_space<hbm>>
    tpu.wait_dma2 semaphore(%arg12 : memref<!tpu.dma_semaphore, #tpu.memory_space<semaphore_mem>>) src(%arg8 : memref<16384xf32, #tpu.memory_space<vmem>>) dst(%dma_wait3A_124 : memref<16384xf32, #tpu.memory_space<hbm>>)
    %dma_wait3A_125 = arith.constant 0 : i32
    %dma_wait3A_126 = tpu.memref_slice %arg4[%dma_wait3A_125] : memref<13107200xf32, #tpu.memory_space<hbm>> -> memref<16384xf32, #tpu.memory_space<hbm>>
    %dma_wait3A_127 = arith.constant 0 : i32
    %dma_wait3A_128 = tpu.memref_slice %arg4[%dma_wait3A_127] : memref<13107200xf32, #tpu.memory_space<hbm>> -> memref<16384xf32, #tpu.memory_space<hbm>>
    tpu.wait_dma2 semaphore(%arg13 : memref<!tpu.dma_semaphore, #tpu.memory_space<semaphore_mem>>) src(%arg9 : memref<16384xf32, #tpu.memory_space<vmem>>) dst(%dma_wait3A_128 : memref<16384xf32, #tpu.memory_space<hbm>>)
    return
  }
}

</mosaic_0001>

<sc_bundles>
// kernel: kernel.3.cloned.1.call-start
scs
__scs_entry_jumppad:
0x0: {  	(pc) =	sbr.rel $0x88, $3  }
0x1: {  	(tag) =	ssettag $0x0;
	lr =	simm.s32 $0x1  }
0x2: {  	[smem:$0x3F9F] =	sst lr;
	_ =	strace $0xD0000000  }
0x3: {  	_ = 	snop  }
0x4: {  	_ = 	snop  }
0x5: {  	_ = 	snop  }
0x6: {  	_ = 	snop  }
0x7: {  	_ = 	snop  }
__scs_overlays_trampoline_lowered:
0x8: {  	[smem:$0x3FAE] =	sst s0  }
0x9: {  	[smem:$0x3FAF] =	sst s1  }
0xa: {  	[smem:$0x3FB0] =	sst s2  }
0xb: {  	[smem:$0x3FB1] =	sst s3  }
0xc: {  	[smem:$0x3FB2] =	sst s4  }
0xd: {  	[smem:$0x3FB3] =	sst s5  }
0xe: {  	[smem:$0x3FB4] =	sst s6  }
0xf: {  	[smem:$0x3FB5] =	sst s7  }
0x10: {  	[smem:$0x3FB6] =	sst s8  }
0x11: {  	[smem:$0x3FB7] =	sst s9;
	s0 =	simm.s32 @!p0 $0x0  }
0x12: {  	s1 =	sld [smem:$0x3F9D];
	s0 =	simm.s32 @p0 $0x1  }
0x13: {  	[smem:$0x3FB8] =	sst s0;
	s0 =	simm.s32 @!p1 $0x0  }
0x14: {  	s2 =	sld [smem:$0x3F9C];
	s0 =	simm.s32 @p1 $0x1  }
0x15: {  	[smem:$0x3FB9] =	sst s0;
	s0 =	simm.s32 @!p2 $0x0  }
0x16: {  	s3 =	sld [smem:$0x3FDB];
	s0 =	simm.s32 @p2 $0x1  }
0x17: {  	s4 =	simm.s32 $0x1BF5;
	[smem:$0x3FBB] =	sst s0  }
0x18: {  	s0 =	sld [smem:$0x3F9E];
	_ =	swait.ge [sflag:s4], $0x0  }
0x19: {  	s7 =	sld [smem:$0x3F9F]  }
0x1a: {  	s8 =	sadd.s32 $0xFFFFE003, lr  }
0x1b: {  	s9 =	sadd.s32 $0xFFFFFEF7, lr;
	s5 =	simm.s32 $0xFFFFFFFF;
	p2 =	slt.u32 s8, $0xFFFFF086  }
0x1c: {  	p1 =	slt.u32 s9, $0xF7A;
	s5 =	simm.s32 @!p2 $0x0  }
0x1d: {  	s5 =	simm.s32 @p1 $0x1;
	p0 =	seq.s32 s7, s2  }
0x1e: {  	s7 =	smul.u32 @!p0 $0xF7A, s2;
	p2 =	seq.s32 @!p0 s5, $0x0  }
0x1f: {  	s9 =	smul.u32 $0xF7A, s1;
	s8 =	simm.s32 @!p0 $0x1BF5;
	p2 =	por !p2, p0  }
0x20: {  	[sflag:s8] =	ssyncset.s32 @!p0 $0xFFFFF086;
	s6 =	sadd.s32 @!p0 s3, s7;
	s7 =	simm.s32 @!p0 $0x108  }
0x21: {  	s3 =	sadd.s32 s3, s9;
	s6 =	sadd.s32 @!p0 $0x88, s6;
	s7 =	simm.s32 @p2 $0x1082  }
0x22: {  	[simem:s7], [sflag:s8] =	dma.local @!p0 [hbm:s6], $0xF7A  }
0x23: {  	s9 =	sor.u32 $0xD0000000, s2;
	s6 =	simm.s32 $0x108;
	_ =	swait.ge @!p0 [sflag:s8], $0x0  }
0x24: {  	s3 =	sadd.s32 $0x88, s3;
	s6 =	simm.s32 @!p1 $0x1082;
	[sflag:s4] =	ssyncset.s32 $0xFFFFF086  }
0x25: {  	[simem:s6], [sflag:s4] =	dma.local [hbm:s3], $0xF7A  }
0x26: {  	[smem:$0x3F9F] =	sst s1;
	(tag) =	ssettag s2;
	_ =	strace s9  }
0x27: {  	s1 =	sld [smem:$0x3FAF]  }
0x28: {  	s2 =	sld [smem:$0x3FB0]  }
0x29: {  	s4 =	sld [smem:$0x3FB2]  }
0x2a: {  	p0 =	seq.s32 s5, $0x0;
	s5 =	sld [smem:$0x3FB3]  }
0x2b: {  	s6 =	sld [smem:$0x3FB4]  }
0x2c: {  	s7 =	sld [smem:$0x3FB5]  }
0x2d: {  	s3 =	simm.s32 $0x108;
	s8 =	sld [smem:$0x3FB6]  }
0x2e: {  	s3 =	simm.s32 @!p0 $0x1082;
	s9 =	sld [smem:$0x3FB7]  }
0x2f: {  	lr =	sadd.s32 s0, s3;
	s0 =	sld [smem:$0x3FAE]  }
0x30: {  	s3 =	sld [smem:$0x3FB1]  }
0x31: {  	[smem:$0x3FBA] =	sst s10  }
0x32: {  	s10 =	sld [smem:$0x3FB8];
	_ =	sdelay $0x3  }
0x33: {  	p0 =	seq.s32 s10, $0x1;
	s10 =	sld [smem:$0x3FBA];
	_ =	sdelay $0x3  }
0x34: {  	[smem:$0x3FBA] =	sst s10  }
0x35: {  	s10 =	sld [smem:$0x3FB9];
	_ =	sdelay $0x3  }
0x36: {  	p1 =	seq.s32 s10, $0x1;
	s10 =	sld [smem:$0x3FBA];
	_ =	sdelay $0x3  }
0x37: {  	[smem:$0x3FBA] =	sst s10  }
0x38: {  	s10 =	sld [smem:$0x3FBB]  }
0x39: {  	_ = 	snop;
	(pc) =	sbr.ind lr, $3  }
0x3a: {  	_ = 	snop  }
0x3b: {  	_ = 	snop  }
0x3c: {  	p2 =	seq.s32 s10, $0x1;
	s10 =	sld [smem:$0x3FBA]  }
0x3d: {  	_ =	shalt  }
0x3e: {  	_ =	shalt  }
0x3f: {  	_ =	shalt  }
0x40: {  	_ =	shalt  }
0x41: {  	_ =	shalt  }
0x42: {  	_ =	shalt  }
0x43: {  	_ =	shalt  }
0x44: {  	_ =	shalt  }
0x45: {  	_ =	shalt  }
0x46: {  	_ =	shalt  }
0x47: {  	_ =	shalt  }
0x48: {  	_ =	shalt  }
0x49: {  	_ =	shalt  }
0x4a: {  	_ =	shalt  }
0x4b: {  	_ =	shalt  }
0x4c: {  	_ =	shalt  }
0x4d: {  	_ =	shalt  }
0x4e: {  	_ =	shalt  }
0x4f: {  	_ =	shalt  }
0x50: {  	_ =	shalt  }
0x51: {  	_ =	shalt  }
0x52: {  	_ =	shalt  }
0x53: {  	_ =	shalt  }
0x54: {  	_ =	shalt  }
0x55: {  	_ =	shalt  }
0x56: {  	_ =	shalt  }
0x57: {  	_ =	shalt  }
0x58: {  	_ =	shalt  }
0x59: {  	_ =	shalt  }
0x5a: {  	_ =	shalt  }
0x5b: {  	_ =	shalt  }
0x5c: {  	_ =	shalt  }
0x5d: {  	_ =	shalt  }
0x5e: {  	_ =	shalt  }
0x5f: {  	_ =	shalt  }
0x60: {  	_ =	shalt  }
0x61: {  	_ =	shalt  }
0x62: {  	_ =	shalt  }
0x63: {  	_ =	shalt  }
0x64: {  	_ =	shalt  }
0x65: {  	_ =	shalt  }
0x66: {  	_ =	shalt  }
0x67: {  	_ =	shalt  }
0x68: {  	_ =	shalt  }
0x69: {  	_ =	shalt  }
0x6a: {  	_ =	shalt  }
0x6b: {  	_ =	shalt  }
0x6c: {  	_ =	shalt  }
0x6d: {  	_ =	shalt  }
0x6e: {  	_ =	shalt  }
0x6f: {  	_ =	shalt  }
0x70: {  	_ =	shalt  }
0x71: {  	_ =	shalt  }
0x72: {  	_ =	shalt  }
0x73: {  	_ =	shalt  }
0x74: {  	_ =	shalt  }
0x75: {  	_ =	shalt  }
0x76: {  	_ =	shalt  }
0x77: {  	_ =	shalt  }
0x78: {  	_ =	shalt  }
0x79: {  	_ =	shalt  }
0x7a: {  	_ =	shalt  }
0x7b: {  	_ =	shalt  }
0x7c: {  	_ =	shalt  }
0x7d: {  	_ =	shalt  }
0x7e: {  	_ =	shalt  }
0x7f: {  	_ =	shalt  }
0x80: {  	_ =	shalt  }
0x81: {  	_ =	shalt  }
0x82: {  	_ =	shalt  }
0x83: {  	_ =	shalt  }
0x84: {  	_ =	shalt  }
0x85: {  	_ =	shalt  }
0x86: {  	_ =	shalt  }
0x87: {  	_ =	shalt  }
.Lfunc_end0:
.L_simem_size_0:
called_computation_lowered:
.L_overlay_start_0:
0x88: {  	s2 =	sld [smem:$0x3FD9]  }
0x89: {  	s3 =	sld [smem:$0x3FFE];
	_ =	sdelay $0x1  }
0x8a: {  	s1 =	srdreg.scid  }
0x8b: {  	s0 =	sand.u32 $0x1, s1  }
0x8c: {  	s17 =	sshll.u32 s0, $0xA;
	s2 =	sadd.s32 s3, s2  }
0x8d: {  	s2 =	sadd.s32 s2, s17  }
0x8e: {  	[smem:$0x3FC6] =	sst s2  }
0x8f: {  	_ = 	snop  }
0x90: {  	s2 =	sld [smem:$0x3FC9]  }
0x91: {  	s18 =	sld [smem:$0x3FD0];
	(tm) =	ssettm $0x1  }
0x92: {  	s4 =	sld [smem:$0x3FFB];
	_ =	sdelay $0x3  }
0x93: {  	_ =	strace s4  }
0x94: {  	s4 =	sld [smem:$0x3FFC];
	_ =	sdelay $0x3  }
0x95: {  	_ =	strace s4  }
0x96: {  	s4 =	sld [smem:$0x3FFD];
	_ =	sdelay $0x3  }
0x97: {  	_ =	strace s4  }
0x98: {  	_ =	strace $0x8FFFFFFF  }
0x99: {  	s19 =	sld [smem:$0x3FDB];
	_ =	sdelay $0x1  }
0x9a: {  	s5 =	simm.s32 $_scs_section_size  }
0x9b: {  	s6 =	simm.s32 $_size__tile_overlayer_lowered;
	s7 =	simm.s32 $_tile_overlayer_lowered  }
0x9c: {  	s22 =	simm.s32 $0x1BFF;
	s21 =	sshll.u32 s7, $0x1;
	s4 =	sadd.s32 s5, s19  }
0x9d: {  	s8 =	simm.s32 $0x0;
	s20 =	sshll.u32 s6, $0x1;
	s6 =	sadd.s32 s21, s4  }
0x9e: {  	[timem:s8], [sflag:s22] =	dma.local [hbm:s6], s20  }
0x9f: {  	_ =	swait.ge [sflag:s22], s20  }
0xa0: {  	s5 =	ssub.s32 $0x0, s20;
	[sflag:s22] =	ssyncset.done $0x0  }
0xa1: {  	[sflag:s22] =	ssyncadd.s32 s5;
	_ =	sdelay $0x1  }
0xa2: {  	s23 =	simm.s32 $0x1B8B  }
0xa3: {  	_ =	swait.ge [sflag:s23], $0x1  }
0xa4: {  	[sflag:s23] =	ssyncset.done $0x0  }
0xa5: {  	s25 =	simm.s32 $0x1B8E;
	s24 =	sld [smem:$0x3FFE];
	[sflag:s23] =	ssyncadd.s32 $0xFFFFFFFF  }
0xa6: {  	s26 =	simm.s32 $execute0_lowered;
	[smem:$0x3FD2] =	sst s25  }
0xa7: {  	s6 =	sshll.u32 s26, $0x1;
	_ =	strace $0x80000046;
	[dreg:$0x1] =	wrdreg $0xFFFFFFFF  }
0xa8: {  	s28 =	simm.s32 $_size_execute0_lowered;
	s4 =	sadd.s32 s4, s6;
	[dreg:$0x0] =	wrdreg $0x0  }
0xa9: {  	s6 =	sshll.u32 s28, $0x1;
	[dreg:$0x2] =	wrdreg s4  }
0xaa: {  	[dreg:$0x3] =	wrdreg s6  }
0xab: {  	[dreg:$0x4] =	wrdreg $0xC0  }
0xac: {  	_ =	task [dreg:s8], $0x5FFFF  }
0xad: {  	[dreg:$0x1] =	wrdreg $0xFFFFFFFF  }
0xae: {  	[dreg:$0x0] =	wrdreg $0x60  }
0xaf: {  	[dreg:$0x2] =	wrdreg s2  }
0xb0: {  	[dreg:$0x3] =	wrdreg s24  }
0xb1: {  	[dreg:$0x4] =	wrdreg s18  }
0xb2: {  	[dreg:$0x5] =	wrdreg $0x9  }
0xb3: {  	_ =	task.clear_ibuf [dreg:s8], $0x6FFFF;
	_ =	strace $0x90000046  }
0xb4: {  	s29 =	simm.s32 $0x9;
	_ =	strace $0x80000048  }
0xb5: {  	_ =	swait.ge [sflag:s29], $0x1  }
0xb6: {  	[sflag:s29] =	ssyncadd.s32 $0xFFFFFFFF  }
0xb7: {  	_ =	strace $0x90000048  }
0xb8: {  	_ =	sfence  }
0xb9: {  	s30 =	sld [smem:$0x0];
	_ =	sdelay $0x2  }
0xba: {  	s31 =	sshll.u32 s1, $0xD;
	s1 =	sshrl.u32 s1, $0x2  }
0xbb: {  	s3 =	sand.u32 $0x4000, s31;
	s1 =	sadd.s32 s1, s30  }
0xbc: {  	s0 =	sor.u32 s3, s0;
	s1 =	sshll.u32 s1, $0x11  }
0xbd: {  	s0 =	sor.u32 s1, s0  }
0xbe: {  	s0 =	sadd.s32 $0x8F2B, s0  }
0xbf: {  	[sflag:s0] =	ssyncadd.remote.s32 $0x1  }
0xc0: {  	_ =	sfence.sel $0xFFFF  }
0xc1: {  	[dreg:$0x0] =	wrdreg $0xFFFFFFFF;
	(pc) =	sbr.abs _section_cstart, $3  }
0xc2: {  	[dreg:$0x1] =	wrdreg $0xFFFFFFFF  }
0xc3: {  	_ =	task.clear_ibuf [dreg:s8], $0x2FFFF;
	_ =	strace $0x9FFFFFFF  }
0xc4: {  	(tm) =	ssettm $0x7FFFFFFF  }
0xc5: {  	_ =	shalt  }
tec
execute0_lowered:
.L_overlay_start_1:
0x0: {  	(tag) =	ssettag $0x1  }
0x1: {  	s1 =	rddreg [dreg:$0x0]  }
0x2: {  	s5 =	rddreg [dreg:$0x1]  }
0x3: {  	s3 =	rddreg [dreg:$0x2]  }
0x4: {  	s0 =	rddreg [dreg:$0x3]  }
0x5: {  	s6 =	srdreg.scid;
	s2 =	stileid.u32;
	s4 =	simm.s32 $0x0  }
0x6: {  	s13 =	simm.s32 $0x20;
	s14 =	simm.s32 $0x5;
	s15 =	simm.s32 $0x1020  }
0x7: {  	s16 =	simm.s32 $0x1;
	s17 =	simm.s32 $0x2020;
	s18 =	simm.s32 $0x2  }
0x8: {  	s19 =	simm.s32 $0x6020;
	s6 =	sand.u32 $0x1, s6;
	s7 =	sshll.u32 s2, $0x1  }
0x9: {  	s20 =	simm.s32 $0x3;
	s21 =	simm.s32 $0x4;
	s7 =	sor.u32 s6, s7  }
0xa: {  	s22 =	simm.s32 $0x0;
	[smem:$0x7FF] =	sst s4;
	s8 =	smul.u32 $0x19000, s7  }
0xb: {  	s5 =	sadd.s32 $0x400, s5;
	_ =	strace $0x80000047;
	s10 =	smul.u32 $0x320, s7  }
0xc: {  	s12 =	ssub.s32 $0x2, s6;
	s9 =	sshll.u32 s7, $0xF;
	s11 =	smul.u32 $0x64000, s7  }
0xd: {  	s24 =	sshll.u32 s7, $0xE;
	s28 =	sshrl.u32 s12, $0x1;
	s6 =	smul.u32 $0x19, s7  }
0xe: {  	s9 =	sand.u32 $0x18000, s9;
	s30 =	ssub.s32 s12, s28;
	s8 =	sand.u32 $0x3E0000, s8  }
0xf: {  	v0 =	vlaneseq.u32;
	s26 =	sand.u32 $0xFF0000, s11;
	s23 =	sor.u32 s9, s8;
	s8 =	sand.u32 $0xC000, s24  }
0x10: {  	v0 =	vand.u32 $0x7, v0;
	s12 =	simm.s32 $0x400;
	s25 =	sand.u32 $0x380, s10;
	s8 =	sor.u32 s8, s26  }
0x11: {  	v0 =	vmul.u32 $0x4, v0;
	s10 =	smax.u32 s30, $0x1;
	s9 =	sor.u32 s25, s23;
	s8 =	sadd.s32 $0x60000, s8  }
0x12: {  	s11 =	simm.s32 $0x80;
	s29 =	sshrl.u32 s9, $0x3;
	s31 =	sshrl.u32 s8, $0x3  }
0x13: {  	v1 =	vor.u32 $0x1, v0;
	v2 =	vor.u32 $0x2, v0;
	v3 =	vor.u32 $0x3, v0;
	s7 =	sadd.s32 s1, s29;
	s8 =	sadd.s32 $0x2, s6;
	s9 =	sadd.s32 s3, s31  }
.LBB2_1:
0x14: {  	[tilespmem:s13], [sflag:$0x1] =	stream.strided.gather [hbm4b:s7+s11], $0x1000, s12, s11, $0x38;
	[tilespmem:$0xA020] =	vst v63  }
0x15: {  	_ = 	snop  }
0x16: {  	[tilespmem:s4], [sflag:$0x5] =	stream.linear.gather [hbm4b:s5+s4], $0x20, $0x38;
	[tilespmem:$0xA020] =	vst v63  }
0x17: {  	_ =	swait.ge [sflag:s14], $0x20  }
0x18: {  	[sflag:s14] =	ssyncset.done $0x0  }
0x19: {  	[sflag:s14] =	ssyncadd.s32 $0xFFFFFFE0  }
0x1a: {  	v4 =	vld.idx.msk [tilespmem:v0+s4+$0x0], $0xffff  }
0x1b: {  	v5 =	vld.idx.msk [tilespmem:v1+s4+$0x0], $0xffff;
	_ =	sdelay $0x1  }
0x1c: {  	v8 =	vld.idx.msk [tilespmem:v2+s4+$0x0], $0xffff;
	_ =	sdelay $0x1  }
0x1d: {  	v9 =	vld.idx.msk [tilespmem:v3+s4+$0x0], $0xffff  }
0x1e: {  	v6 =	vmul.f32 v4, v4;
	v7 =	vmul.f32 v5, v5;
	_ =	sdelay $0x1  }
0x1f: {  	v6 =	vadd.f32 v7, v6;
	v7 =	vmul.f32 v8, v8;
	_ =	sdelay $0x1  }
0x20: {  	v6 =	vadd.f32 v7, v6;
	v7 =	vmul.f32 v9, v9;
	_ =	sdelay $0x1  }
0x21: {  	v6 =	vadd.f32 v7, v6;
	_ =	sdelay $0x1  }
0x22: {  	v7 =	vshra.s32 v6, $0x1;
	v10 =	vmul.f32 $5.000000000e-01, v6  }
0x23: {  	v7 =	vsub.s32 $0x5F3759DF, v7  }
0x24: {  	v11 =	vmul.f32 v7, v10;
	_ =	sdelay $0x1  }
0x25: {  	v11 =	vmul.f32 v7, v11;
	_ =	sdelay $0x1  }
0x26: {  	v11 =	vsub.f32 $1.500000000e+00, v11;
	_ =	sdelay $0x1  }
0x27: {  	v7 =	vmul.f32 v7, v11;
	_ =	sdelay $0x1  }
0x28: {  	v11 =	vmul.f32 v7, v10;
	_ =	sdelay $0x1  }
0x29: {  	v11 =	vmul.f32 v11, v7;
	_ =	sdelay $0x1  }
0x2a: {  	v11 =	vsub.f32 $1.500000000e+00, v11;
	_ =	sdelay $0x1  }
0x2b: {  	v7 =	vmul.f32 v11, v7;
	_ =	sdelay $0x1  }
0x2c: {  	v10 =	vmul.f32 v7, v10;
	_ =	sdelay $0x1  }
0x2d: {  	v10 =	vmul.f32 v10, v7;
	_ =	sdelay $0x1  }
0x2e: {  	v10 =	vsub.f32 $1.500000000e+00, v10;
	_ =	sdelay $0x1  }
0x2f: {  	v7 =	vmul.f32 v10, v7;
	_ =	sdelay $0x1  }
0x30: {  	v7 =	vmul.f32 v7, v6;
	_ =	sdelay $0x1  }
0x31: {  	v7 =	vadd.f32 $1.000000010e-07, v7;
	_ =	sdelay $0x1  }
0x32: {  	(erf) = vrcp.f32 v7;
	_ =	sdelay $0x8  }
0x33: {  	vm0 =	vgt.f32 v6, $1.000000000e+00;
	v6 =	vpop (erf)  }
0x34: {  	v63 =	vnsel vm0, $0x3F800000, v6  }
0x35: {  	v6 =	vmul.f32 v63, v4;
	v7 =	vmul.f32 v63, v5  }
0x36: {  	s23 =	simm.s32 $0x0;
	v5 =	vmul.f32 v63, v8;
	v4 =	vmul.f32 v63, v9  }
.LBB2_2:
0x37: {  	s25 =	sshll.u32 s23, $0x1  }
0x38: {  	s24 =	sadd.s32 s25, s6  }
0x39: {  	s24 =	sadd.s32 $0x1, s24  }
0x3a: {  	s26 =	sshll.u32 s24, $0x9;
	s28 =	sshll.u32 s24, $0xC;
	s29 =	sshll.u32 s24, $0x2  }
0x3b: {  	s26 =	sand.u32 $0xFFFC000, s26;
	s28 =	sand.u32 $0x3000, s28;
	s29 =	sand.u32 $0x70, s29  }
0x3c: {  	s26 =	sor.u32 s28, s26;
	s28 =	sadd.s32 s1, s29  }
0x3d: {  	s26 =	sadd.s32 s26, s28  }
0x3e: {  	[tilespmem:s15], [sflag:$0x2] =	stream.strided.gather [hbm4b:s26+s11], $0x1000, s12, s11, $0x38;
	[tilespmem:$0xA020] =	vst v63  }
0x3f: {  	_ =	swait.ge [sflag:s16], $0x1000  }
0x40: {  	p0 =	seq.s32 s23, $0x0;
	[sflag:s16] =	ssyncset.done $0x0  }
0x41: {  	s26 =	simm.s32 @!p0 $0x3;
	[sflag:s16] =	ssyncadd.s32 $0xFFFFF000  }
0x42: {  	_ =	swait.ge @!p0 [sflag:s26], $0x4000  }
0x43: {  	[sflag:s26] =	ssyncset.done @!p0 $0x0  }
0x44: {  	s28 =	simm.s32 $0x120;
	[sflag:s26] =	ssyncadd.s32 @!p0 $0xFFFFC000  }
0x45: {  	v8 =	vld [tilespmem:s28+$0x80];
	_ =	sdelay $0x3  }
0x46: {  	v9 =	vld [tilespmem:s28+$0xFFFFFF00]  }
0x47: {  	v10 =	vshrl.u32 v8, $0x1B  }
0x48: {  	v10 =	vand.u32 $0x10, v10  }
0x49: {  	v8 =	vadd.s32 v8, v10  }
0x4a: {  	v10 =	vld [tilespmem:s28+$0xFFFFFF80];
	v11 =	vperm.xlane v6, v8  }
0x4b: {  	s26 =	simm.s32 $0x2420;
	v12 =	vshrl.u32 v9, $0x1B;
	v13 =	vperm.xlane v7, v8  }
0x4c: {  	v12 =	vand.u32 $0x10, v12;
	[tilespmem:s26+$0x200] =	vst v11;
	v11 =	vperm.xlane v5, v8  }
0x4d: {  	v9 =	vadd.s32 v9, v12;
	[tilespmem:s26+$0x280] =	vst v13;
	v8 =	vperm.xlane v4, v8  }
0x4e: {  	v12 =	vld [tilespmem:s28+$0x0];
	v13 =	vperm.xlane v6, v9;
	[tilespmem:s26+$0x300] =	vst v11  }
0x4f: {  	v14 =	vperm.xlane v7, v9;
	v11 =	vshrl.u32 v10, $0x1B;
	[tilespmem:s26+$0x380] =	vst v8  }
0x50: {  	[tilespmem:s26+$0xFFFFFC00] =	vst v13;
	v8 =	vand.u32 $0x10, v11;
	v11 =	vperm.xlane v5, v9;
	v13 =	vld [tilespmem:s28+$0x90]  }
0x51: {  	[tilespmem:s26+$0xFFFFFC80] =	vst v14;
	v9 =	vperm.xlane v4, v9;
	v8 =	vadd.s32 v10, v8  }
0x52: {  	v10 =	vperm.xlane v6, v8;
	[tilespmem:s26+$0xFFFFFD00] =	vst v11  }
0x53: {  	v11 =	vshrl.u32 v12, $0x1B;
	v14 =	vperm.xlane v7, v8;
	[tilespmem:s26+$0xFFFFFD80] =	vst v9  }
0x54: {  	v9 =	vand.u32 $0x10, v11;
	v11 =	vperm.xlane v5, v8;
	[tilespmem:s26+$0xFFFFFE00] =	vst v10  }
0x55: {  	v8 =	vperm.xlane v4, v8;
	v9 =	vadd.s32 v12, v9;
	[tilespmem:s26+$0xFFFFFE80] =	vst v14;
	v10 =	vshrl.u32 v13, $0x1B  }
0x56: {  	v14 =	vld [tilespmem:s28+$0xFFFFFF10];
	v12 =	vperm.xlane v6, v9;
	[tilespmem:s26+$0xFFFFFF00] =	vst v11;
	v10 =	vand.u32 $0x10, v10  }
0x57: {  	v11 =	vperm.xlane v7, v9;
	[tilespmem:s26+$0xFFFFFF80] =	vst v8;
	v8 =	vadd.s32 v13, v10  }
0x58: {  	[tilespmem:s26+$0x0] =	vst v12;
	v10 =	vperm.xlane v6, v8  }
0x59: {  	[tilespmem:s26+$0x80] =	vst v11;
	v11 =	vperm.xlane v7, v8  }
0x5a: {  	v12 =	vld [tilespmem:s28+$0xFFFFFF90];
	[tilespmem:s26+$0x210] =	vst v10;
	v10 =	vperm.xlane v5, v8  }
0x5b: {  	v13 =	vshrl.u32 v14, $0x1B;
	[tilespmem:s26+$0x290] =	vst v11;
	v8 =	vperm.xlane v4, v8  }
0x5c: {  	v11 =	vperm.xlane v5, v9;
	v13 =	vand.u32 $0x10, v13;
	[tilespmem:s26+$0x310] =	vst v10  }
0x5d: {  	v9 =	vperm.xlane v4, v9;
	v10 =	vadd.s32 v14, v13;
	[tilespmem:s26+$0x390] =	vst v8  }
0x5e: {  	[tilespmem:s26+$0x100] =	vst v11;
	v8 =	vperm.xlane v6, v10;
	v11 =	vld [tilespmem:s28+$0xA0]  }
0x5f: {  	v14 =	vshrl.u32 v12, $0x1B;
	[tilespmem:s26+$0x180] =	vst v9;
	v13 =	vperm.xlane v7, v10  }
0x60: {  	v9 =	vperm.xlane v5, v10;
	v14 =	vand.u32 $0x10, v14;
	[tilespmem:s26+$0xFFFFFC10] =	vst v8  }
0x61: {  	v8 =	vperm.xlane v4, v10;
	v10 =	vadd.s32 v12, v14;
	[tilespmem:s26+$0xFFFFFC90] =	vst v13  }
0x62: {  	v13 =	vld [tilespmem:s28+$0x10];
	[tilespmem:s26+$0xFFFFFD10] =	vst v9;
	v12 =	vperm.xlane v6, v10  }
0x63: {  	v9 =	vperm.xlane v7, v10;
	[tilespmem:s26+$0xFFFFFD90] =	vst v8;
	v8 =	vshrl.u32 v11, $0x1B  }
0x64: {  	v14 =	vperm.xlane v5, v10;
	[tilespmem:s26+$0xFFFFFE10] =	vst v12;
	v8 =	vand.u32 $0x10, v8  }
0x65: {  	v10 =	vperm.xlane v4, v10;
	[tilespmem:s26+$0xFFFFFE90] =	vst v9;
	v8 =	vadd.s32 v11, v8  }
0x66: {  	v9 =	vld [tilespmem:s28+$0xFFFFFF20];
	[tilespmem:s26+$0xFFFFFF10] =	vst v14;
	v11 =	vperm.xlane v6, v8  }
0x67: {  	[tilespmem:s26+$0xFFFFFF90] =	vst v10;
	v12 =	vshrl.u32 v13, $0x1B;
	v10 =	vperm.xlane v7, v8  }
0x68: {  	v12 =	vand.u32 $0x10, v12;
	[tilespmem:s26+$0x220] =	vst v11;
	v11 =	vperm.xlane v5, v8  }
0x69: {  	v12 =	vadd.s32 v13, v12;
	[tilespmem:s26+$0x2A0] =	vst v10;
	v8 =	vperm.xlane v4, v8  }
0x6a: {  	v10 =	vld [tilespmem:s28+$0xFFFFFFA0];
	v13 =	vperm.xlane v6, v12;
	[tilespmem:s26+$0x320] =	vst v11  }
0x6b: {  	v14 =	vperm.xlane v7, v12;
	v11 =	vshrl.u32 v9, $0x1B;
	[tilespmem:s26+$0x3A0] =	vst v8  }
0x6c: {  	[tilespmem:s26+$0x10] =	vst v13;
	v8 =	vand.u32 $0x10, v11;
	v11 =	vperm.xlane v5, v12;
	v13 =	vld [tilespmem:s28+$0xB0]  }
0x6d: {  	[tilespmem:s26+$0x90] =	vst v14;
	v12 =	vperm.xlane v4, v12;
	v8 =	vadd.s32 v9, v8  }
0x6e: {  	v9 =	vperm.xlane v6, v8;
	[tilespmem:s26+$0x110] =	vst v11  }
0x6f: {  	v11 =	vperm.xlane v7, v8;
	v14 =	vshrl.u32 v10, $0x1B;
	[tilespmem:s26+$0x190] =	vst v12  }
0x70: {  	v12 =	vperm.xlane v5, v8;
	v14 =	vand.u32 $0x10, v14;
	[tilespmem:s26+$0xFFFFFC20] =	vst v9  }
0x71: {  	v8 =	vperm.xlane v4, v8;
	v9 =	vadd.s32 v10, v14;
	[tilespmem:s26+$0xFFFFFCA0] =	vst v11;
	v10 =	vshrl.u32 v13, $0x1B  }
0x72: {  	v14 =	vld [tilespmem:s28+$0x20];
	[tilespmem:s26+$0xFFFFFD20] =	vst v12;
	v11 =	vperm.xlane v6, v9;
	v10 =	vand.u32 $0x10, v10  }
0x73: {  	[tilespmem:s26+$0xFFFFFDA0] =	vst v8;
	v12 =	vperm.xlane v7, v9;
	v8 =	vadd.s32 v13, v10  }
0x74: {  	[tilespmem:s26+$0xFFFFFE20] =	vst v11;
	v10 =	vperm.xlane v6, v8  }
0x75: {  	[tilespmem:s26+$0xFFFFFEA0] =	vst v12;
	v11 =	vperm.xlane v7, v8  }
0x76: {  	v12 =	vld [tilespmem:s28+$0xFFFFFF30];
	[tilespmem:s26+$0x230] =	vst v10;
	v10 =	vperm.xlane v5, v8  }
0x77: {  	v13 =	vshrl.u32 v14, $0x1B;
	[tilespmem:s26+$0x2B0] =	vst v11;
	v8 =	vperm.xlane v4, v8  }
0x78: {  	v11 =	vperm.xlane v5, v9;
	v13 =	vand.u32 $0x10, v13;
	[tilespmem:s26+$0x330] =	vst v10  }
0x79: {  	v9 =	vperm.xlane v4, v9;
	v10 =	vadd.s32 v14, v13;
	[tilespmem:s26+$0x3B0] =	vst v8  }
0x7a: {  	[tilespmem:s26+$0xFFFFFF20] =	vst v11;
	v8 =	vperm.xlane v6, v10;
	v11 =	vld [tilespmem:s28+$0xC0]  }
0x7b: {  	v14 =	vshrl.u32 v12, $0x1B;
	[tilespmem:s26+$0xFFFFFFA0] =	vst v9;
	v13 =	vperm.xlane v7, v10  }
0x7c: {  	v9 =	vperm.xlane v5, v10;
	v14 =	vand.u32 $0x10, v14;
	[tilespmem:s26+$0x20] =	vst v8  }
0x7d: {  	v8 =	vperm.xlane v4, v10;
	v10 =	vadd.s32 v12, v14;
	[tilespmem:s26+$0xA0] =	vst v13  }
0x7e: {  	v13 =	vld [tilespmem:s28+$0xFFFFFFB0];
	[tilespmem:s26+$0x120] =	vst v9;
	v12 =	vperm.xlane v6, v10  }
0x7f: {  	v9 =	vperm.xlane v7, v10;
	[tilespmem:s26+$0x1A0] =	vst v8;
	v8 =	vshrl.u32 v11, $0x1B  }
0x80: {  	v14 =	vperm.xlane v5, v10;
	[tilespmem:s26+$0xFFFFFC30] =	vst v12;
	v8 =	vand.u32 $0x10, v8  }
0x81: {  	v10 =	vperm.xlane v4, v10;
	[tilespmem:s26+$0xFFFFFCB0] =	vst v9;
	v8 =	vadd.s32 v11, v8  }
0x82: {  	v9 =	vld [tilespmem:s28+$0x30];
	[tilespmem:s26+$0xFFFFFD30] =	vst v14;
	v11 =	vperm.xlane v6, v8  }
0x83: {  	[tilespmem:s26+$0xFFFFFDB0] =	vst v10;
	v12 =	vshrl.u32 v13, $0x1B;
	v10 =	vperm.xlane v7, v8  }
0x84: {  	v12 =	vand.u32 $0x10, v12;
	[tilespmem:s26+$0x240] =	vst v11;
	v11 =	vperm.xlane v5, v8  }
0x85: {  	v12 =	vadd.s32 v13, v12;
	[tilespmem:s26+$0x2C0] =	vst v10;
	v8 =	vperm.xlane v4, v8  }
0x86: {  	v10 =	vld [tilespmem:s28+$0xFFFFFF40];
	v13 =	vperm.xlane v6, v12;
	[tilespmem:s26+$0x340] =	vst v11  }
0x87: {  	v14 =	vshrl.u32 v9, $0x1B;
	v11 =	vperm.xlane v7, v12;
	[tilespmem:s26+$0x3C0] =	vst v8  }
0x88: {  	v14 =	vand.u32 $0x10, v14;
	v8 =	vperm.xlane v5, v12;
	[tilespmem:s26+$0xFFFFFE30] =	vst v13;
	v13 =	vld [tilespmem:s28+$0xD0]  }
0x89: {  	v12 =	vperm.xlane v4, v12;
	v9 =	vadd.s32 v9, v14;
	[tilespmem:s26+$0xFFFFFEB0] =	vst v11  }
0x8a: {  	v11 =	vperm.xlane v6, v9;
	[tilespmem:s26+$0xFFFFFF30] =	vst v8  }
0x8b: {  	v8 =	vperm.xlane v7, v9;
	[tilespmem:s26+$0xFFFFFFB0] =	vst v12;
	v14 =	vshrl.u32 v10, $0x1B  }
0x8c: {  	v12 =	vperm.xlane v5, v9;
	v14 =	vand.u32 $0x10, v14;
	[tilespmem:s26+$0x30] =	vst v11  }
0x8d: {  	v9 =	vperm.xlane v4, v9;
	[tilespmem:s26+$0xB0] =	vst v8;
	v10 =	vadd.s32 v10, v14;
	v8 =	vshrl.u32 v13, $0x1B  }
0x8e: {  	[tilespmem:s26+$0x130] =	vst v12;
	v14 =	vld [tilespmem:s28+$0xFFFFFFC0];
	v11 =	vperm.xlane v6, v10;
	v8 =	vand.u32 $0x10, v8  }
0x8f: {  	[tilespmem:s26+$0x1B0] =	vst v9;
	v12 =	vperm.xlane v7, v10;
	v8 =	vadd.s32 v13, v8  }
0x90: {  	[tilespmem:s26+$0xFFFFFC40] =	vst v11;
	v9 =	vperm.xlane v6, v8  }
0x91: {  	[tilespmem:s26+$0xFFFFFCC0] =	vst v12;
	v11 =	vperm.xlane v7, v8  }
0x92: {  	v12 =	vld [tilespmem:s28+$0x40];
	[tilespmem:s26+$0x250] =	vst v9;
	v9 =	vperm.xlane v5, v8  }
0x93: {  	v13 =	vshrl.u32 v14, $0x1B;
	[tilespmem:s26+$0x2D0] =	vst v11;
	v8 =	vperm.xlane v4, v8  }
0x94: {  	v11 =	vperm.xlane v5, v10;
	v13 =	vand.u32 $0x10, v13;
	[tilespmem:s26+$0x350] =	vst v9  }
0x95: {  	v9 =	vperm.xlane v4, v10;
	v10 =	vadd.s32 v14, v13;
	[tilespmem:s26+$0x3D0] =	vst v8  }
0x96: {  	[tilespmem:s26+$0xFFFFFD40] =	vst v11;
	v8 =	vperm.xlane v6, v10;
	v11 =	vld [tilespmem:s28+$0xE0]  }
0x97: {  	v14 =	vshrl.u32 v12, $0x1B;
	v13 =	vperm.xlane v7, v10;
	[tilespmem:s26+$0xFFFFFDC0] =	vst v9  }
0x98: {  	v14 =	vand.u32 $0x10, v14;
	v9 =	vperm.xlane v5, v10;
	[tilespmem:s26+$0xFFFFFE40] =	vst v8  }
0x99: {  	v8 =	vperm.xlane v4, v10;
	v10 =	vadd.s32 v12, v14;
	[tilespmem:s26+$0xFFFFFEC0] =	vst v13  }
0x9a: {  	v12 =	vld [tilespmem:s28+$0xFFFFFF50];
	v13 =	vperm.xlane v6, v10;
	[tilespmem:s26+$0xFFFFFF40] =	vst v9  }
0x9b: {  	v9 =	vperm.xlane v7, v10;
	[tilespmem:s26+$0xFFFFFFC0] =	vst v8;
	v8 =	vshrl.u32 v11, $0x1B  }
0x9c: {  	v14 =	vperm.xlane v5, v10;
	[tilespmem:s26+$0x40] =	vst v13;
	v8 =	vand.u32 $0x10, v8  }
0x9d: {  	v10 =	vperm.xlane v4, v10;
	[tilespmem:s26+$0xC0] =	vst v9;
	v8 =	vadd.s32 v11, v8  }
0x9e: {  	v9 =	vld [tilespmem:s28+$0xFFFFFFD0];
	[tilespmem:s26+$0x140] =	vst v14;
	v11 =	vperm.xlane v6, v8  }
0x9f: {  	[tilespmem:s26+$0x1C0] =	vst v10;
	v13 =	vshrl.u32 v12, $0x1B;
	v10 =	vperm.xlane v7, v8  }
0xa0: {  	v13 =	vand.u32 $0x10, v13;
	[tilespmem:s26+$0x260] =	vst v11;
	v11 =	vperm.xlane v5, v8  }
0xa1: {  	v12 =	vadd.s32 v12, v13;
	[tilespmem:s26+$0x2E0] =	vst v10;
	v8 =	vperm.xlane v4, v8  }
0xa2: {  	v10 =	vperm.xlane v6, v12;
	[tilespmem:s26+$0x360] =	vst v11  }
0xa3: {  	v13 =	vperm.xlane v7, v12;
	v14 =	vshrl.u32 v9, $0x1B;
	v11 =	vld [tilespmem:s28+$0x50];
	[tilespmem:s26+$0x3E0] =	vst v8  }
0xa4: {  	v14 =	vand.u32 $0x10, v14;
	v8 =	vperm.xlane v5, v12;
	[tilespmem:s26+$0xFFFFFC50] =	vst v10  }
0xa5: {  	v10 =	vperm.xlane v4, v12;
	v9 =	vadd.s32 v9, v14;
	[tilespmem:s26+$0xFFFFFCD0] =	vst v13  }
0xa6: {  	v12 =	vperm.xlane v6, v9;
	[tilespmem:s26+$0xFFFFFD50] =	vst v8  }
0xa7: {  	v13 =	vld [tilespmem:s28+$0xF0];
	v8 =	vperm.xlane v7, v9;
	[tilespmem:s26+$0xFFFFFDD0] =	vst v10  }
0xa8: {  	v10 =	vperm.xlane v5, v9;
	v15 =	vld [tilespmem:s28+$0xFFFFFF60];
	[tilespmem:s26+$0xFFFFFE50] =	vst v12;
	v14 =	vshrl.u32 v11, $0x1B  }
0xa9: {  	v9 =	vperm.xlane v4, v9;
	[tilespmem:s26+$0xFFFFFED0] =	vst v8;
	v12 =	vand.u32 $0x10, v14  }
0xaa: {  	[tilespmem:s26+$0xFFFFFF50] =	vst v10;
	v8 =	vadd.s32 v11, v12  }
0xab: {  	[tilespmem:s26+$0xFFFFFFD0] =	vst v9;
	v10 =	vperm.xlane v6, v8  }
0xac: {  	v11 =	vshrl.u32 v13, $0x1B;
	v12 =	vld [tilespmem:s28+$0xFFFFFFE0];
	v9 =	vperm.xlane v7, v8  }
0xad: {  	v14 =	vperm.xlane v5, v8;
	v11 =	vand.u32 $0x10, v11;
	[tilespmem:s26+$0x50] =	vst v10;
	v10 =	vshrl.u32 v15, $0x1B  }
0xae: {  	v8 =	vperm.xlane v4, v8;
	v11 =	vadd.s32 v13, v11;
	[tilespmem:s26+$0xD0] =	vst v9;
	v9 =	vand.u32 $0x10, v10  }
0xaf: {  	[tilespmem:s26+$0x150] =	vst v14;
	v10 =	vperm.xlane v4, v11;
	v9 =	vadd.s32 v15, v9  }
0xb0: {  	[tilespmem:s26+$0x1D0] =	vst v8;
	v13 =	vperm.xlane v6, v9  }
0xb1: {  	[tilespmem:s26+$0x3F0] =	vst v10;
	v8 =	vperm.xlane v7, v9;
	v10 =	vshrl.u32 v12, $0x1B  }
0xb2: {  	v14 =	vld [tilespmem:s28+$0x60];
	v15 =	vperm.xlane v5, v9;
	v10 =	vand.u32 $0x10, v10;
	[tilespmem:s26+$0xFFFFFC60] =	vst v13  }
0xb3: {  	v9 =	vperm.xlane v4, v9;
	[tilespmem:s26+$0xFFFFFCE0] =	vst v8;
	v8 =	vadd.s32 v12, v10  }
0xb4: {  	[tilespmem:s26+$0xFFFFFD60] =	vst v15;
	v10 =	vperm.xlane v6, v8  }
0xb5: {  	[tilespmem:s26+$0xFFFFFDE0] =	vst v9;
	v12 =	vperm.xlane v7, v8  }
0xb6: {  	v9 =	vperm.xlane v5, v8;
	v13 =	vld [tilespmem:s28+$0xFFFFFF70];
	[tilespmem:s26+$0xFFFFFE60] =	vst v10  }
0xb7: {  	v8 =	vperm.xlane v4, v8;
	v10 =	vshrl.u32 v14, $0x1B;
	[tilespmem:s26+$0xFFFFFEE0] =	vst v12  }
0xb8: {  	[tilespmem:s26+$0xFFFFFF60] =	vst v9;
	v10 =	vand.u32 $0x10, v10  }
0xb9: {  	v12 =	vperm.xlane v6, v11;
	[tilespmem:s26+$0xFFFFFFE0] =	vst v8;
	v9 =	vadd.s32 v14, v10  }
0xba: {  	v14 =	vld [tilespmem:s28+$0xFFFFFFF0];
	v8 =	vperm.xlane v6, v9  }
0xbb: {  	[tilespmem:s26+$0x270] =	vst v12;
	v10 =	vperm.xlane v7, v9;
	v15 =	vshrl.u32 v13, $0x1B  }
0xbc: {  	v12 =	vperm.xlane v5, v9;
	[tilespmem:s26+$0x60] =	vst v8;
	v8 =	vperm.xlane v4, v9;
	v9 =	vand.u32 $0x10, v15  }
0xbd: {  	[tilespmem:s26+$0xE0] =	vst v10;
	v13 =	vadd.s32 v13, v9  }
0xbe: {  	[tilespmem:s26+$0x160] =	vst v12;
	v12 =	vperm.xlane v6, v13  }
0xbf: {  	v10 =	vperm.xlane v7, v11;
	[tilespmem:s26+$0x1E0] =	vst v8;
	v8 =	vshrl.u32 v14, $0x1B  }
0xc0: {  	v15 =	vperm.xlane v7, v13;
	[tilespmem:s26+$0xFFFFFC70] =	vst v12;
	v12 =	vand.u32 $0x10, v8;
	v8 =	vld [tilespmem:s28+$0x70]  }
0xc1: {  	v9 =	vperm.xlane v5, v11;
	[tilespmem:s26+$0x2F0] =	vst v10;
	v11 =	vperm.xlane v5, v13  }
0xc2: {  	s30 =	simm.s32 $0x320;
	s29 =	simm.s32 $0x0;
	v10 =	vperm.xlane v4, v13;
	[tilespmem:s26+$0xFFFFFCF0] =	vst v15;
	s28 =	simm.s32 $0x2420;
	v12 =	vadd.s32 v14, v12  }
.LBB2_3:
0xc3: {  	v13 =	vld [tilespmem:s30+$0x80];
	[tilespmem:s26+$0xFFFFFD70] =	vst v11;
	v11 =	vperm.xlane v6, v12;
	v14 =	vperm.xlane v7, v12  }
0xc4: {  	v15 =	vld [tilespmem:s30+$0xFFFFFF80];
	[tilespmem:s26+$0xFFFFFDF0] =	vst v10;
	v10 =	vperm.xlane v5, v12;
	v12 =	vperm.xlane v4, v12  }
0xc5: {  	v16 =	vld [tilespmem:s30+$0x0];
	[tilespmem:s26+$0xFFFFFE70] =	vst v11;
	v11 =	vshrl.u32 v8, $0x1B  }
0xc6: {  	v17 =	vld [tilespmem:s30+$0xFFFFFF00];
	[tilespmem:s26+$0xFFFFFEF0] =	vst v14;
	v11 =	vand.u32 $0x10, v11  }
0xc7: {  	[tilespmem:s26+$0xFFFFFF70] =	vst v10;
	v8 =	vadd.s32 v8, v11  }
0xc8: {  	v10 =	vshrl.u32 v13, $0x1B;
	[tilespmem:s26+$0xFFFFFFF0] =	vst v12;
	v11 =	vperm.xlane v6, v8;
	v12 =	vperm.xlane v7, v8  }
0xc9: {  	v18 =	vperm.xlane v5, v8;
	v14 =	vshrl.u32 v15, $0x1B;
	v10 =	vand.u32 $0x10, v10;
	[tilespmem:s26+$0x370] =	vst v9  }
0xca: {  	v9 =	vand.u32 $0x10, v14;
	v14 =	vshrl.u32 v16, $0x1B;
	v10 =	vadd.s32 v13, v10;
	[tilespmem:s26+$0x70] =	vst v11  }
0xcb: {  	v11 =	vshrl.u32 v17, $0x1B;
	v13 =	vand.u32 $0x10, v14;
	v14 =	vperm.xlane v6, v10;
	[tilespmem:s26+$0xF0] =	vst v12  }
0xcc: {  	v9 =	vadd.s32 v15, v9;
	v12 =	vperm.xlane v7, v10;
	s26 =	sadd.s32 $0x800, s26;
	v11 =	vand.u32 $0x10, v11;
	[tilespmem:s28+$0x170] =	vst v18  }
0xcd: {  	v13 =	vadd.s32 v16, v13;
	v11 =	vadd.s32 v17, v11;
	[tilespmem:s26+$0x200] =	vst v14;
	v14 =	vperm.xlane v5, v10  }
0xce: {  	v10 =	vperm.xlane v4, v10;
	v15 =	vperm.xlane v6, v11;
	[tilespmem:s26+$0x280] =	vst v12  }
0xcf: {  	v12 =	vperm.xlane v7, v11;
	v16 =	vperm.xlane v5, v11;
	[tilespmem:s26+$0x300] =	vst v14  }
0xd0: {  	v11 =	vperm.xlane v4, v11;
	v14 =	vperm.xlane v6, v9;
	[tilespmem:s26+$0x380] =	vst v10  }
0xd1: {  	v10 =	vperm.xlane v7, v9;
	[tilespmem:s26+$0xFFFFFC00] =	vst v15;
	v15 =	vperm.xlane v5, v9;
	v17 =	vld [tilespmem:s30+$0x90]  }
0xd2: {  	v9 =	vperm.xlane v4, v9;
	[tilespmem:s26+$0xFFFFFC80] =	vst v12;
	v12 =	vperm.xlane v6, v13  }
0xd3: {  	v18 =	vperm.xlane v5, v13;
	[tilespmem:s26+$0xFFFFFD00] =	vst v16;
	v16 =	vperm.xlane v7, v13  }
0xd4: {  	v8 =	vperm.xlane v4, v8;
	[tilespmem:s26+$0xFFFFFD80] =	vst v11;
	v11 =	vperm.xlane v4, v13  }
0xd5: {  	v13 =	vld [tilespmem:s30+$0xFFFFFF10];
	[tilespmem:s26+$0xFFFFFE00] =	vst v14  }
0xd6: {  	[tilespmem:s26+$0xFFFFFE80] =	vst v10;
	v10 =	vshrl.u32 v17, $0x1B  }
0xd7: {  	[tilespmem:s26+$0xFFFFFF00] =	vst v15;
	v10 =	vand.u32 $0x10, v10  }
0xd8: {  	s29 =	sadd.s32 $0x4, s29;
	[tilespmem:s26+$0xFFFFFF80] =	vst v9;
	v9 =	vadd.s32 v17, v10  }
0xd9: {  	p1 =	slt.u32 s29, $0x1C;
	v10 =	vld [tilespmem:s30+$0xFFFFFF90];
	[tilespmem:s26+$0x0] =	vst v12;
	v12 =	vperm.xlane v6, v9  }
0xda: {  	v15 =	vperm.xlane v7, v9;
	v14 =	vshrl.u32 v13, $0x1B;
	[tilespmem:s26+$0x80] =	vst v16  }
0xdb: {  	v14 =	vand.u32 $0x10, v14;
	[tilespmem:s26+$0x210] =	vst v12;
	v12 =	vperm.xlane v5, v9  }
0xdc: {  	v9 =	vperm.xlane v4, v9;
	v13 =	vadd.s32 v13, v14;
	[tilespmem:s26+$0x290] =	vst v15  }
0xdd: {  	v14 =	vperm.xlane v6, v13;
	v15 =	vperm.xlane v7, v13;
	[tilespmem:s26+$0x310] =	vst v12  }
0xde: {  	v12 =	vperm.xlane v5, v13;
	v13 =	vperm.xlane v4, v13;
	v16 =	vshrl.u32 v10, $0x1B;
	[tilespmem:s26+$0x390] =	vst v9  }
0xdf: {  	v9 =	vand.u32 $0x10, v16;
	[tilespmem:s26+$0x100] =	vst v18;
	v16 =	vld [tilespmem:s30+$0xA0]  }
0xe0: {  	v9 =	vadd.s32 v10, v9;
	[tilespmem:s26+$0x180] =	vst v11  }
0xe1: {  	[tilespmem:s26+$0xFFFFFC10] =	vst v14;
	v10 =	vperm.xlane v6, v9;
	v11 =	vperm.xlane v7, v9;
	v14 =	vld [tilespmem:s30+$0x10]  }
0xe2: {  	[tilespmem:s26+$0xFFFFFC90] =	vst v15;
	v15 =	vperm.xlane v5, v9;
	v9 =	vperm.xlane v4, v9  }
0xe3: {  	[tilespmem:s26+$0xFFFFFD10] =	vst v12  }
0xe4: {  	[tilespmem:s26+$0xFFFFFD90] =	vst v13;
	v12 =	vshrl.u32 v16, $0x1B  }
0xe5: {  	v13 =	vld [tilespmem:s30+$0xFFFFFF20];
	[tilespmem:s26+$0xFFFFFE10] =	vst v10;
	v10 =	vand.u32 $0x10, v12  }
0xe6: {  	[tilespmem:s26+$0xFFFFFE90] =	vst v11;
	v11 =	vshrl.u32 v14, $0x1B;
	v10 =	vadd.s32 v16, v10  }
0xe7: {  	[tilespmem:s26+$0xFFFFFF10] =	vst v15;
	v11 =	vand.u32 $0x10, v11;
	v12 =	vperm.xlane v6, v10  }
0xe8: {  	[tilespmem:s26+$0xFFFFFF90] =	vst v9;
	v9 =	vadd.s32 v14, v11;
	v11 =	vperm.xlane v7, v10  }
0xe9: {  	v14 =	vld [tilespmem:s30+$0xFFFFFFA0];
	v15 =	vperm.xlane v6, v9;
	[tilespmem:s26+$0x220] =	vst v12;
	v12 =	vperm.xlane v5, v10  }
0xea: {  	v17 =	vperm.xlane v7, v9;
	v10 =	vperm.xlane v4, v10;
	v16 =	vshrl.u32 v13, $0x1B;
	[tilespmem:s26+$0x2A0] =	vst v11  }
0xeb: {  	v11 =	vand.u32 $0x10, v16;
	v16 =	vperm.xlane v5, v9;
	v9 =	vperm.xlane v4, v9;
	[tilespmem:s26+$0x320] =	vst v12  }
0xec: {  	v11 =	vadd.s32 v13, v11;
	[tilespmem:s26+$0x3A0] =	vst v10  }
0xed: {  	v10 =	vperm.xlane v6, v11;
	v12 =	vperm.xlane v7, v11;
	[tilespmem:s26+$0x10] =	vst v15;
	v13 =	vld [tilespmem:s30+$0xB0]  }
0xee: {  	v15 =	vperm.xlane v5, v11;
	v11 =	vperm.xlane v4, v11;
	v18 =	vshrl.u32 v14, $0x1B;
	[tilespmem:s26+$0x90] =	vst v17  }
0xef: {  	v17 =	vand.u32 $0x10, v18;
	[tilespmem:s26+$0x110] =	vst v16  }
0xf0: {  	v14 =	vadd.s32 v14, v17;
	[tilespmem:s26+$0x190] =	vst v9  }
0xf1: {  	[tilespmem:s26+$0xFFFFFC20] =	vst v10;
	v9 =	vperm.xlane v6, v14;
	v10 =	vperm.xlane v7, v14;
	v16 =	vld [tilespmem:s30+$0x20]  }
0xf2: {  	[tilespmem:s26+$0xFFFFFCA0] =	vst v12;
	v12 =	vperm.xlane v5, v14;
	v14 =	vperm.xlane v4, v14;
	v17 =	vshrl.u32 v13, $0x1B  }
0xf3: {  	[tilespmem:s26+$0xFFFFFD20] =	vst v15;
	v15 =	vand.u32 $0x10, v17  }
0xf4: {  	[tilespmem:s26+$0xFFFFFDA0] =	vst v11;
	v11 =	vadd.s32 v13, v15  }
0xf5: {  	v13 =	vld [tilespmem:s30+$0xFFFFFF30];
	[tilespmem:s26+$0xFFFFFE20] =	vst v9;
	v9 =	vperm.xlane v6, v11  }
0xf6: {  	v15 =	vperm.xlane v7, v11;
	[tilespmem:s26+$0xFFFFFEA0] =	vst v10;
	v10 =	vshrl.u32 v16, $0x1B  }
0xf7: {  	v10 =	vand.u32 $0x10, v10;
	[tilespmem:s26+$0x230] =	vst v9;
	v9 =	vperm.xlane v5, v11  }
0xf8: {  	v11 =	vperm.xlane v4, v11;
	v10 =	vadd.s32 v16, v10;
	[tilespmem:s26+$0x2B0] =	vst v15  }
0xf9: {  	v15 =	vperm.xlane v6, v10;
	v16 =	vperm.xlane v7, v10;
	[tilespmem:s26+$0x330] =	vst v9  }
0xfa: {  	v17 =	vperm.xlane v5, v10;
	v10 =	vperm.xlane v4, v10;
	v9 =	vshrl.u32 v13, $0x1B;
	[tilespmem:s26+$0x3B0] =	vst v11  }
0xfb: {  	v9 =	vand.u32 $0x10, v9;
	[tilespmem:s26+$0xFFFFFF20] =	vst v12;
	v11 =	vld [tilespmem:s30+$0xC0]  }
0xfc: {  	v9 =	vadd.s32 v13, v9;
	[tilespmem:s26+$0xFFFFFFA0] =	vst v14  }
0xfd: {  	v12 =	vperm.xlane v6, v9;
	v13 =	vperm.xlane v7, v9;
	v14 =	vld [tilespmem:s30+$0xFFFFFFB0];
	[tilespmem:s26+$0x20] =	vst v15  }
0xfe: {  	v15 =	vperm.xlane v5, v9;
	v9 =	vperm.xlane v4, v9;
	[tilespmem:s26+$0xA0] =	vst v16  }
0xff: {  	[tilespmem:s26+$0x120] =	vst v17  }
0x100: {  	[tilespmem:s26+$0x1A0] =	vst v10;
	v10 =	vshrl.u32 v11, $0x1B  }
0x101: {  	[tilespmem:s26+$0xFFFFFC30] =	vst v12;
	v12 =	vld [tilespmem:s30+$0x30];
	v10 =	vand.u32 $0x10, v10  }
0x102: {  	[tilespmem:s26+$0xFFFFFCB0] =	vst v13;
	v13 =	vshrl.u32 v14, $0x1B;
	v10 =	vadd.s32 v11, v10  }
0x103: {  	[tilespmem:s26+$0xFFFFFD30] =	vst v15;
	v11 =	vand.u32 $0x10, v13;
	v13 =	vperm.xlane v6, v10  }
0x104: {  	[tilespmem:s26+$0xFFFFFDB0] =	vst v9;
	v9 =	vadd.s32 v14, v11;
	v11 =	vperm.xlane v7, v10  }
0x105: {  	v14 =	vld [tilespmem:s30+$0xFFFFFF40];
	v15 =	vperm.xlane v6, v9;
	[tilespmem:s26+$0x240] =	vst v13;
	v13 =	vperm.xlane v5, v10  }
0x106: {  	v16 =	vperm.xlane v7, v9;
	v10 =	vperm.xlane v4, v10;
	v17 =	vshrl.u32 v12, $0x1B;
	[tilespmem:s26+$0x2C0] =	vst v11  }
0x107: {  	v11 =	vperm.xlane v5, v9;
	v9 =	vperm.xlane v4, v9;
	v17 =	vand.u32 $0x10, v17;
	[tilespmem:s26+$0x340] =	vst v13  }
0x108: {  	v12 =	vadd.s32 v12, v17;
	[tilespmem:s26+$0x3C0] =	vst v10  }
0x109: {  	[tilespmem:s26+$0xFFFFFE30] =	vst v15;
	v10 =	vperm.xlane v6, v12;
	v13 =	vperm.xlane v7, v12;
	v15 =	vld [tilespmem:s30+$0xD0]  }
0x10a: {  	v17 =	vshrl.u32 v14, $0x1B;
	[tilespmem:s26+$0xFFFFFEB0] =	vst v16;
	v16 =	vperm.xlane v5, v12;
	v12 =	vperm.xlane v4, v12  }
0x10b: {  	v17 =	vand.u32 $0x10, v17;
	[tilespmem:s26+$0xFFFFFF30] =	vst v11  }
0x10c: {  	v11 =	vadd.s32 v14, v17;
	[tilespmem:s26+$0xFFFFFFB0] =	vst v9  }
0x10d: {  	v9 =	vperm.xlane v6, v11;
	v14 =	vperm.xlane v7, v11;
	v17 =	vld [tilespmem:s30+$0xFFFFFFC0];
	[tilespmem:s26+$0x30] =	vst v10  }
0x10e: {  	v10 =	vperm.xlane v5, v11;
	v11 =	vperm.xlane v4, v11;
	[tilespmem:s26+$0xB0] =	vst v13;
	v13 =	vshrl.u32 v15, $0x1B  }
0x10f: {  	[tilespmem:s26+$0x130] =	vst v16;
	v13 =	vand.u32 $0x10, v13  }
0x110: {  	[tilespmem:s26+$0x1B0] =	vst v12;
	v12 =	vadd.s32 v15, v13  }
0x111: {  	[tilespmem:s26+$0xFFFFFC40] =	vst v9;
	v9 =	vld [tilespmem:s30+$0x40];
	v13 =	vperm.xlane v6, v12  }
0x112: {  	v15 =	vperm.xlane v7, v12;
	[tilespmem:s26+$0xFFFFFCC0] =	vst v14;
	v14 =	vshrl.u32 v17, $0x1B  }
0x113: {  	v14 =	vand.u32 $0x10, v14;
	[tilespmem:s26+$0x250] =	vst v13;
	v13 =	vperm.xlane v5, v12  }
0x114: {  	v12 =	vperm.xlane v4, v12;
	v14 =	vadd.s32 v17, v14;
	[tilespmem:s26+$0x2D0] =	vst v15  }
0x115: {  	v15 =	vperm.xlane v6, v14;
	v16 =	vperm.xlane v7, v14;
	[tilespmem:s26+$0x350] =	vst v13  }
0x116: {  	v13 =	vperm.xlane v5, v14;
	v14 =	vperm.xlane v4, v14;
	v17 =	vshrl.u32 v9, $0x1B;
	[tilespmem:s26+$0x3D0] =	vst v12  }
0x117: {  	[tilespmem:s26+$0xFFFFFD40] =	vst v10;
	v10 =	vand.u32 $0x10, v17;
	v12 =	vld [tilespmem:s30+$0xE0]  }
0x118: {  	[tilespmem:s26+$0xFFFFFDC0] =	vst v11;
	v9 =	vadd.s32 v9, v10  }
0x119: {  	v10 =	vld [tilespmem:s30+$0xFFFFFF50];
	[tilespmem:s26+$0xFFFFFE40] =	vst v15;
	v11 =	vperm.xlane v6, v9;
	v15 =	vperm.xlane v7, v9  }
0x11a: {  	[tilespmem:s26+$0xFFFFFEC0] =	vst v16;
	v16 =	vperm.xlane v5, v9;
	v9 =	vperm.xlane v4, v9  }
0x11b: {  	[tilespmem:s26+$0xFFFFFF40] =	vst v13  }
0x11c: {  	[tilespmem:s26+$0xFFFFFFC0] =	vst v14;
	v13 =	vshrl.u32 v12, $0x1B  }
0x11d: {  	v14 =	vld [tilespmem:s30+$0xFFFFFFD0];
	[tilespmem:s26+$0x40] =	vst v11;
	v11 =	vand.u32 $0x10, v13  }
0x11e: {  	v13 =	vshrl.u32 v10, $0x1B;
	[tilespmem:s26+$0xC0] =	vst v15;
	v11 =	vadd.s32 v12, v11  }
0x11f: {  	v12 =	vand.u32 $0x10, v13;
	[tilespmem:s26+$0x140] =	vst v16;
	v13 =	vperm.xlane v6, v11  }
0x120: {  	v10 =	vadd.s32 v10, v12;
	[tilespmem:s26+$0x1C0] =	vst v9;
	v9 =	vperm.xlane v7, v11  }
0x121: {  	v12 =	vperm.xlane v6, v10;
	v15 =	vld [tilespmem:s30+$0x50];
	[tilespmem:s26+$0x260] =	vst v13;
	v13 =	vperm.xlane v5, v11  }
0x122: {  	v16 =	vperm.xlane v7, v10;
	v17 =	vshrl.u32 v14, $0x1B;
	[tilespmem:s26+$0x2E0] =	vst v9;
	v9 =	vperm.xlane v4, v11  }
0x123: {  	v11 =	vperm.xlane v5, v10;
	v10 =	vperm.xlane v4, v10;
	v17 =	vand.u32 $0x10, v17;
	[tilespmem:s26+$0x360] =	vst v13  }
0x124: {  	v13 =	vadd.s32 v14, v17;
	[tilespmem:s26+$0x3E0] =	vst v9  }
0x125: {  	[tilespmem:s26+$0xFFFFFC50] =	vst v12;
	v9 =	vperm.xlane v6, v13;
	v12 =	vperm.xlane v7, v13;
	v14 =	vld [tilespmem:s30+$0xF0]  }
0x126: {  	[tilespmem:s26+$0xFFFFFCD0] =	vst v16;
	v16 =	vperm.xlane v5, v13;
	v13 =	vperm.xlane v4, v13;
	v17 =	vshrl.u32 v15, $0x1B  }
0x127: {  	[tilespmem:s26+$0xFFFFFD50] =	vst v11;
	v11 =	vand.u32 $0x10, v17  }
0x128: {  	[tilespmem:s26+$0xFFFFFDD0] =	vst v10;
	v10 =	vadd.s32 v15, v11  }
0x129: {  	v11 =	vld [tilespmem:s30+$0xFFFFFF60];
	[tilespmem:s26+$0xFFFFFE50] =	vst v9;
	v9 =	vperm.xlane v6, v10;
	v15 =	vperm.xlane v7, v10  }
0x12a: {  	[tilespmem:s26+$0xFFFFFED0] =	vst v12;
	v12 =	vperm.xlane v5, v10;
	v10 =	vperm.xlane v4, v10;
	v17 =	vshrl.u32 v14, $0x1B  }
0x12b: {  	[tilespmem:s26+$0xFFFFFF50] =	vst v16;
	v16 =	vand.u32 $0x10, v17  }
0x12c: {  	[tilespmem:s26+$0xFFFFFFD0] =	vst v13;
	v13 =	vadd.s32 v14, v16  }
0x12d: {  	v14 =	vld [tilespmem:s30+$0xFFFFFFE0];
	[tilespmem:s26+$0x50] =	vst v9;
	v16 =	vperm.xlane v6, v13;
	v17 =	vperm.xlane v4, v13  }
0x12e: {  	v9 =	vperm.xlane v5, v13;
	v18 =	vshrl.u32 v11, $0x1B;
	[tilespmem:s26+$0xD0] =	vst v15;
	v15 =	vperm.xlane v7, v13  }
0x12f: {  	v13 =	vand.u32 $0x10, v18;
	[tilespmem:s26+$0x3F0] =	vst v17  }
0x130: {  	v11 =	vadd.s32 v11, v13;
	[tilespmem:s26+$0x150] =	vst v12  }
0x131: {  	v12 =	vperm.xlane v6, v11;
	v13 =	vperm.xlane v7, v11;
	[tilespmem:s26+$0x1D0] =	vst v10  }
0x132: {  	v10 =	vperm.xlane v5, v11;
	v11 =	vperm.xlane v4, v11;
	v17 =	vshrl.u32 v14, $0x1B;
	v18 =	vld [tilespmem:s30+$0x60];
	[tilespmem:s28+$0x1F0] =	vst v8;
	s28 =	smov.u32 s26  }
0x133: {  	[tilespmem:s26+$0xFFFFFC60] =	vst v12;
	v8 =	vand.u32 $0x10, v17  }
0x134: {  	[tilespmem:s26+$0xFFFFFCE0] =	vst v13;
	v8 =	vadd.s32 v14, v8  }
0x135: {  	[tilespmem:s26+$0xFFFFFD60] =	vst v10;
	v10 =	vperm.xlane v6, v8;
	v12 =	vperm.xlane v7, v8  }
0x136: {  	[tilespmem:s26+$0xFFFFFDE0] =	vst v11;
	v11 =	vperm.xlane v5, v8;
	v8 =	vperm.xlane v4, v8  }
0x137: {  	v13 =	vld [tilespmem:s30+$0xFFFFFF70];
	[tilespmem:s26+$0xFFFFFE60] =	vst v10;
	v10 =	vshrl.u32 v18, $0x1B  }
0x138: {  	[tilespmem:s26+$0xFFFFFEE0] =	vst v12;
	v10 =	vand.u32 $0x10, v10  }
0x139: {  	[tilespmem:s26+$0xFFFFFF60] =	vst v11;
	v10 =	vadd.s32 v18, v10  }
0x13a: {  	[tilespmem:s26+$0xFFFFFFE0] =	vst v8;
	v8 =	vperm.xlane v6, v10;
	v11 =	vperm.xlane v7, v10  }
0x13b: {  	v14 =	vperm.xlane v5, v10;
	v10 =	vperm.xlane v4, v10;
	v12 =	vld [tilespmem:s30+$0xFFFFFFF0];
	[tilespmem:s26+$0x270] =	vst v16  }
0x13c: {  	v16 =	vshrl.u32 v13, $0x1B;
	[tilespmem:s26+$0x60] =	vst v8  }
0x13d: {  	v8 =	vand.u32 $0x10, v16;
	[tilespmem:s26+$0xE0] =	vst v11  }
.Ltmp0:
0x13e: {  	v8 =	vadd.s32 v13, v8;
	[tilespmem:s26+$0x160] =	vst v14;
	(pc) =	sbr.rel @p1 .LBB2_3-.Ltmp0, $4  }
0x13f: {  	v13 =	vperm.xlane v6, v8;
	v14 =	vperm.xlane v7, v8;
	[tilespmem:s26+$0x1E0] =	vst v10  }
0x140: {  	v11 =	vperm.xlane v5, v8;
	v10 =	vperm.xlane v4, v8;
	v16 =	vshrl.u32 v12, $0x1B;
	v8 =	vld [tilespmem:s30+$0x70];
	[tilespmem:s26+$0x2F0] =	vst v15  }
0x141: {  	[tilespmem:s26+$0xFFFFFC70] =	vst v13;
	v13 =	vand.u32 $0x10, v16  }
0x142: {  	s30 =	sadd.s32 $0x200, s30;
	[tilespmem:s26+$0xFFFFFCF0] =	vst v14;
	v12 =	vadd.s32 v12, v13  }
0x143: {  	[tilespmem:s26+$0xFFFFFD70] =	vst v11;
	v11 =	vperm.xlane v6, v12  }
0x144: {  	[tilespmem:s26+$0xFFFFFDF0] =	vst v10  }
0x145: {  	v13 =	vperm.xlane v7, v12;
	[tilespmem:s26+$0xFFFFFE70] =	vst v11;
	v11 =	vshrl.u32 v8, $0x1B  }
0x146: {  	v10 =	vperm.xlane v5, v12;
	[tilespmem:s26+$0x370] =	vst v9;
	v11 =	vand.u32 $0x10, v11  }
0x147: {  	v12 =	vperm.xlane v4, v12;
	[tilespmem:s26+$0xFFFFFEF0] =	vst v13;
	v8 =	vadd.s32 v8, v11  }
0x148: {  	[tilespmem:s26+$0xFFFFFF70] =	vst v10;
	v10 =	vperm.xlane v6, v8  }
0x149: {  	[tilespmem:s26+$0xFFFFFFF0] =	vst v12;
	v11 =	vperm.xlane v7, v8  }
0x14a: {  	v9 =	vperm.xlane v5, v8;
	[tilespmem:s26+$0x70] =	vst v10  }
0x14b: {  	s31 =	sadd.s32 s6, s25;
	v8 =	vperm.xlane v4, v8;
	[tilespmem:s26+$0xF0] =	vst v11  }
0x14c: {  	s26 =	sshll.u32 s31, $0xB;
	[tilespmem:s28+$0x170] =	vst v9  }
0x14d: {  	[tilespmem:s28+$0x1F0] =	vst v8;
	s26 =	sadd.s32 s3, s26  }
0x14e: {  	[hbm4b:s26+s4] =	stream.linear.scatter [tilespmem:s17], [sflag:$0x3], $0x4000, $0x38;
	[tilespmem:$0xA020] =	vst v63  }
0x14f: {  	s26 =	sadd.s32 s25, s8  }
0x150: {  	s30 =	sshll.u32 s26, $0x9;
	s28 =	sshll.u32 s26, $0xC;
	s25 =	sshll.u32 s26, $0x2  }
0x151: {  	s26 =	sand.u32 $0xFFFC000, s30;
	s28 =	sand.u32 $0x3000, s28;
	s25 =	sand.u32 $0x70, s25  }
0x152: {  	s26 =	sor.u32 s28, s26;
	s25 =	sadd.s32 s1, s25  }
0x153: {  	s25 =	sadd.s32 s26, s25  }
0x154: {  	[tilespmem:s13], [sflag:$0x1] =	stream.strided.gather [hbm4b:s25+s11], $0x1000, s12, s11, $0x38;
	[tilespmem:$0xA020] =	vst v63  }
0x155: {  	_ =	swait.ge [sflag:s18], $0x1000  }
0x156: {  	[sflag:s18] =	ssyncset.done $0x0  }
0x157: {  	s25 =	simm.s32 @!p0 $0x4;
	[sflag:s18] =	ssyncadd.s32 $0xFFFFF000  }
0x158: {  	_ =	swait.ge @!p0 [sflag:s25], $0x4000  }
0x159: {  	[sflag:s25] =	ssyncset.done @!p0 $0x0  }
0x15a: {  	s31 =	simm.s32 $0x1120;
	[sflag:s25] =	ssyncadd.s32 @!p0 $0xFFFFC000  }
0x15b: {  	v8 =	vld [tilespmem:s31+$0x80];
	_ =	sdelay $0x3  }
0x15c: {  	v9 =	vld [tilespmem:s31+$0xFFFFFF00]  }
0x15d: {  	v10 =	vshrl.u32 v8, $0x1B  }
0x15e: {  	v10 =	vand.u32 $0x10, v10  }
0x15f: {  	v8 =	vadd.s32 v8, v10  }
0x160: {  	v10 =	vld [tilespmem:s31+$0xFFFFFF80];
	v11 =	vperm.xlane v6, v8  }
0x161: {  	s25 =	simm.s32 $0x6420;
	v12 =	vshrl.u32 v9, $0x1B;
	v13 =	vperm.xlane v7, v8  }
0x162: {  	v12 =	vand.u32 $0x10, v12;
	[tilespmem:s25+$0x200] =	vst v11;
	v11 =	vperm.xlane v5, v8  }
0x163: {  	v9 =	vadd.s32 v9, v12;
	[tilespmem:s25+$0x280] =	vst v13;
	v8 =	vperm.xlane v4, v8  }
0x164: {  	v12 =	vld [tilespmem:s31+$0x0];
	v13 =	vperm.xlane v6, v9;
	[tilespmem:s25+$0x300] =	vst v11  }
0x165: {  	v14 =	vperm.xlane v7, v9;
	v11 =	vshrl.u32 v10, $0x1B;
	[tilespmem:s25+$0x380] =	vst v8  }
0x166: {  	[tilespmem:s25+$0xFFFFFC00] =	vst v13;
	v8 =	vand.u32 $0x10, v11;
	v11 =	vperm.xlane v5, v9;
	v13 =	vld [tilespmem:s31+$0x90]  }
0x167: {  	[tilespmem:s25+$0xFFFFFC80] =	vst v14;
	v9 =	vperm.xlane v4, v9;
	v8 =	vadd.s32 v10, v8  }
0x168: {  	v10 =	vperm.xlane v6, v8;
	[tilespmem:s25+$0xFFFFFD00] =	vst v11  }
0x169: {  	v11 =	vshrl.u32 v12, $0x1B;
	v14 =	vperm.xlane v7, v8;
	[tilespmem:s25+$0xFFFFFD80] =	vst v9  }
0x16a: {  	v9 =	vand.u32 $0x10, v11;
	v11 =	vperm.xlane v5, v8;
	[tilespmem:s25+$0xFFFFFE00] =	vst v10  }
0x16b: {  	v8 =	vperm.xlane v4, v8;
	v9 =	vadd.s32 v12, v9;
	[tilespmem:s25+$0xFFFFFE80] =	vst v14;
	v10 =	vshrl.u32 v13, $0x1B  }
0x16c: {  	v14 =	vld [tilespmem:s31+$0xFFFFFF10];
	v12 =	vperm.xlane v6, v9;
	[tilespmem:s25+$0xFFFFFF00] =	vst v11;
	v10 =	vand.u32 $0x10, v10  }
0x16d: {  	v11 =	vperm.xlane v7, v9;
	[tilespmem:s25+$0xFFFFFF80] =	vst v8;
	v8 =	vadd.s32 v13, v10  }
0x16e: {  	[tilespmem:s25+$0x0] =	vst v12;
	v10 =	vperm.xlane v6, v8  }
0x16f: {  	[tilespmem:s25+$0x80] =	vst v11;
	v11 =	vperm.xlane v7, v8  }
0x170: {  	v12 =	vld [tilespmem:s31+$0xFFFFFF90];
	[tilespmem:s25+$0x210] =	vst v10;
	v10 =	vperm.xlane v5, v8  }
0x171: {  	v13 =	vshrl.u32 v14, $0x1B;
	[tilespmem:s25+$0x290] =	vst v11;
	v8 =	vperm.xlane v4, v8  }
0x172: {  	v11 =	vperm.xlane v5, v9;
	v13 =	vand.u32 $0x10, v13;
	[tilespmem:s25+$0x310] =	vst v10  }
0x173: {  	v9 =	vperm.xlane v4, v9;
	v10 =	vadd.s32 v14, v13;
	[tilespmem:s25+$0x390] =	vst v8  }
0x174: {  	[tilespmem:s25+$0x100] =	vst v11;
	v8 =	vperm.xlane v6, v10;
	v11 =	vld [tilespmem:s31+$0xA0]  }
0x175: {  	v14 =	vshrl.u32 v12, $0x1B;
	[tilespmem:s25+$0x180] =	vst v9;
	v13 =	vperm.xlane v7, v10  }
0x176: {  	v9 =	vperm.xlane v5, v10;
	v14 =	vand.u32 $0x10, v14;
	[tilespmem:s25+$0xFFFFFC10] =	vst v8  }
0x177: {  	v8 =	vperm.xlane v4, v10;
	v10 =	vadd.s32 v12, v14;
	[tilespmem:s25+$0xFFFFFC90] =	vst v13  }
0x178: {  	v13 =	vld [tilespmem:s31+$0x10];
	[tilespmem:s25+$0xFFFFFD10] =	vst v9;
	v12 =	vperm.xlane v6, v10  }
0x179: {  	v9 =	vperm.xlane v7, v10;
	[tilespmem:s25+$0xFFFFFD90] =	vst v8;
	v8 =	vshrl.u32 v11, $0x1B  }
0x17a: {  	v14 =	vperm.xlane v5, v10;
	[tilespmem:s25+$0xFFFFFE10] =	vst v12;
	v8 =	vand.u32 $0x10, v8  }
0x17b: {  	v10 =	vperm.xlane v4, v10;
	[tilespmem:s25+$0xFFFFFE90] =	vst v9;
	v8 =	vadd.s32 v11, v8  }
0x17c: {  	v9 =	vld [tilespmem:s31+$0xFFFFFF20];
	[tilespmem:s25+$0xFFFFFF10] =	vst v14;
	v11 =	vperm.xlane v6, v8  }
0x17d: {  	[tilespmem:s25+$0xFFFFFF90] =	vst v10;
	v12 =	vshrl.u32 v13, $0x1B;
	v10 =	vperm.xlane v7, v8  }
0x17e: {  	v12 =	vand.u32 $0x10, v12;
	[tilespmem:s25+$0x220] =	vst v11;
	v11 =	vperm.xlane v5, v8  }
0x17f: {  	v12 =	vadd.s32 v13, v12;
	[tilespmem:s25+$0x2A0] =	vst v10;
	v8 =	vperm.xlane v4, v8  }
0x180: {  	v10 =	vld [tilespmem:s31+$0xFFFFFFA0];
	v13 =	vperm.xlane v6, v12;
	[tilespmem:s25+$0x320] =	vst v11  }
0x181: {  	v14 =	vperm.xlane v7, v12;
	v11 =	vshrl.u32 v9, $0x1B;
	[tilespmem:s25+$0x3A0] =	vst v8  }
0x182: {  	[tilespmem:s25+$0x10] =	vst v13;
	v8 =	vand.u32 $0x10, v11;
	v11 =	vperm.xlane v5, v12;
	v13 =	vld [tilespmem:s31+$0xB0]  }
0x183: {  	[tilespmem:s25+$0x90] =	vst v14;
	v12 =	vperm.xlane v4, v12;
	v8 =	vadd.s32 v9, v8  }
0x184: {  	v9 =	vperm.xlane v6, v8;
	[tilespmem:s25+$0x110] =	vst v11  }
0x185: {  	v11 =	vperm.xlane v7, v8;
	v14 =	vshrl.u32 v10, $0x1B;
	[tilespmem:s25+$0x190] =	vst v12  }
0x186: {  	v12 =	vperm.xlane v5, v8;
	v14 =	vand.u32 $0x10, v14;
	[tilespmem:s25+$0xFFFFFC20] =	vst v9  }
0x187: {  	v8 =	vperm.xlane v4, v8;
	v9 =	vadd.s32 v10, v14;
	[tilespmem:s25+$0xFFFFFCA0] =	vst v11;
	v10 =	vshrl.u32 v13, $0x1B  }
0x188: {  	v14 =	vld [tilespmem:s31+$0x20];
	[tilespmem:s25+$0xFFFFFD20] =	vst v12;
	v11 =	vperm.xlane v6, v9;
	v10 =	vand.u32 $0x10, v10  }
0x189: {  	[tilespmem:s25+$0xFFFFFDA0] =	vst v8;
	v12 =	vperm.xlane v7, v9;
	v8 =	vadd.s32 v13, v10  }
0x18a: {  	[tilespmem:s25+$0xFFFFFE20] =	vst v11;
	v10 =	vperm.xlane v6, v8  }
0x18b: {  	[tilespmem:s25+$0xFFFFFEA0] =	vst v12;
	v11 =	vperm.xlane v7, v8  }
0x18c: {  	v12 =	vld [tilespmem:s31+$0xFFFFFF30];
	[tilespmem:s25+$0x230] =	vst v10;
	v10 =	vperm.xlane v5, v8  }
0x18d: {  	v13 =	vshrl.u32 v14, $0x1B;
	[tilespmem:s25+$0x2B0] =	vst v11;
	v8 =	vperm.xlane v4, v8  }
0x18e: {  	v11 =	vperm.xlane v5, v9;
	v13 =	vand.u32 $0x10, v13;
	[tilespmem:s25+$0x330] =	vst v10  }
0x18f: {  	v9 =	vperm.xlane v4, v9;
	v10 =	vadd.s32 v14, v13;
	[tilespmem:s25+$0x3B0] =	vst v8  }
0x190: {  	[tilespmem:s25+$0xFFFFFF20] =	vst v11;
	v8 =	vperm.xlane v6, v10;
	v11 =	vld [tilespmem:s31+$0xC0]  }
0x191: {  	v14 =	vshrl.u32 v12, $0x1B;
	[tilespmem:s25+$0xFFFFFFA0] =	vst v9;
	v13 =	vperm.xlane v7, v10  }
0x192: {  	v9 =	vperm.xlane v5, v10;
	v14 =	vand.u32 $0x10, v14;
	[tilespmem:s25+$0x20] =	vst v8  }
0x193: {  	v8 =	vperm.xlane v4, v10;
	v10 =	vadd.s32 v12, v14;
	[tilespmem:s25+$0xA0] =	vst v13  }
0x194: {  	v13 =	vld [tilespmem:s31+$0xFFFFFFB0];
	[tilespmem:s25+$0x120] =	vst v9;
	v12 =	vperm.xlane v6, v10  }
0x195: {  	v9 =	vperm.xlane v7, v10;
	[tilespmem:s25+$0x1A0] =	vst v8;
	v8 =	vshrl.u32 v11, $0x1B  }
0x196: {  	v14 =	vperm.xlane v5, v10;
	[tilespmem:s25+$0xFFFFFC30] =	vst v12;
	v8 =	vand.u32 $0x10, v8  }
0x197: {  	v10 =	vperm.xlane v4, v10;
	[tilespmem:s25+$0xFFFFFCB0] =	vst v9;
	v8 =	vadd.s32 v11, v8  }
0x198: {  	v9 =	vld [tilespmem:s31+$0x30];
	[tilespmem:s25+$0xFFFFFD30] =	vst v14;
	v11 =	vperm.xlane v6, v8  }
0x199: {  	[tilespmem:s25+$0xFFFFFDB0] =	vst v10;
	v12 =	vshrl.u32 v13, $0x1B;
	v10 =	vperm.xlane v7, v8  }
0x19a: {  	v12 =	vand.u32 $0x10, v12;
	[tilespmem:s25+$0x240] =	vst v11;
	v11 =	vperm.xlane v5, v8  }
0x19b: {  	v12 =	vadd.s32 v13, v12;
	[tilespmem:s25+$0x2C0] =	vst v10;
	v8 =	vperm.xlane v4, v8  }
0x19c: {  	v10 =	vld [tilespmem:s31+$0xFFFFFF40];
	v13 =	vperm.xlane v6, v12;
	[tilespmem:s25+$0x340] =	vst v11  }
0x19d: {  	v14 =	vshrl.u32 v9, $0x1B;
	v11 =	vperm.xlane v7, v12;
	[tilespmem:s25+$0x3C0] =	vst v8  }
0x19e: {  	v14 =	vand.u32 $0x10, v14;
	v8 =	vperm.xlane v5, v12;
	[tilespmem:s25+$0xFFFFFE30] =	vst v13;
	v13 =	vld [tilespmem:s31+$0xD0]  }
0x19f: {  	v12 =	vperm.xlane v4, v12;
	v9 =	vadd.s32 v9, v14;
	[tilespmem:s25+$0xFFFFFEB0] =	vst v11  }
0x1a0: {  	v11 =	vperm.xlane v6, v9;
	[tilespmem:s25+$0xFFFFFF30] =	vst v8  }
0x1a1: {  	v8 =	vperm.xlane v7, v9;
	[tilespmem:s25+$0xFFFFFFB0] =	vst v12;
	v14 =	vshrl.u32 v10, $0x1B  }
0x1a2: {  	v12 =	vperm.xlane v5, v9;
	v14 =	vand.u32 $0x10, v14;
	[tilespmem:s25+$0x30] =	vst v11  }
0x1a3: {  	v9 =	vperm.xlane v4, v9;
	[tilespmem:s25+$0xB0] =	vst v8;
	v10 =	vadd.s32 v10, v14;
	v8 =	vshrl.u32 v13, $0x1B  }
0x1a4: {  	[tilespmem:s25+$0x130] =	vst v12;
	v14 =	vld [tilespmem:s31+$0xFFFFFFC0];
	v11 =	vperm.xlane v6, v10;
	v8 =	vand.u32 $0x10, v8  }
0x1a5: {  	[tilespmem:s25+$0x1B0] =	vst v9;
	v12 =	vperm.xlane v7, v10;
	v8 =	vadd.s32 v13, v8  }
0x1a6: {  	[tilespmem:s25+$0xFFFFFC40] =	vst v11;
	v9 =	vperm.xlane v6, v8  }
0x1a7: {  	[tilespmem:s25+$0xFFFFFCC0] =	vst v12;
	v11 =	vperm.xlane v7, v8  }
0x1a8: {  	v12 =	vld [tilespmem:s31+$0x40];
	[tilespmem:s25+$0x250] =	vst v9;
	v9 =	vperm.xlane v5, v8  }
0x1a9: {  	v13 =	vshrl.u32 v14, $0x1B;
	[tilespmem:s25+$0x2D0] =	vst v11;
	v8 =	vperm.xlane v4, v8  }
0x1aa: {  	v11 =	vperm.xlane v5, v10;
	v13 =	vand.u32 $0x10, v13;
	[tilespmem:s25+$0x350] =	vst v9  }
0x1ab: {  	v9 =	vperm.xlane v4, v10;
	v10 =	vadd.s32 v14, v13;
	[tilespmem:s25+$0x3D0] =	vst v8  }
0x1ac: {  	[tilespmem:s25+$0xFFFFFD40] =	vst v11;
	v8 =	vperm.xlane v6, v10;
	v11 =	vld [tilespmem:s31+$0xE0]  }
0x1ad: {  	v14 =	vshrl.u32 v12, $0x1B;
	v13 =	vperm.xlane v7, v10;
	[tilespmem:s25+$0xFFFFFDC0] =	vst v9  }
0x1ae: {  	v14 =	vand.u32 $0x10, v14;
	v9 =	vperm.xlane v5, v10;
	[tilespmem:s25+$0xFFFFFE40] =	vst v8  }
0x1af: {  	v8 =	vperm.xlane v4, v10;
	v10 =	vadd.s32 v12, v14;
	[tilespmem:s25+$0xFFFFFEC0] =	vst v13  }
0x1b0: {  	v12 =	vld [tilespmem:s31+$0xFFFFFF50];
	v13 =	vperm.xlane v6, v10;
	[tilespmem:s25+$0xFFFFFF40] =	vst v9  }
0x1b1: {  	v9 =	vperm.xlane v7, v10;
	[tilespmem:s25+$0xFFFFFFC0] =	vst v8;
	v8 =	vshrl.u32 v11, $0x1B  }
0x1b2: {  	v14 =	vperm.xlane v5, v10;
	[tilespmem:s25+$0x40] =	vst v13;
	v8 =	vand.u32 $0x10, v8  }
0x1b3: {  	v10 =	vperm.xlane v4, v10;
	[tilespmem:s25+$0xC0] =	vst v9;
	v8 =	vadd.s32 v11, v8  }
0x1b4: {  	v9 =	vld [tilespmem:s31+$0xFFFFFFD0];
	[tilespmem:s25+$0x140] =	vst v14;
	v11 =	vperm.xlane v6, v8  }
0x1b5: {  	[tilespmem:s25+$0x1C0] =	vst v10;
	v13 =	vshrl.u32 v12, $0x1B;
	v10 =	vperm.xlane v7, v8  }
0x1b6: {  	v13 =	vand.u32 $0x10, v13;
	[tilespmem:s25+$0x260] =	vst v11;
	v11 =	vperm.xlane v5, v8  }
0x1b7: {  	v12 =	vadd.s32 v12, v13;
	[tilespmem:s25+$0x2E0] =	vst v10;
	v8 =	vperm.xlane v4, v8  }
0x1b8: {  	v10 =	vperm.xlane v6, v12;
	[tilespmem:s25+$0x360] =	vst v11  }
0x1b9: {  	v13 =	vperm.xlane v7, v12;
	v14 =	vshrl.u32 v9, $0x1B;
	v11 =	vld [tilespmem:s31+$0x50];
	[tilespmem:s25+$0x3E0] =	vst v8  }
0x1ba: {  	v14 =	vand.u32 $0x10, v14;
	v8 =	vperm.xlane v5, v12;
	[tilespmem:s25+$0xFFFFFC50] =	vst v10  }
0x1bb: {  	v10 =	vperm.xlane v4, v12;
	v9 =	vadd.s32 v9, v14;
	[tilespmem:s25+$0xFFFFFCD0] =	vst v13  }
0x1bc: {  	v12 =	vperm.xlane v6, v9;
	[tilespmem:s25+$0xFFFFFD50] =	vst v8  }
0x1bd: {  	v13 =	vld [tilespmem:s31+$0xF0];
	v8 =	vperm.xlane v7, v9;
	[tilespmem:s25+$0xFFFFFDD0] =	vst v10  }
0x1be: {  	v10 =	vperm.xlane v5, v9;
	v15 =	vld [tilespmem:s31+$0xFFFFFF60];
	[tilespmem:s25+$0xFFFFFE50] =	vst v12;
	v14 =	vshrl.u32 v11, $0x1B  }
0x1bf: {  	v9 =	vperm.xlane v4, v9;
	[tilespmem:s25+$0xFFFFFED0] =	vst v8;
	v12 =	vand.u32 $0x10, v14  }
0x1c0: {  	[tilespmem:s25+$0xFFFFFF50] =	vst v10;
	v8 =	vadd.s32 v11, v12  }
0x1c1: {  	[tilespmem:s25+$0xFFFFFFD0] =	vst v9;
	v10 =	vperm.xlane v6, v8  }
0x1c2: {  	v11 =	vshrl.u32 v13, $0x1B;
	v12 =	vld [tilespmem:s31+$0xFFFFFFE0];
	v9 =	vperm.xlane v7, v8  }
0x1c3: {  	v14 =	vperm.xlane v5, v8;
	v11 =	vand.u32 $0x10, v11;
	[tilespmem:s25+$0x50] =	vst v10;
	v10 =	vshrl.u32 v15, $0x1B  }
0x1c4: {  	v8 =	vperm.xlane v4, v8;
	v11 =	vadd.s32 v13, v11;
	[tilespmem:s25+$0xD0] =	vst v9;
	v9 =	vand.u32 $0x10, v10  }
0x1c5: {  	[tilespmem:s25+$0x150] =	vst v14;
	v10 =	vperm.xlane v4, v11;
	v9 =	vadd.s32 v15, v9  }
0x1c6: {  	[tilespmem:s25+$0x1D0] =	vst v8;
	v13 =	vperm.xlane v6, v9  }
0x1c7: {  	[tilespmem:s25+$0x3F0] =	vst v10;
	v8 =	vperm.xlane v7, v9;
	v10 =	vshrl.u32 v12, $0x1B  }
0x1c8: {  	v14 =	vld [tilespmem:s31+$0x60];
	v15 =	vperm.xlane v5, v9;
	v10 =	vand.u32 $0x10, v10;
	[tilespmem:s25+$0xFFFFFC60] =	vst v13  }
0x1c9: {  	v9 =	vperm.xlane v4, v9;
	[tilespmem:s25+$0xFFFFFCE0] =	vst v8;
	v8 =	vadd.s32 v12, v10  }
0x1ca: {  	[tilespmem:s25+$0xFFFFFD60] =	vst v15;
	v10 =	vperm.xlane v6, v8  }
0x1cb: {  	[tilespmem:s25+$0xFFFFFDE0] =	vst v9;
	v12 =	vperm.xlane v7, v8  }
0x1cc: {  	v9 =	vperm.xlane v5, v8;
	v13 =	vld [tilespmem:s31+$0xFFFFFF70];
	[tilespmem:s25+$0xFFFFFE60] =	vst v10  }
0x1cd: {  	v8 =	vperm.xlane v4, v8;
	v10 =	vshrl.u32 v14, $0x1B;
	[tilespmem:s25+$0xFFFFFEE0] =	vst v12  }
0x1ce: {  	[tilespmem:s25+$0xFFFFFF60] =	vst v9;
	v10 =	vand.u32 $0x10, v10  }
0x1cf: {  	v12 =	vperm.xlane v6, v11;
	[tilespmem:s25+$0xFFFFFFE0] =	vst v8;
	v9 =	vadd.s32 v14, v10  }
0x1d0: {  	v14 =	vld [tilespmem:s31+$0xFFFFFFF0];
	v8 =	vperm.xlane v6, v9  }
0x1d1: {  	[tilespmem:s25+$0x270] =	vst v12;
	v10 =	vperm.xlane v7, v9;
	v15 =	vshrl.u32 v13, $0x1B  }
0x1d2: {  	v12 =	vperm.xlane v5, v9;
	[tilespmem:s25+$0x60] =	vst v8;
	v8 =	vperm.xlane v4, v9;
	v9 =	vand.u32 $0x10, v15  }
0x1d3: {  	[tilespmem:s25+$0xE0] =	vst v10;
	v13 =	vadd.s32 v13, v9  }
0x1d4: {  	[tilespmem:s25+$0x160] =	vst v12;
	v12 =	vperm.xlane v6, v13  }
0x1d5: {  	v10 =	vperm.xlane v7, v11;
	[tilespmem:s25+$0x1E0] =	vst v8;
	v8 =	vshrl.u32 v14, $0x1B  }
0x1d6: {  	v15 =	vperm.xlane v7, v13;
	[tilespmem:s25+$0xFFFFFC70] =	vst v12;
	v12 =	vand.u32 $0x10, v8;
	v8 =	vld [tilespmem:s31+$0x70]  }
0x1d7: {  	v9 =	vperm.xlane v5, v11;
	[tilespmem:s25+$0x2F0] =	vst v10;
	v11 =	vperm.xlane v5, v13  }
0x1d8: {  	s29 =	simm.s32 $0x1320;
	s28 =	simm.s32 $0x0;
	s26 =	simm.s32 $0x6420;
	v10 =	vperm.xlane v4, v13;
	[tilespmem:s25+$0xFFFFFCF0] =	vst v15;
	v12 =	vadd.s32 v14, v12  }
.LBB2_5:
0x1d9: {  	v13 =	vld [tilespmem:s29+$0x80];
	[tilespmem:s25+$0xFFFFFD70] =	vst v11;
	v11 =	vperm.xlane v6, v12;
	v14 =	vperm.xlane v7, v12  }
0x1da: {  	v15 =	vld [tilespmem:s29+$0xFFFFFF80];
	[tilespmem:s25+$0xFFFFFDF0] =	vst v10;
	v10 =	vperm.xlane v5, v12;
	v12 =	vperm.xlane v4, v12  }
0x1db: {  	v16 =	vld [tilespmem:s29+$0x0];
	[tilespmem:s25+$0xFFFFFE70] =	vst v11;
	v11 =	vshrl.u32 v8, $0x1B  }
0x1dc: {  	v17 =	vld [tilespmem:s29+$0xFFFFFF00];
	[tilespmem:s25+$0xFFFFFEF0] =	vst v14;
	v11 =	vand.u32 $0x10, v11  }
0x1dd: {  	[tilespmem:s25+$0xFFFFFF70] =	vst v10;
	v8 =	vadd.s32 v8, v11  }
0x1de: {  	v10 =	vshrl.u32 v13, $0x1B;
	[tilespmem:s25+$0xFFFFFFF0] =	vst v12;
	v11 =	vperm.xlane v6, v8;
	v12 =	vperm.xlane v7, v8  }
0x1df: {  	v18 =	vperm.xlane v5, v8;
	v14 =	vshrl.u32 v15, $0x1B;
	v10 =	vand.u32 $0x10, v10;
	[tilespmem:s25+$0x370] =	vst v9  }
0x1e0: {  	v9 =	vand.u32 $0x10, v14;
	v14 =	vshrl.u32 v16, $0x1B;
	v10 =	vadd.s32 v13, v10;
	[tilespmem:s25+$0x70] =	vst v11  }
0x1e1: {  	v11 =	vshrl.u32 v17, $0x1B;
	v13 =	vand.u32 $0x10, v14;
	v14 =	vperm.xlane v6, v10;
	[tilespmem:s25+$0xF0] =	vst v12  }
0x1e2: {  	v9 =	vadd.s32 v15, v9;
	v12 =	vperm.xlane v7, v10;
	s25 =	sadd.s32 $0x800, s25;
	v11 =	vand.u32 $0x10, v11;
	[tilespmem:s26+$0x170] =	vst v18  }
0x1e3: {  	v13 =	vadd.s32 v16, v13;
	v11 =	vadd.s32 v17, v11;
	[tilespmem:s25+$0x200] =	vst v14;
	v14 =	vperm.xlane v5, v10  }
0x1e4: {  	v10 =	vperm.xlane v4, v10;
	v15 =	vperm.xlane v6, v11;
	[tilespmem:s25+$0x280] =	vst v12  }
0x1e5: {  	v12 =	vperm.xlane v7, v11;
	v16 =	vperm.xlane v5, v11;
	[tilespmem:s25+$0x300] =	vst v14  }
0x1e6: {  	v11 =	vperm.xlane v4, v11;
	v14 =	vperm.xlane v6, v9;
	[tilespmem:s25+$0x380] =	vst v10  }
0x1e7: {  	v10 =	vperm.xlane v7, v9;
	[tilespmem:s25+$0xFFFFFC00] =	vst v15;
	v15 =	vperm.xlane v5, v9;
	v17 =	vld [tilespmem:s29+$0x90]  }
0x1e8: {  	v9 =	vperm.xlane v4, v9;
	[tilespmem:s25+$0xFFFFFC80] =	vst v12;
	v12 =	vperm.xlane v6, v13  }
0x1e9: {  	v18 =	vperm.xlane v5, v13;
	[tilespmem:s25+$0xFFFFFD00] =	vst v16;
	v16 =	vperm.xlane v7, v13  }
0x1ea: {  	v8 =	vperm.xlane v4, v8;
	[tilespmem:s25+$0xFFFFFD80] =	vst v11;
	v11 =	vperm.xlane v4, v13  }
0x1eb: {  	v13 =	vld [tilespmem:s29+$0xFFFFFF10];
	[tilespmem:s25+$0xFFFFFE00] =	vst v14  }
0x1ec: {  	[tilespmem:s25+$0xFFFFFE80] =	vst v10;
	v10 =	vshrl.u32 v17, $0x1B  }
0x1ed: {  	[tilespmem:s25+$0xFFFFFF00] =	vst v15;
	v10 =	vand.u32 $0x10, v10  }
0x1ee: {  	s28 =	sadd.s32 $0x4, s28;
	[tilespmem:s25+$0xFFFFFF80] =	vst v9;
	v9 =	vadd.s32 v17, v10  }
0x1ef: {  	p0 =	slt.u32 s28, $0x1C;
	v10 =	vld [tilespmem:s29+$0xFFFFFF90];
	[tilespmem:s25+$0x0] =	vst v12;
	v12 =	vperm.xlane v6, v9  }
0x1f0: {  	v15 =	vperm.xlane v7, v9;
	v14 =	vshrl.u32 v13, $0x1B;
	[tilespmem:s25+$0x80] =	vst v16  }
0x1f1: {  	v14 =	vand.u32 $0x10, v14;
	[tilespmem:s25+$0x210] =	vst v12;
	v12 =	vperm.xlane v5, v9  }
0x1f2: {  	v9 =	vperm.xlane v4, v9;
	v13 =	vadd.s32 v13, v14;
	[tilespmem:s25+$0x290] =	vst v15  }
0x1f3: {  	v14 =	vperm.xlane v6, v13;
	v15 =	vperm.xlane v7, v13;
	[tilespmem:s25+$0x310] =	vst v12  }
0x1f4: {  	v12 =	vperm.xlane v5, v13;
	v13 =	vperm.xlane v4, v13;
	v16 =	vshrl.u32 v10, $0x1B;
	[tilespmem:s25+$0x390] =	vst v9  }
0x1f5: {  	v9 =	vand.u32 $0x10, v16;
	[tilespmem:s25+$0x100] =	vst v18;
	v16 =	vld [tilespmem:s29+$0xA0]  }
0x1f6: {  	v9 =	vadd.s32 v10, v9;
	[tilespmem:s25+$0x180] =	vst v11  }
0x1f7: {  	[tilespmem:s25+$0xFFFFFC10] =	vst v14;
	v10 =	vperm.xlane v6, v9;
	v11 =	vperm.xlane v7, v9;
	v14 =	vld [tilespmem:s29+$0x10]  }
0x1f8: {  	[tilespmem:s25+$0xFFFFFC90] =	vst v15;
	v15 =	vperm.xlane v5, v9;
	v9 =	vperm.xlane v4, v9  }
0x1f9: {  	[tilespmem:s25+$0xFFFFFD10] =	vst v12  }
0x1fa: {  	[tilespmem:s25+$0xFFFFFD90] =	vst v13;
	v12 =	vshrl.u32 v16, $0x1B  }
0x1fb: {  	v13 =	vld [tilespmem:s29+$0xFFFFFF20];
	[tilespmem:s25+$0xFFFFFE10] =	vst v10;
	v10 =	vand.u32 $0x10, v12  }
0x1fc: {  	[tilespmem:s25+$0xFFFFFE90] =	vst v11;
	v11 =	vshrl.u32 v14, $0x1B;
	v10 =	vadd.s32 v16, v10  }
0x1fd: {  	[tilespmem:s25+$0xFFFFFF10] =	vst v15;
	v11 =	vand.u32 $0x10, v11;
	v12 =	vperm.xlane v6, v10  }
0x1fe: {  	[tilespmem:s25+$0xFFFFFF90] =	vst v9;
	v9 =	vadd.s32 v14, v11;
	v11 =	vperm.xlane v7, v10  }
0x1ff: {  	v14 =	vld [tilespmem:s29+$0xFFFFFFA0];
	v15 =	vperm.xlane v6, v9;
	[tilespmem:s25+$0x220] =	vst v12;
	v12 =	vperm.xlane v5, v10  }
0x200: {  	v17 =	vperm.xlane v7, v9;
	v10 =	vperm.xlane v4, v10;
	v16 =	vshrl.u32 v13, $0x1B;
	[tilespmem:s25+$0x2A0] =	vst v11  }
0x201: {  	v11 =	vand.u32 $0x10, v16;
	v16 =	vperm.xlane v5, v9;
	v9 =	vperm.xlane v4, v9;
	[tilespmem:s25+$0x320] =	vst v12  }
0x202: {  	v11 =	vadd.s32 v13, v11;
	[tilespmem:s25+$0x3A0] =	vst v10  }
0x203: {  	v10 =	vperm.xlane v6, v11;
	v12 =	vperm.xlane v7, v11;
	[tilespmem:s25+$0x10] =	vst v15;
	v13 =	vld [tilespmem:s29+$0xB0]  }
0x204: {  	v15 =	vperm.xlane v5, v11;
	v11 =	vperm.xlane v4, v11;
	v18 =	vshrl.u32 v14, $0x1B;
	[tilespmem:s25+$0x90] =	vst v17  }
0x205: {  	v17 =	vand.u32 $0x10, v18;
	[tilespmem:s25+$0x110] =	vst v16  }
0x206: {  	v14 =	vadd.s32 v14, v17;
	[tilespmem:s25+$0x190] =	vst v9  }
0x207: {  	[tilespmem:s25+$0xFFFFFC20] =	vst v10;
	v9 =	vperm.xlane v6, v14;
	v10 =	vperm.xlane v7, v14;
	v16 =	vld [tilespmem:s29+$0x20]  }
0x208: {  	[tilespmem:s25+$0xFFFFFCA0] =	vst v12;
	v12 =	vperm.xlane v5, v14;
	v14 =	vperm.xlane v4, v14;
	v17 =	vshrl.u32 v13, $0x1B  }
0x209: {  	[tilespmem:s25+$0xFFFFFD20] =	vst v15;
	v15 =	vand.u32 $0x10, v17  }
0x20a: {  	[tilespmem:s25+$0xFFFFFDA0] =	vst v11;
	v11 =	vadd.s32 v13, v15  }
0x20b: {  	v13 =	vld [tilespmem:s29+$0xFFFFFF30];
	[tilespmem:s25+$0xFFFFFE20] =	vst v9;
	v9 =	vperm.xlane v6, v11  }
0x20c: {  	v15 =	vperm.xlane v7, v11;
	[tilespmem:s25+$0xFFFFFEA0] =	vst v10;
	v10 =	vshrl.u32 v16, $0x1B  }
0x20d: {  	v10 =	vand.u32 $0x10, v10;
	[tilespmem:s25+$0x230] =	vst v9;
	v9 =	vperm.xlane v5, v11  }
0x20e: {  	v11 =	vperm.xlane v4, v11;
	v10 =	vadd.s32 v16, v10;
	[tilespmem:s25+$0x2B0] =	vst v15  }
0x20f: {  	v15 =	vperm.xlane v6, v10;
	v16 =	vperm.xlane v7, v10;
	[tilespmem:s25+$0x330] =	vst v9  }
0x210: {  	v17 =	vperm.xlane v5, v10;
	v10 =	vperm.xlane v4, v10;
	v9 =	vshrl.u32 v13, $0x1B;
	[tilespmem:s25+$0x3B0] =	vst v11  }
0x211: {  	v9 =	vand.u32 $0x10, v9;
	[tilespmem:s25+$0xFFFFFF20] =	vst v12;
	v11 =	vld [tilespmem:s29+$0xC0]  }
0x212: {  	v9 =	vadd.s32 v13, v9;
	[tilespmem:s25+$0xFFFFFFA0] =	vst v14  }
0x213: {  	v12 =	vperm.xlane v6, v9;
	v13 =	vperm.xlane v7, v9;
	v14 =	vld [tilespmem:s29+$0xFFFFFFB0];
	[tilespmem:s25+$0x20] =	vst v15  }
0x214: {  	v15 =	vperm.xlane v5, v9;
	v9 =	vperm.xlane v4, v9;
	[tilespmem:s25+$0xA0] =	vst v16  }
0x215: {  	[tilespmem:s25+$0x120] =	vst v17  }
0x216: {  	[tilespmem:s25+$0x1A0] =	vst v10;
	v10 =	vshrl.u32 v11, $0x1B  }
0x217: {  	[tilespmem:s25+$0xFFFFFC30] =	vst v12;
	v12 =	vld [tilespmem:s29+$0x30];
	v10 =	vand.u32 $0x10, v10  }
0x218: {  	[tilespmem:s25+$0xFFFFFCB0] =	vst v13;
	v13 =	vshrl.u32 v14, $0x1B;
	v10 =	vadd.s32 v11, v10  }
0x219: {  	[tilespmem:s25+$0xFFFFFD30] =	vst v15;
	v11 =	vand.u32 $0x10, v13;
	v13 =	vperm.xlane v6, v10  }
0x21a: {  	[tilespmem:s25+$0xFFFFFDB0] =	vst v9;
	v9 =	vadd.s32 v14, v11;
	v11 =	vperm.xlane v7, v10  }
0x21b: {  	v14 =	vld [tilespmem:s29+$0xFFFFFF40];
	v15 =	vperm.xlane v6, v9;
	[tilespmem:s25+$0x240] =	vst v13;
	v13 =	vperm.xlane v5, v10  }
0x21c: {  	v16 =	vperm.xlane v7, v9;
	v10 =	vperm.xlane v4, v10;
	v17 =	vshrl.u32 v12, $0x1B;
	[tilespmem:s25+$0x2C0] =	vst v11  }
0x21d: {  	v11 =	vperm.xlane v5, v9;
	v9 =	vperm.xlane v4, v9;
	v17 =	vand.u32 $0x10, v17;
	[tilespmem:s25+$0x340] =	vst v13  }
0x21e: {  	v12 =	vadd.s32 v12, v17;
	[tilespmem:s25+$0x3C0] =	vst v10  }
0x21f: {  	[tilespmem:s25+$0xFFFFFE30] =	vst v15;
	v10 =	vperm.xlane v6, v12;
	v13 =	vperm.xlane v7, v12;
	v15 =	vld [tilespmem:s29+$0xD0]  }
0x220: {  	v17 =	vshrl.u32 v14, $0x1B;
	[tilespmem:s25+$0xFFFFFEB0] =	vst v16;
	v16 =	vperm.xlane v5, v12;
	v12 =	vperm.xlane v4, v12  }
0x221: {  	v17 =	vand.u32 $0x10, v17;
	[tilespmem:s25+$0xFFFFFF30] =	vst v11  }
0x222: {  	v11 =	vadd.s32 v14, v17;
	[tilespmem:s25+$0xFFFFFFB0] =	vst v9  }
0x223: {  	v9 =	vperm.xlane v6, v11;
	v14 =	vperm.xlane v7, v11;
	v17 =	vld [tilespmem:s29+$0xFFFFFFC0];
	[tilespmem:s25+$0x30] =	vst v10  }
0x224: {  	v10 =	vperm.xlane v5, v11;
	v11 =	vperm.xlane v4, v11;
	[tilespmem:s25+$0xB0] =	vst v13;
	v13 =	vshrl.u32 v15, $0x1B  }
0x225: {  	[tilespmem:s25+$0x130] =	vst v16;
	v13 =	vand.u32 $0x10, v13  }
0x226: {  	[tilespmem:s25+$0x1B0] =	vst v12;
	v12 =	vadd.s32 v15, v13  }
0x227: {  	[tilespmem:s25+$0xFFFFFC40] =	vst v9;
	v9 =	vld [tilespmem:s29+$0x40];
	v13 =	vperm.xlane v6, v12  }
0x228: {  	v15 =	vperm.xlane v7, v12;
	[tilespmem:s25+$0xFFFFFCC0] =	vst v14;
	v14 =	vshrl.u32 v17, $0x1B  }
0x229: {  	v14 =	vand.u32 $0x10, v14;
	[tilespmem:s25+$0x250] =	vst v13;
	v13 =	vperm.xlane v5, v12  }
0x22a: {  	v12 =	vperm.xlane v4, v12;
	v14 =	vadd.s32 v17, v14;
	[tilespmem:s25+$0x2D0] =	vst v15  }
0x22b: {  	v15 =	vperm.xlane v6, v14;
	v16 =	vperm.xlane v7, v14;
	[tilespmem:s25+$0x350] =	vst v13  }
0x22c: {  	v13 =	vperm.xlane v5, v14;
	v14 =	vperm.xlane v4, v14;
	v17 =	vshrl.u32 v9, $0x1B;
	[tilespmem:s25+$0x3D0] =	vst v12  }
0x22d: {  	[tilespmem:s25+$0xFFFFFD40] =	vst v10;
	v10 =	vand.u32 $0x10, v17;
	v12 =	vld [tilespmem:s29+$0xE0]  }
0x22e: {  	[tilespmem:s25+$0xFFFFFDC0] =	vst v11;
	v9 =	vadd.s32 v9, v10  }
0x22f: {  	v10 =	vld [tilespmem:s29+$0xFFFFFF50];
	[tilespmem:s25+$0xFFFFFE40] =	vst v15;
	v11 =	vperm.xlane v6, v9;
	v15 =	vperm.xlane v7, v9  }
0x230: {  	[tilespmem:s25+$0xFFFFFEC0] =	vst v16;
	v16 =	vperm.xlane v5, v9;
	v9 =	vperm.xlane v4, v9  }
0x231: {  	[tilespmem:s25+$0xFFFFFF40] =	vst v13  }
0x232: {  	[tilespmem:s25+$0xFFFFFFC0] =	vst v14;
	v13 =	vshrl.u32 v12, $0x1B  }
0x233: {  	v14 =	vld [tilespmem:s29+$0xFFFFFFD0];
	[tilespmem:s25+$0x40] =	vst v11;
	v11 =	vand.u32 $0x10, v13  }
0x234: {  	v13 =	vshrl.u32 v10, $0x1B;
	[tilespmem:s25+$0xC0] =	vst v15;
	v11 =	vadd.s32 v12, v11  }
0x235: {  	v12 =	vand.u32 $0x10, v13;
	[tilespmem:s25+$0x140] =	vst v16;
	v13 =	vperm.xlane v6, v11  }
0x236: {  	v10 =	vadd.s32 v10, v12;
	[tilespmem:s25+$0x1C0] =	vst v9;
	v9 =	vperm.xlane v7, v11  }
0x237: {  	v12 =	vperm.xlane v6, v10;
	v15 =	vld [tilespmem:s29+$0x50];
	[tilespmem:s25+$0x260] =	vst v13;
	v13 =	vperm.xlane v5, v11  }
0x238: {  	v16 =	vperm.xlane v7, v10;
	v17 =	vshrl.u32 v14, $0x1B;
	[tilespmem:s25+$0x2E0] =	vst v9;
	v9 =	vperm.xlane v4, v11  }
0x239: {  	v11 =	vperm.xlane v5, v10;
	v10 =	vperm.xlane v4, v10;
	v17 =	vand.u32 $0x10, v17;
	[tilespmem:s25+$0x360] =	vst v13  }
0x23a: {  	v13 =	vadd.s32 v14, v17;
	[tilespmem:s25+$0x3E0] =	vst v9  }
0x23b: {  	[tilespmem:s25+$0xFFFFFC50] =	vst v12;
	v9 =	vperm.xlane v6, v13;
	v12 =	vperm.xlane v7, v13;
	v14 =	vld [tilespmem:s29+$0xF0]  }
0x23c: {  	[tilespmem:s25+$0xFFFFFCD0] =	vst v16;
	v16 =	vperm.xlane v5, v13;
	v13 =	vperm.xlane v4, v13;
	v17 =	vshrl.u32 v15, $0x1B  }
0x23d: {  	[tilespmem:s25+$0xFFFFFD50] =	vst v11;
	v11 =	vand.u32 $0x10, v17  }
0x23e: {  	[tilespmem:s25+$0xFFFFFDD0] =	vst v10;
	v10 =	vadd.s32 v15, v11  }
0x23f: {  	v11 =	vld [tilespmem:s29+$0xFFFFFF60];
	[tilespmem:s25+$0xFFFFFE50] =	vst v9;
	v9 =	vperm.xlane v6, v10;
	v15 =	vperm.xlane v7, v10  }
0x240: {  	[tilespmem:s25+$0xFFFFFED0] =	vst v12;
	v12 =	vperm.xlane v5, v10;
	v10 =	vperm.xlane v4, v10;
	v17 =	vshrl.u32 v14, $0x1B  }
0x241: {  	[tilespmem:s25+$0xFFFFFF50] =	vst v16;
	v16 =	vand.u32 $0x10, v17  }
0x242: {  	[tilespmem:s25+$0xFFFFFFD0] =	vst v13;
	v13 =	vadd.s32 v14, v16  }
0x243: {  	v14 =	vld [tilespmem:s29+$0xFFFFFFE0];
	[tilespmem:s25+$0x50] =	vst v9;
	v16 =	vperm.xlane v6, v13;
	v17 =	vperm.xlane v4, v13  }
0x244: {  	v9 =	vperm.xlane v5, v13;
	v18 =	vshrl.u32 v11, $0x1B;
	[tilespmem:s25+$0xD0] =	vst v15;
	v15 =	vperm.xlane v7, v13  }
0x245: {  	v13 =	vand.u32 $0x10, v18;
	[tilespmem:s25+$0x3F0] =	vst v17  }
0x246: {  	v11 =	vadd.s32 v11, v13;
	[tilespmem:s25+$0x150] =	vst v12  }
0x247: {  	v12 =	vperm.xlane v6, v11;
	v13 =	vperm.xlane v7, v11;
	[tilespmem:s25+$0x1D0] =	vst v10  }
0x248: {  	v10 =	vperm.xlane v5, v11;
	v11 =	vperm.xlane v4, v11;
	v17 =	vshrl.u32 v14, $0x1B;
	v18 =	vld [tilespmem:s29+$0x60];
	[tilespmem:s26+$0x1F0] =	vst v8;
	s26 =	smov.u32 s25  }
0x249: {  	[tilespmem:s25+$0xFFFFFC60] =	vst v12;
	v8 =	vand.u32 $0x10, v17  }
0x24a: {  	[tilespmem:s25+$0xFFFFFCE0] =	vst v13;
	v8 =	vadd.s32 v14, v8  }
0x24b: {  	[tilespmem:s25+$0xFFFFFD60] =	vst v10;
	v10 =	vperm.xlane v6, v8;
	v12 =	vperm.xlane v7, v8  }
0x24c: {  	[tilespmem:s25+$0xFFFFFDE0] =	vst v11;
	v11 =	vperm.xlane v5, v8;
	v8 =	vperm.xlane v4, v8  }
0x24d: {  	v13 =	vld [tilespmem:s29+$0xFFFFFF70];
	[tilespmem:s25+$0xFFFFFE60] =	vst v10;
	v10 =	vshrl.u32 v18, $0x1B  }
0x24e: {  	[tilespmem:s25+$0xFFFFFEE0] =	vst v12;
	v10 =	vand.u32 $0x10, v10  }
0x24f: {  	[tilespmem:s25+$0xFFFFFF60] =	vst v11;
	v10 =	vadd.s32 v18, v10  }
0x250: {  	[tilespmem:s25+$0xFFFFFFE0] =	vst v8;
	v8 =	vperm.xlane v6, v10;
	v11 =	vperm.xlane v7, v10  }
0x251: {  	v14 =	vperm.xlane v5, v10;
	v10 =	vperm.xlane v4, v10;
	v12 =	vld [tilespmem:s29+$0xFFFFFFF0];
	[tilespmem:s25+$0x270] =	vst v16  }
0x252: {  	v16 =	vshrl.u32 v13, $0x1B;
	[tilespmem:s25+$0x60] =	vst v8  }
0x253: {  	v8 =	vand.u32 $0x10, v16;
	[tilespmem:s25+$0xE0] =	vst v11  }
.Ltmp1:
0x254: {  	v8 =	vadd.s32 v13, v8;
	[tilespmem:s25+$0x160] =	vst v14;
	(pc) =	sbr.rel @p0 .LBB2_5-.Ltmp1, $4  }
0x255: {  	v13 =	vperm.xlane v6, v8;
	v14 =	vperm.xlane v7, v8;
	[tilespmem:s25+$0x1E0] =	vst v10  }
0x256: {  	v11 =	vperm.xlane v5, v8;
	v10 =	vperm.xlane v4, v8;
	v16 =	vshrl.u32 v12, $0x1B;
	v8 =	vld [tilespmem:s29+$0x70];
	[tilespmem:s25+$0x2F0] =	vst v15  }
0x257: {  	[tilespmem:s25+$0xFFFFFC70] =	vst v13;
	v13 =	vand.u32 $0x10, v16  }
0x258: {  	s29 =	sadd.s32 $0x200, s29;
	[tilespmem:s25+$0xFFFFFCF0] =	vst v14;
	v12 =	vadd.s32 v12, v13  }
0x259: {  	[tilespmem:s25+$0xFFFFFD70] =	vst v11  }
0x25a: {  	v58 =	vperm.xlane v6, v12;
	[tilespmem:s25+$0xFFFFFDF0] =	vst v10  }
0x25b: {  	v13 =	vperm.xlane v7, v12;
	[tilespmem:s25+$0x370] =	vst v9;
	v60 =	vshrl.u32 v8, $0x1B  }
0x25c: {  	v59 =	vperm.xlane v5, v12;
	[tilespmem:s25+$0xFFFFFE70] =	vst v58;
	v11 =	vand.u32 $0x10, v60  }
0x25d: {  	v61 =	vperm.xlane v4, v12;
	[tilespmem:s25+$0xFFFFFEF0] =	vst v13;
	v8 =	vadd.s32 v8, v11  }
0x25e: {  	s23 =	sadd.s32 $0x1, s23;
	[tilespmem:s25+$0xFFFFFF70] =	vst v59;
	v62 =	vperm.xlane v6, v8  }
0x25f: {  	p0 =	sne.s32 s23, $0xC;
	[tilespmem:s25+$0xFFFFFFF0] =	vst v61;
	v11 =	vperm.xlane v7, v8  }
.Ltmp2:
0x260: {  	v63 =	vperm.xlane v5, v8;
	[tilespmem:s25+$0x70] =	vst v62;
	(pc) =	sbr.rel @p0 .LBB2_2-.Ltmp2, $4  }
0x261: {  	s24 =	sshll.u32 s24, $0xB;
	v8 =	vperm.xlane v4, v8;
	[tilespmem:s25+$0xF0] =	vst v11  }
0x262: {  	s24 =	sand.u32 $0xFFFF800, s24;
	[tilespmem:s26+$0x170] =	vst v63  }
0x263: {  	s24 =	sadd.s32 s3, s24;
	[tilespmem:s26+$0x1F0] =	vst v8  }
0x264: {  	[hbm4b:s24+s4] =	stream.linear.scatter [tilespmem:s19], [sflag:$0x4], $0x4000, $0x38;
	[tilespmem:$0xA020] =	vst v63  }
0x265: {  	_ =	swait.ge [sflag:s16], $0x1000  }
0x266: {  	[sflag:s16] =	ssyncset.done $0x0  }
0x267: {  	[sflag:s16] =	ssyncadd.s32 $0xFFFFF000  }
0x268: {  	_ =	swait.ge [sflag:s20], $0x4000  }
0x269: {  	[sflag:s20] =	ssyncset.done $0x0  }
0x26a: {  	s24 =	simm.s32 $0x120;
	[sflag:s20] =	ssyncadd.s32 $0xFFFFC000  }
0x26b: {  	v8 =	vld [tilespmem:s24+$0x80];
	_ =	sdelay $0x3  }
0x26c: {  	v9 =	vld [tilespmem:s24+$0xFFFFFF00]  }
0x26d: {  	v10 =	vshrl.u32 v8, $0x1B  }
0x26e: {  	v10 =	vand.u32 $0x10, v10  }
0x26f: {  	v8 =	vadd.s32 v8, v10  }
0x270: {  	v10 =	vld [tilespmem:s24+$0xFFFFFF80];
	v11 =	vperm.xlane v6, v8  }
0x271: {  	s23 =	simm.s32 $0x2420;
	v12 =	vshrl.u32 v9, $0x1B;
	v13 =	vperm.xlane v7, v8  }
0x272: {  	v12 =	vand.u32 $0x10, v12;
	[tilespmem:s23+$0x200] =	vst v11;
	v11 =	vperm.xlane v5, v8  }
0x273: {  	v9 =	vadd.s32 v9, v12;
	[tilespmem:s23+$0x280] =	vst v13;
	v8 =	vperm.xlane v4, v8  }
0x274: {  	v12 =	vld [tilespmem:s24+$0x0];
	v13 =	vperm.xlane v6, v9;
	[tilespmem:s23+$0x300] =	vst v11  }
0x275: {  	v14 =	vperm.xlane v7, v9;
	v11 =	vshrl.u32 v10, $0x1B;
	[tilespmem:s23+$0x380] =	vst v8  }
0x276: {  	[tilespmem:s23+$0xFFFFFC00] =	vst v13;
	v8 =	vand.u32 $0x10, v11;
	v11 =	vperm.xlane v5, v9;
	v13 =	vld [tilespmem:s24+$0x90]  }
0x277: {  	[tilespmem:s23+$0xFFFFFC80] =	vst v14;
	v9 =	vperm.xlane v4, v9;
	v8 =	vadd.s32 v10, v8  }
0x278: {  	v10 =	vperm.xlane v6, v8;
	[tilespmem:s23+$0xFFFFFD00] =	vst v11  }
0x279: {  	v11 =	vshrl.u32 v12, $0x1B;
	v14 =	vperm.xlane v7, v8;
	[tilespmem:s23+$0xFFFFFD80] =	vst v9  }
0x27a: {  	v9 =	vand.u32 $0x10, v11;
	v11 =	vperm.xlane v5, v8;
	[tilespmem:s23+$0xFFFFFE00] =	vst v10  }
0x27b: {  	v8 =	vperm.xlane v4, v8;
	v9 =	vadd.s32 v12, v9;
	[tilespmem:s23+$0xFFFFFE80] =	vst v14;
	v10 =	vshrl.u32 v13, $0x1B  }
0x27c: {  	v14 =	vld [tilespmem:s24+$0xFFFFFF10];
	v12 =	vperm.xlane v6, v9;
	[tilespmem:s23+$0xFFFFFF00] =	vst v11;
	v10 =	vand.u32 $0x10, v10  }
0x27d: {  	v11 =	vperm.xlane v7, v9;
	[tilespmem:s23+$0xFFFFFF80] =	vst v8;
	v8 =	vadd.s32 v13, v10  }
0x27e: {  	[tilespmem:s23+$0x0] =	vst v12;
	v10 =	vperm.xlane v6, v8  }
0x27f: {  	[tilespmem:s23+$0x80] =	vst v11;
	v11 =	vperm.xlane v7, v8  }
0x280: {  	v12 =	vld [tilespmem:s24+$0xFFFFFF90];
	[tilespmem:s23+$0x210] =	vst v10;
	v10 =	vperm.xlane v5, v8  }
0x281: {  	v13 =	vshrl.u32 v14, $0x1B;
	[tilespmem:s23+$0x290] =	vst v11;
	v8 =	vperm.xlane v4, v8  }
0x282: {  	v11 =	vperm.xlane v5, v9;
	v13 =	vand.u32 $0x10, v13;
	[tilespmem:s23+$0x310] =	vst v10  }
0x283: {  	v9 =	vperm.xlane v4, v9;
	v10 =	vadd.s32 v14, v13;
	[tilespmem:s23+$0x390] =	vst v8  }
0x284: {  	[tilespmem:s23+$0x100] =	vst v11;
	v8 =	vperm.xlane v6, v10;
	v11 =	vld [tilespmem:s24+$0xA0]  }
0x285: {  	v14 =	vshrl.u32 v12, $0x1B;
	[tilespmem:s23+$0x180] =	vst v9;
	v13 =	vperm.xlane v7, v10  }
0x286: {  	v9 =	vperm.xlane v5, v10;
	v14 =	vand.u32 $0x10, v14;
	[tilespmem:s23+$0xFFFFFC10] =	vst v8  }
0x287: {  	v8 =	vperm.xlane v4, v10;
	v10 =	vadd.s32 v12, v14;
	[tilespmem:s23+$0xFFFFFC90] =	vst v13  }
0x288: {  	v13 =	vld [tilespmem:s24+$0x10];
	[tilespmem:s23+$0xFFFFFD10] =	vst v9;
	v12 =	vperm.xlane v6, v10  }
0x289: {  	v9 =	vperm.xlane v7, v10;
	[tilespmem:s23+$0xFFFFFD90] =	vst v8;
	v8 =	vshrl.u32 v11, $0x1B  }
0x28a: {  	v14 =	vperm.xlane v5, v10;
	[tilespmem:s23+$0xFFFFFE10] =	vst v12;
	v8 =	vand.u32 $0x10, v8  }
0x28b: {  	v10 =	vperm.xlane v4, v10;
	[tilespmem:s23+$0xFFFFFE90] =	vst v9;
	v8 =	vadd.s32 v11, v8  }
0x28c: {  	v9 =	vld [tilespmem:s24+$0xFFFFFF20];
	[tilespmem:s23+$0xFFFFFF10] =	vst v14;
	v11 =	vperm.xlane v6, v8  }
0x28d: {  	[tilespmem:s23+$0xFFFFFF90] =	vst v10;
	v12 =	vshrl.u32 v13, $0x1B;
	v10 =	vperm.xlane v7, v8  }
0x28e: {  	v12 =	vand.u32 $0x10, v12;
	[tilespmem:s23+$0x220] =	vst v11;
	v11 =	vperm.xlane v5, v8  }
0x28f: {  	v12 =	vadd.s32 v13, v12;
	[tilespmem:s23+$0x2A0] =	vst v10;
	v8 =	vperm.xlane v4, v8  }
0x290: {  	v10 =	vld [tilespmem:s24+$0xFFFFFFA0];
	v13 =	vperm.xlane v6, v12;
	[tilespmem:s23+$0x320] =	vst v11  }
0x291: {  	v14 =	vperm.xlane v7, v12;
	v11 =	vshrl.u32 v9, $0x1B;
	[tilespmem:s23+$0x3A0] =	vst v8  }
0x292: {  	[tilespmem:s23+$0x10] =	vst v13;
	v8 =	vand.u32 $0x10, v11;
	v11 =	vperm.xlane v5, v12;
	v13 =	vld [tilespmem:s24+$0xB0]  }
0x293: {  	[tilespmem:s23+$0x90] =	vst v14;
	v12 =	vperm.xlane v4, v12;
	v8 =	vadd.s32 v9, v8  }
0x294: {  	v9 =	vperm.xlane v6, v8;
	[tilespmem:s23+$0x110] =	vst v11  }
0x295: {  	v11 =	vperm.xlane v7, v8;
	v14 =	vshrl.u32 v10, $0x1B;
	[tilespmem:s23+$0x190] =	vst v12  }
0x296: {  	v12 =	vperm.xlane v5, v8;
	v14 =	vand.u32 $0x10, v14;
	[tilespmem:s23+$0xFFFFFC20] =	vst v9  }
0x297: {  	v8 =	vperm.xlane v4, v8;
	v9 =	vadd.s32 v10, v14;
	[tilespmem:s23+$0xFFFFFCA0] =	vst v11;
	v10 =	vshrl.u32 v13, $0x1B  }
0x298: {  	v14 =	vld [tilespmem:s24+$0x20];
	[tilespmem:s23+$0xFFFFFD20] =	vst v12;
	v11 =	vperm.xlane v6, v9;
	v10 =	vand.u32 $0x10, v10  }
0x299: {  	[tilespmem:s23+$0xFFFFFDA0] =	vst v8;
	v12 =	vperm.xlane v7, v9;
	v8 =	vadd.s32 v13, v10  }
0x29a: {  	[tilespmem:s23+$0xFFFFFE20] =	vst v11;
	v10 =	vperm.xlane v6, v8  }
0x29b: {  	[tilespmem:s23+$0xFFFFFEA0] =	vst v12;
	v11 =	vperm.xlane v7, v8  }
0x29c: {  	v12 =	vld [tilespmem:s24+$0xFFFFFF30];
	[tilespmem:s23+$0x230] =	vst v10;
	v10 =	vperm.xlane v5, v8  }
0x29d: {  	v13 =	vshrl.u32 v14, $0x1B;
	[tilespmem:s23+$0x2B0] =	vst v11;
	v8 =	vperm.xlane v4, v8  }
0x29e: {  	v11 =	vperm.xlane v5, v9;
	v13 =	vand.u32 $0x10, v13;
	[tilespmem:s23+$0x330] =	vst v10  }
0x29f: {  	v9 =	vperm.xlane v4, v9;
	v10 =	vadd.s32 v14, v13;
	[tilespmem:s23+$0x3B0] =	vst v8  }
0x2a0: {  	[tilespmem:s23+$0xFFFFFF20] =	vst v11;
	v8 =	vperm.xlane v6, v10;
	v11 =	vld [tilespmem:s24+$0xC0]  }
0x2a1: {  	v14 =	vshrl.u32 v12, $0x1B;
	[tilespmem:s23+$0xFFFFFFA0] =	vst v9;
	v13 =	vperm.xlane v7, v10  }
0x2a2: {  	v9 =	vperm.xlane v5, v10;
	v14 =	vand.u32 $0x10, v14;
	[tilespmem:s23+$0x20] =	vst v8  }
0x2a3: {  	v8 =	vperm.xlane v4, v10;
	v10 =	vadd.s32 v12, v14;
	[tilespmem:s23+$0xA0] =	vst v13  }
0x2a4: {  	v13 =	vld [tilespmem:s24+$0xFFFFFFB0];
	[tilespmem:s23+$0x120] =	vst v9;
	v12 =	vperm.xlane v6, v10  }
0x2a5: {  	v9 =	vperm.xlane v7, v10;
	[tilespmem:s23+$0x1A0] =	vst v8;
	v8 =	vshrl.u32 v11, $0x1B  }
0x2a6: {  	v14 =	vperm.xlane v5, v10;
	[tilespmem:s23+$0xFFFFFC30] =	vst v12;
	v8 =	vand.u32 $0x10, v8  }
0x2a7: {  	v10 =	vperm.xlane v4, v10;
	[tilespmem:s23+$0xFFFFFCB0] =	vst v9;
	v8 =	vadd.s32 v11, v8  }
0x2a8: {  	v9 =	vld [tilespmem:s24+$0x30];
	[tilespmem:s23+$0xFFFFFD30] =	vst v14;
	v11 =	vperm.xlane v6, v8  }
0x2a9: {  	[tilespmem:s23+$0xFFFFFDB0] =	vst v10;
	v12 =	vshrl.u32 v13, $0x1B;
	v10 =	vperm.xlane v7, v8  }
0x2aa: {  	v12 =	vand.u32 $0x10, v12;
	[tilespmem:s23+$0x240] =	vst v11;
	v11 =	vperm.xlane v5, v8  }
0x2ab: {  	v12 =	vadd.s32 v13, v12;
	[tilespmem:s23+$0x2C0] =	vst v10;
	v8 =	vperm.xlane v4, v8  }
0x2ac: {  	v10 =	vld [tilespmem:s24+$0xFFFFFF40];
	v13 =	vperm.xlane v6, v12;
	[tilespmem:s23+$0x340] =	vst v11  }
0x2ad: {  	v14 =	vshrl.u32 v9, $0x1B;
	v11 =	vperm.xlane v7, v12;
	[tilespmem:s23+$0x3C0] =	vst v8  }
0x2ae: {  	v14 =	vand.u32 $0x10, v14;
	v8 =	vperm.xlane v5, v12;
	[tilespmem:s23+$0xFFFFFE30] =	vst v13;
	v13 =	vld [tilespmem:s24+$0xD0]  }
0x2af: {  	v12 =	vperm.xlane v4, v12;
	v9 =	vadd.s32 v9, v14;
	[tilespmem:s23+$0xFFFFFEB0] =	vst v11  }
0x2b0: {  	v11 =	vperm.xlane v6, v9;
	[tilespmem:s23+$0xFFFFFF30] =	vst v8  }
0x2b1: {  	v8 =	vperm.xlane v7, v9;
	[tilespmem:s23+$0xFFFFFFB0] =	vst v12;
	v14 =	vshrl.u32 v10, $0x1B  }
0x2b2: {  	v12 =	vperm.xlane v5, v9;
	v14 =	vand.u32 $0x10, v14;
	[tilespmem:s23+$0x30] =	vst v11  }
0x2b3: {  	v9 =	vperm.xlane v4, v9;
	[tilespmem:s23+$0xB0] =	vst v8;
	v10 =	vadd.s32 v10, v14;
	v8 =	vshrl.u32 v13, $0x1B  }
0x2b4: {  	[tilespmem:s23+$0x130] =	vst v12;
	v14 =	vld [tilespmem:s24+$0xFFFFFFC0];
	v11 =	vperm.xlane v6, v10;
	v8 =	vand.u32 $0x10, v8  }
0x2b5: {  	[tilespmem:s23+$0x1B0] =	vst v9;
	v12 =	vperm.xlane v7, v10;
	v8 =	vadd.s32 v13, v8  }
0x2b6: {  	[tilespmem:s23+$0xFFFFFC40] =	vst v11;
	v9 =	vperm.xlane v6, v8  }
0x2b7: {  	[tilespmem:s23+$0xFFFFFCC0] =	vst v12;
	v11 =	vperm.xlane v7, v8  }
0x2b8: {  	v12 =	vld [tilespmem:s24+$0x40];
	[tilespmem:s23+$0x250] =	vst v9;
	v9 =	vperm.xlane v5, v8  }
0x2b9: {  	v13 =	vshrl.u32 v14, $0x1B;
	[tilespmem:s23+$0x2D0] =	vst v11;
	v8 =	vperm.xlane v4, v8  }
0x2ba: {  	v11 =	vperm.xlane v5, v10;
	v13 =	vand.u32 $0x10, v13;
	[tilespmem:s23+$0x350] =	vst v9  }
0x2bb: {  	v9 =	vperm.xlane v4, v10;
	v10 =	vadd.s32 v14, v13;
	[tilespmem:s23+$0x3D0] =	vst v8  }
0x2bc: {  	[tilespmem:s23+$0xFFFFFD40] =	vst v11;
	v8 =	vperm.xlane v6, v10;
	v11 =	vld [tilespmem:s24+$0xE0]  }
0x2bd: {  	v14 =	vshrl.u32 v12, $0x1B;
	v13 =	vperm.xlane v7, v10;
	[tilespmem:s23+$0xFFFFFDC0] =	vst v9  }
0x2be: {  	v14 =	vand.u32 $0x10, v14;
	v9 =	vperm.xlane v5, v10;
	[tilespmem:s23+$0xFFFFFE40] =	vst v8  }
0x2bf: {  	v8 =	vperm.xlane v4, v10;
	v10 =	vadd.s32 v12, v14;
	[tilespmem:s23+$0xFFFFFEC0] =	vst v13  }
0x2c0: {  	v12 =	vld [tilespmem:s24+$0xFFFFFF50];
	v13 =	vperm.xlane v6, v10;
	[tilespmem:s23+$0xFFFFFF40] =	vst v9  }
0x2c1: {  	v9 =	vperm.xlane v7, v10;
	[tilespmem:s23+$0xFFFFFFC0] =	vst v8;
	v8 =	vshrl.u32 v11, $0x1B  }
0x2c2: {  	v14 =	vperm.xlane v5, v10;
	[tilespmem:s23+$0x40] =	vst v13;
	v8 =	vand.u32 $0x10, v8  }
0x2c3: {  	v10 =	vperm.xlane v4, v10;
	[tilespmem:s23+$0xC0] =	vst v9;
	v8 =	vadd.s32 v11, v8  }
0x2c4: {  	v9 =	vld [tilespmem:s24+$0xFFFFFFD0];
	[tilespmem:s23+$0x140] =	vst v14;
	v11 =	vperm.xlane v6, v8  }
0x2c5: {  	[tilespmem:s23+$0x1C0] =	vst v10;
	v13 =	vshrl.u32 v12, $0x1B;
	v10 =	vperm.xlane v7, v8  }
0x2c6: {  	v13 =	vand.u32 $0x10, v13;
	[tilespmem:s23+$0x260] =	vst v11;
	v11 =	vperm.xlane v5, v8  }
0x2c7: {  	v12 =	vadd.s32 v12, v13;
	[tilespmem:s23+$0x2E0] =	vst v10;
	v8 =	vperm.xlane v4, v8  }
0x2c8: {  	v10 =	vperm.xlane v6, v12;
	[tilespmem:s23+$0x360] =	vst v11  }
0x2c9: {  	v13 =	vperm.xlane v7, v12;
	v14 =	vshrl.u32 v9, $0x1B;
	v11 =	vld [tilespmem:s24+$0x50];
	[tilespmem:s23+$0x3E0] =	vst v8  }
0x2ca: {  	v14 =	vand.u32 $0x10, v14;
	v8 =	vperm.xlane v5, v12;
	[tilespmem:s23+$0xFFFFFC50] =	vst v10  }
0x2cb: {  	v10 =	vperm.xlane v4, v12;
	v9 =	vadd.s32 v9, v14;
	[tilespmem:s23+$0xFFFFFCD0] =	vst v13  }
0x2cc: {  	v12 =	vperm.xlane v6, v9;
	[tilespmem:s23+$0xFFFFFD50] =	vst v8  }
0x2cd: {  	v13 =	vld [tilespmem:s24+$0xF0];
	v8 =	vperm.xlane v7, v9;
	[tilespmem:s23+$0xFFFFFDD0] =	vst v10  }
0x2ce: {  	v10 =	vperm.xlane v5, v9;
	v15 =	vld [tilespmem:s24+$0xFFFFFF60];
	[tilespmem:s23+$0xFFFFFE50] =	vst v12;
	v14 =	vshrl.u32 v11, $0x1B  }
0x2cf: {  	v9 =	vperm.xlane v4, v9;
	[tilespmem:s23+$0xFFFFFED0] =	vst v8;
	v12 =	vand.u32 $0x10, v14  }
0x2d0: {  	[tilespmem:s23+$0xFFFFFF50] =	vst v10;
	v8 =	vadd.s32 v11, v12  }
0x2d1: {  	[tilespmem:s23+$0xFFFFFFD0] =	vst v9;
	v10 =	vperm.xlane v6, v8  }
0x2d2: {  	v11 =	vshrl.u32 v13, $0x1B;
	v12 =	vld [tilespmem:s24+$0xFFFFFFE0];
	v9 =	vperm.xlane v7, v8  }
0x2d3: {  	v14 =	vperm.xlane v5, v8;
	v11 =	vand.u32 $0x10, v11;
	[tilespmem:s23+$0x50] =	vst v10;
	v10 =	vshrl.u32 v15, $0x1B  }
0x2d4: {  	v8 =	vperm.xlane v4, v8;
	v11 =	vadd.s32 v13, v11;
	[tilespmem:s23+$0xD0] =	vst v9;
	v9 =	vand.u32 $0x10, v10  }
0x2d5: {  	[tilespmem:s23+$0x150] =	vst v14;
	v10 =	vperm.xlane v4, v11;
	v9 =	vadd.s32 v15, v9  }
0x2d6: {  	[tilespmem:s23+$0x1D0] =	vst v8;
	v13 =	vperm.xlane v6, v9  }
0x2d7: {  	[tilespmem:s23+$0x3F0] =	vst v10;
	v8 =	vperm.xlane v7, v9;
	v10 =	vshrl.u32 v12, $0x1B  }
0x2d8: {  	v14 =	vld [tilespmem:s24+$0x60];
	v15 =	vperm.xlane v5, v9;
	v10 =	vand.u32 $0x10, v10;
	[tilespmem:s23+$0xFFFFFC60] =	vst v13  }
0x2d9: {  	v9 =	vperm.xlane v4, v9;
	[tilespmem:s23+$0xFFFFFCE0] =	vst v8;
	v8 =	vadd.s32 v12, v10  }
0x2da: {  	[tilespmem:s23+$0xFFFFFD60] =	vst v15;
	v10 =	vperm.xlane v6, v8  }
0x2db: {  	[tilespmem:s23+$0xFFFFFDE0] =	vst v9;
	v12 =	vperm.xlane v7, v8  }
0x2dc: {  	v9 =	vperm.xlane v5, v8;
	v13 =	vld [tilespmem:s24+$0xFFFFFF70];
	[tilespmem:s23+$0xFFFFFE60] =	vst v10  }
0x2dd: {  	v8 =	vperm.xlane v4, v8;
	v10 =	vshrl.u32 v14, $0x1B;
	[tilespmem:s23+$0xFFFFFEE0] =	vst v12  }
0x2de: {  	[tilespmem:s23+$0xFFFFFF60] =	vst v9;
	v10 =	vand.u32 $0x10, v10  }
0x2df: {  	v12 =	vperm.xlane v6, v11;
	[tilespmem:s23+$0xFFFFFFE0] =	vst v8;
	v9 =	vadd.s32 v14, v10  }
0x2e0: {  	v14 =	vld [tilespmem:s24+$0xFFFFFFF0];
	v8 =	vperm.xlane v6, v9  }
0x2e1: {  	[tilespmem:s23+$0x270] =	vst v12;
	v10 =	vperm.xlane v7, v9;
	v15 =	vshrl.u32 v13, $0x1B  }
0x2e2: {  	v12 =	vperm.xlane v5, v9;
	[tilespmem:s23+$0x60] =	vst v8;
	v8 =	vperm.xlane v4, v9;
	v9 =	vand.u32 $0x10, v15  }
0x2e3: {  	[tilespmem:s23+$0xE0] =	vst v10;
	v13 =	vadd.s32 v13, v9  }
0x2e4: {  	[tilespmem:s23+$0x160] =	vst v12;
	v12 =	vperm.xlane v6, v13  }
0x2e5: {  	v10 =	vperm.xlane v7, v11;
	[tilespmem:s23+$0x1E0] =	vst v8;
	v8 =	vshrl.u32 v14, $0x1B  }
0x2e6: {  	v15 =	vperm.xlane v7, v13;
	[tilespmem:s23+$0xFFFFFC70] =	vst v12;
	v12 =	vand.u32 $0x10, v8;
	v8 =	vld [tilespmem:s24+$0x70]  }
0x2e7: {  	v9 =	vperm.xlane v5, v11;
	[tilespmem:s23+$0x2F0] =	vst v10;
	v11 =	vperm.xlane v5, v13  }
0x2e8: {  	s25 =	simm.s32 $0x0;
	s26 =	simm.s32 $0x320;
	v10 =	vperm.xlane v4, v13;
	[tilespmem:s23+$0xFFFFFCF0] =	vst v15;
	s24 =	simm.s32 $0x2420;
	v12 =	vadd.s32 v14, v12  }
.LBB2_8:
0x2e9: {  	v13 =	vld [tilespmem:s26+$0x80];
	[tilespmem:s23+$0xFFFFFD70] =	vst v11;
	v11 =	vperm.xlane v6, v12;
	v14 =	vperm.xlane v7, v12  }
0x2ea: {  	v15 =	vld [tilespmem:s26+$0xFFFFFF80];
	[tilespmem:s23+$0xFFFFFDF0] =	vst v10;
	v10 =	vperm.xlane v5, v12;
	v12 =	vperm.xlane v4, v12  }
0x2eb: {  	v16 =	vld [tilespmem:s26+$0x0];
	[tilespmem:s23+$0xFFFFFE70] =	vst v11;
	v11 =	vshrl.u32 v8, $0x1B  }
0x2ec: {  	v17 =	vld [tilespmem:s26+$0xFFFFFF00];
	[tilespmem:s23+$0xFFFFFEF0] =	vst v14;
	v11 =	vand.u32 $0x10, v11  }
0x2ed: {  	[tilespmem:s23+$0xFFFFFF70] =	vst v10;
	v8 =	vadd.s32 v8, v11  }
0x2ee: {  	v10 =	vshrl.u32 v13, $0x1B;
	[tilespmem:s23+$0xFFFFFFF0] =	vst v12;
	v11 =	vperm.xlane v6, v8;
	v12 =	vperm.xlane v7, v8  }
0x2ef: {  	v18 =	vperm.xlane v5, v8;
	v14 =	vshrl.u32 v15, $0x1B;
	v10 =	vand.u32 $0x10, v10;
	[tilespmem:s23+$0x370] =	vst v9  }
0x2f0: {  	v9 =	vand.u32 $0x10, v14;
	v14 =	vshrl.u32 v16, $0x1B;
	v10 =	vadd.s32 v13, v10;
	[tilespmem:s23+$0x70] =	vst v11  }
0x2f1: {  	v11 =	vshrl.u32 v17, $0x1B;
	v13 =	vand.u32 $0x10, v14;
	v14 =	vperm.xlane v6, v10;
	[tilespmem:s23+$0xF0] =	vst v12  }
0x2f2: {  	v9 =	vadd.s32 v15, v9;
	v12 =	vperm.xlane v7, v10;
	s23 =	sadd.s32 $0x800, s23;
	v11 =	vand.u32 $0x10, v11;
	[tilespmem:s24+$0x170] =	vst v18  }
0x2f3: {  	v13 =	vadd.s32 v16, v13;
	v11 =	vadd.s32 v17, v11;
	[tilespmem:s23+$0x200] =	vst v14;
	v14 =	vperm.xlane v5, v10  }
0x2f4: {  	v10 =	vperm.xlane v4, v10;
	v15 =	vperm.xlane v6, v11;
	[tilespmem:s23+$0x280] =	vst v12  }
0x2f5: {  	v12 =	vperm.xlane v7, v11;
	v16 =	vperm.xlane v5, v11;
	[tilespmem:s23+$0x300] =	vst v14  }
0x2f6: {  	v11 =	vperm.xlane v4, v11;
	v14 =	vperm.xlane v6, v9;
	[tilespmem:s23+$0x380] =	vst v10  }
0x2f7: {  	v10 =	vperm.xlane v7, v9;
	[tilespmem:s23+$0xFFFFFC00] =	vst v15;
	v15 =	vperm.xlane v5, v9;
	v17 =	vld [tilespmem:s26+$0x90]  }
0x2f8: {  	v9 =	vperm.xlane v4, v9;
	[tilespmem:s23+$0xFFFFFC80] =	vst v12;
	v12 =	vperm.xlane v6, v13  }
0x2f9: {  	v18 =	vperm.xlane v5, v13;
	[tilespmem:s23+$0xFFFFFD00] =	vst v16;
	v16 =	vperm.xlane v7, v13  }
0x2fa: {  	v8 =	vperm.xlane v4, v8;
	[tilespmem:s23+$0xFFFFFD80] =	vst v11;
	v11 =	vperm.xlane v4, v13  }
0x2fb: {  	v13 =	vld [tilespmem:s26+$0xFFFFFF10];
	[tilespmem:s23+$0xFFFFFE00] =	vst v14  }
0x2fc: {  	[tilespmem:s23+$0xFFFFFE80] =	vst v10;
	v10 =	vshrl.u32 v17, $0x1B  }
0x2fd: {  	[tilespmem:s23+$0xFFFFFF00] =	vst v15;
	v10 =	vand.u32 $0x10, v10  }
0x2fe: {  	s25 =	sadd.s32 $0x4, s25;
	[tilespmem:s23+$0xFFFFFF80] =	vst v9;
	v9 =	vadd.s32 v17, v10  }
0x2ff: {  	p0 =	slt.u32 s25, $0x1C;
	v10 =	vld [tilespmem:s26+$0xFFFFFF90];
	[tilespmem:s23+$0x0] =	vst v12;
	v12 =	vperm.xlane v6, v9  }
0x300: {  	v15 =	vperm.xlane v7, v9;
	v14 =	vshrl.u32 v13, $0x1B;
	[tilespmem:s23+$0x80] =	vst v16  }
0x301: {  	v14 =	vand.u32 $0x10, v14;
	[tilespmem:s23+$0x210] =	vst v12;
	v12 =	vperm.xlane v5, v9  }
0x302: {  	v9 =	vperm.xlane v4, v9;
	v13 =	vadd.s32 v13, v14;
	[tilespmem:s23+$0x290] =	vst v15  }
0x303: {  	v14 =	vperm.xlane v6, v13;
	v15 =	vperm.xlane v7, v13;
	[tilespmem:s23+$0x310] =	vst v12  }
0x304: {  	v12 =	vperm.xlane v5, v13;
	v13 =	vperm.xlane v4, v13;
	v16 =	vshrl.u32 v10, $0x1B;
	[tilespmem:s23+$0x390] =	vst v9  }
0x305: {  	v9 =	vand.u32 $0x10, v16;
	[tilespmem:s23+$0x100] =	vst v18;
	v16 =	vld [tilespmem:s26+$0xA0]  }
0x306: {  	v9 =	vadd.s32 v10, v9;
	[tilespmem:s23+$0x180] =	vst v11  }
0x307: {  	[tilespmem:s23+$0xFFFFFC10] =	vst v14;
	v10 =	vperm.xlane v6, v9;
	v11 =	vperm.xlane v7, v9;
	v14 =	vld [tilespmem:s26+$0x10]  }
0x308: {  	[tilespmem:s23+$0xFFFFFC90] =	vst v15;
	v15 =	vperm.xlane v5, v9;
	v9 =	vperm.xlane v4, v9  }
0x309: {  	[tilespmem:s23+$0xFFFFFD10] =	vst v12  }
0x30a: {  	[tilespmem:s23+$0xFFFFFD90] =	vst v13;
	v12 =	vshrl.u32 v16, $0x1B  }
0x30b: {  	v13 =	vld [tilespmem:s26+$0xFFFFFF20];
	[tilespmem:s23+$0xFFFFFE10] =	vst v10;
	v10 =	vand.u32 $0x10, v12  }
0x30c: {  	[tilespmem:s23+$0xFFFFFE90] =	vst v11;
	v11 =	vshrl.u32 v14, $0x1B;
	v10 =	vadd.s32 v16, v10  }
0x30d: {  	[tilespmem:s23+$0xFFFFFF10] =	vst v15;
	v11 =	vand.u32 $0x10, v11;
	v12 =	vperm.xlane v6, v10  }
0x30e: {  	[tilespmem:s23+$0xFFFFFF90] =	vst v9;
	v9 =	vadd.s32 v14, v11;
	v11 =	vperm.xlane v7, v10  }
0x30f: {  	v14 =	vld [tilespmem:s26+$0xFFFFFFA0];
	v15 =	vperm.xlane v6, v9;
	[tilespmem:s23+$0x220] =	vst v12;
	v12 =	vperm.xlane v5, v10  }
0x310: {  	v17 =	vperm.xlane v7, v9;
	v10 =	vperm.xlane v4, v10;
	v16 =	vshrl.u32 v13, $0x1B;
	[tilespmem:s23+$0x2A0] =	vst v11  }
0x311: {  	v11 =	vand.u32 $0x10, v16;
	v16 =	vperm.xlane v5, v9;
	v9 =	vperm.xlane v4, v9;
	[tilespmem:s23+$0x320] =	vst v12  }
0x312: {  	v11 =	vadd.s32 v13, v11;
	[tilespmem:s23+$0x3A0] =	vst v10  }
0x313: {  	v10 =	vperm.xlane v6, v11;
	v12 =	vperm.xlane v7, v11;
	[tilespmem:s23+$0x10] =	vst v15;
	v13 =	vld [tilespmem:s26+$0xB0]  }
0x314: {  	v15 =	vperm.xlane v5, v11;
	v11 =	vperm.xlane v4, v11;
	v18 =	vshrl.u32 v14, $0x1B;
	[tilespmem:s23+$0x90] =	vst v17  }
0x315: {  	v17 =	vand.u32 $0x10, v18;
	[tilespmem:s23+$0x110] =	vst v16  }
0x316: {  	v14 =	vadd.s32 v14, v17;
	[tilespmem:s23+$0x190] =	vst v9  }
0x317: {  	[tilespmem:s23+$0xFFFFFC20] =	vst v10;
	v9 =	vperm.xlane v6, v14;
	v10 =	vperm.xlane v7, v14;
	v16 =	vld [tilespmem:s26+$0x20]  }
0x318: {  	[tilespmem:s23+$0xFFFFFCA0] =	vst v12;
	v12 =	vperm.xlane v5, v14;
	v14 =	vperm.xlane v4, v14;
	v17 =	vshrl.u32 v13, $0x1B  }
0x319: {  	[tilespmem:s23+$0xFFFFFD20] =	vst v15;
	v15 =	vand.u32 $0x10, v17  }
0x31a: {  	[tilespmem:s23+$0xFFFFFDA0] =	vst v11;
	v11 =	vadd.s32 v13, v15  }
0x31b: {  	v13 =	vld [tilespmem:s26+$0xFFFFFF30];
	[tilespmem:s23+$0xFFFFFE20] =	vst v9;
	v9 =	vperm.xlane v6, v11  }
0x31c: {  	v15 =	vperm.xlane v7, v11;
	[tilespmem:s23+$0xFFFFFEA0] =	vst v10;
	v10 =	vshrl.u32 v16, $0x1B  }
0x31d: {  	v10 =	vand.u32 $0x10, v10;
	[tilespmem:s23+$0x230] =	vst v9;
	v9 =	vperm.xlane v5, v11  }
0x31e: {  	v11 =	vperm.xlane v4, v11;
	v10 =	vadd.s32 v16, v10;
	[tilespmem:s23+$0x2B0] =	vst v15  }
0x31f: {  	v15 =	vperm.xlane v6, v10;
	v16 =	vperm.xlane v7, v10;
	[tilespmem:s23+$0x330] =	vst v9  }
0x320: {  	v17 =	vperm.xlane v5, v10;
	v10 =	vperm.xlane v4, v10;
	v9 =	vshrl.u32 v13, $0x1B;
	[tilespmem:s23+$0x3B0] =	vst v11  }
0x321: {  	v9 =	vand.u32 $0x10, v9;
	[tilespmem:s23+$0xFFFFFF20] =	vst v12;
	v11 =	vld [tilespmem:s26+$0xC0]  }
0x322: {  	v9 =	vadd.s32 v13, v9;
	[tilespmem:s23+$0xFFFFFFA0] =	vst v14  }
0x323: {  	v12 =	vperm.xlane v6, v9;
	v13 =	vperm.xlane v7, v9;
	v14 =	vld [tilespmem:s26+$0xFFFFFFB0];
	[tilespmem:s23+$0x20] =	vst v15  }
0x324: {  	v15 =	vperm.xlane v5, v9;
	v9 =	vperm.xlane v4, v9;
	[tilespmem:s23+$0xA0] =	vst v16  }
0x325: {  	[tilespmem:s23+$0x120] =	vst v17  }
0x326: {  	[tilespmem:s23+$0x1A0] =	vst v10;
	v10 =	vshrl.u32 v11, $0x1B  }
0x327: {  	[tilespmem:s23+$0xFFFFFC30] =	vst v12;
	v12 =	vld [tilespmem:s26+$0x30];
	v10 =	vand.u32 $0x10, v10  }
0x328: {  	[tilespmem:s23+$0xFFFFFCB0] =	vst v13;
	v13 =	vshrl.u32 v14, $0x1B;
	v10 =	vadd.s32 v11, v10  }
0x329: {  	[tilespmem:s23+$0xFFFFFD30] =	vst v15;
	v11 =	vand.u32 $0x10, v13;
	v13 =	vperm.xlane v6, v10  }
0x32a: {  	[tilespmem:s23+$0xFFFFFDB0] =	vst v9;
	v9 =	vadd.s32 v14, v11;
	v11 =	vperm.xlane v7, v10  }
0x32b: {  	v14 =	vld [tilespmem:s26+$0xFFFFFF40];
	v15 =	vperm.xlane v6, v9;
	[tilespmem:s23+$0x240] =	vst v13;
	v13 =	vperm.xlane v5, v10  }
0x32c: {  	v16 =	vperm.xlane v7, v9;
	v10 =	vperm.xlane v4, v10;
	v17 =	vshrl.u32 v12, $0x1B;
	[tilespmem:s23+$0x2C0] =	vst v11  }
0x32d: {  	v11 =	vperm.xlane v5, v9;
	v9 =	vperm.xlane v4, v9;
	v17 =	vand.u32 $0x10, v17;
	[tilespmem:s23+$0x340] =	vst v13  }
0x32e: {  	v12 =	vadd.s32 v12, v17;
	[tilespmem:s23+$0x3C0] =	vst v10  }
0x32f: {  	[tilespmem:s23+$0xFFFFFE30] =	vst v15;
	v10 =	vperm.xlane v6, v12;
	v13 =	vperm.xlane v7, v12;
	v15 =	vld [tilespmem:s26+$0xD0]  }
0x330: {  	v17 =	vshrl.u32 v14, $0x1B;
	[tilespmem:s23+$0xFFFFFEB0] =	vst v16;
	v16 =	vperm.xlane v5, v12;
	v12 =	vperm.xlane v4, v12  }
0x331: {  	v17 =	vand.u32 $0x10, v17;
	[tilespmem:s23+$0xFFFFFF30] =	vst v11  }
0x332: {  	v11 =	vadd.s32 v14, v17;
	[tilespmem:s23+$0xFFFFFFB0] =	vst v9  }
0x333: {  	v9 =	vperm.xlane v6, v11;
	v14 =	vperm.xlane v7, v11;
	v17 =	vld [tilespmem:s26+$0xFFFFFFC0];
	[tilespmem:s23+$0x30] =	vst v10  }
0x334: {  	v10 =	vperm.xlane v5, v11;
	v11 =	vperm.xlane v4, v11;
	[tilespmem:s23+$0xB0] =	vst v13;
	v13 =	vshrl.u32 v15, $0x1B  }
0x335: {  	[tilespmem:s23+$0x130] =	vst v16;
	v13 =	vand.u32 $0x10, v13  }
0x336: {  	[tilespmem:s23+$0x1B0] =	vst v12;
	v12 =	vadd.s32 v15, v13  }
0x337: {  	[tilespmem:s23+$0xFFFFFC40] =	vst v9;
	v9 =	vld [tilespmem:s26+$0x40];
	v13 =	vperm.xlane v6, v12  }
0x338: {  	v15 =	vperm.xlane v7, v12;
	[tilespmem:s23+$0xFFFFFCC0] =	vst v14;
	v14 =	vshrl.u32 v17, $0x1B  }
0x339: {  	v14 =	vand.u32 $0x10, v14;
	[tilespmem:s23+$0x250] =	vst v13;
	v13 =	vperm.xlane v5, v12  }
0x33a: {  	v12 =	vperm.xlane v4, v12;
	v14 =	vadd.s32 v17, v14;
	[tilespmem:s23+$0x2D0] =	vst v15  }
0x33b: {  	v15 =	vperm.xlane v6, v14;
	v16 =	vperm.xlane v7, v14;
	[tilespmem:s23+$0x350] =	vst v13  }
0x33c: {  	v13 =	vperm.xlane v5, v14;
	v14 =	vperm.xlane v4, v14;
	v17 =	vshrl.u32 v9, $0x1B;
	[tilespmem:s23+$0x3D0] =	vst v12  }
0x33d: {  	[tilespmem:s23+$0xFFFFFD40] =	vst v10;
	v10 =	vand.u32 $0x10, v17;
	v12 =	vld [tilespmem:s26+$0xE0]  }
0x33e: {  	[tilespmem:s23+$0xFFFFFDC0] =	vst v11;
	v9 =	vadd.s32 v9, v10  }
0x33f: {  	v10 =	vld [tilespmem:s26+$0xFFFFFF50];
	[tilespmem:s23+$0xFFFFFE40] =	vst v15;
	v11 =	vperm.xlane v6, v9;
	v15 =	vperm.xlane v7, v9  }
0x340: {  	[tilespmem:s23+$0xFFFFFEC0] =	vst v16;
	v16 =	vperm.xlane v5, v9;
	v9 =	vperm.xlane v4, v9  }
0x341: {  	[tilespmem:s23+$0xFFFFFF40] =	vst v13  }
0x342: {  	[tilespmem:s23+$0xFFFFFFC0] =	vst v14;
	v13 =	vshrl.u32 v12, $0x1B  }
0x343: {  	v14 =	vld [tilespmem:s26+$0xFFFFFFD0];
	[tilespmem:s23+$0x40] =	vst v11;
	v11 =	vand.u32 $0x10, v13  }
0x344: {  	v13 =	vshrl.u32 v10, $0x1B;
	[tilespmem:s23+$0xC0] =	vst v15;
	v11 =	vadd.s32 v12, v11  }
0x345: {  	v12 =	vand.u32 $0x10, v13;
	[tilespmem:s23+$0x140] =	vst v16;
	v13 =	vperm.xlane v6, v11  }
0x346: {  	v10 =	vadd.s32 v10, v12;
	[tilespmem:s23+$0x1C0] =	vst v9;
	v9 =	vperm.xlane v7, v11  }
0x347: {  	v12 =	vperm.xlane v6, v10;
	v15 =	vld [tilespmem:s26+$0x50];
	[tilespmem:s23+$0x260] =	vst v13;
	v13 =	vperm.xlane v5, v11  }
0x348: {  	v16 =	vperm.xlane v7, v10;
	v17 =	vshrl.u32 v14, $0x1B;
	[tilespmem:s23+$0x2E0] =	vst v9;
	v9 =	vperm.xlane v4, v11  }
0x349: {  	v11 =	vperm.xlane v5, v10;
	v10 =	vperm.xlane v4, v10;
	v17 =	vand.u32 $0x10, v17;
	[tilespmem:s23+$0x360] =	vst v13  }
0x34a: {  	v13 =	vadd.s32 v14, v17;
	[tilespmem:s23+$0x3E0] =	vst v9  }
0x34b: {  	[tilespmem:s23+$0xFFFFFC50] =	vst v12;
	v9 =	vperm.xlane v6, v13;
	v12 =	vperm.xlane v7, v13;
	v14 =	vld [tilespmem:s26+$0xF0]  }
0x34c: {  	[tilespmem:s23+$0xFFFFFCD0] =	vst v16;
	v16 =	vperm.xlane v5, v13;
	v13 =	vperm.xlane v4, v13;
	v17 =	vshrl.u32 v15, $0x1B  }
0x34d: {  	[tilespmem:s23+$0xFFFFFD50] =	vst v11;
	v11 =	vand.u32 $0x10, v17  }
0x34e: {  	[tilespmem:s23+$0xFFFFFDD0] =	vst v10;
	v10 =	vadd.s32 v15, v11  }
0x34f: {  	v11 =	vld [tilespmem:s26+$0xFFFFFF60];
	[tilespmem:s23+$0xFFFFFE50] =	vst v9;
	v9 =	vperm.xlane v6, v10;
	v15 =	vperm.xlane v7, v10  }
0x350: {  	[tilespmem:s23+$0xFFFFFED0] =	vst v12;
	v12 =	vperm.xlane v5, v10;
	v10 =	vperm.xlane v4, v10;
	v17 =	vshrl.u32 v14, $0x1B  }
0x351: {  	[tilespmem:s23+$0xFFFFFF50] =	vst v16;
	v16 =	vand.u32 $0x10, v17  }
0x352: {  	[tilespmem:s23+$0xFFFFFFD0] =	vst v13;
	v13 =	vadd.s32 v14, v16  }
0x353: {  	v14 =	vld [tilespmem:s26+$0xFFFFFFE0];
	[tilespmem:s23+$0x50] =	vst v9;
	v16 =	vperm.xlane v6, v13;
	v17 =	vperm.xlane v4, v13  }
0x354: {  	v9 =	vperm.xlane v5, v13;
	v18 =	vshrl.u32 v11, $0x1B;
	[tilespmem:s23+$0xD0] =	vst v15;
	v15 =	vperm.xlane v7, v13  }
0x355: {  	v13 =	vand.u32 $0x10, v18;
	[tilespmem:s23+$0x3F0] =	vst v17  }
0x356: {  	v11 =	vadd.s32 v11, v13;
	[tilespmem:s23+$0x150] =	vst v12  }
0x357: {  	v12 =	vperm.xlane v6, v11;
	v13 =	vperm.xlane v7, v11;
	[tilespmem:s23+$0x1D0] =	vst v10  }
0x358: {  	v10 =	vperm.xlane v5, v11;
	v11 =	vperm.xlane v4, v11;
	v17 =	vshrl.u32 v14, $0x1B;
	v18 =	vld [tilespmem:s26+$0x60];
	[tilespmem:s24+$0x1F0] =	vst v8;
	s24 =	smov.u32 s23  }
0x359: {  	[tilespmem:s23+$0xFFFFFC60] =	vst v12;
	v8 =	vand.u32 $0x10, v17  }
0x35a: {  	[tilespmem:s23+$0xFFFFFCE0] =	vst v13;
	v8 =	vadd.s32 v14, v8  }
0x35b: {  	[tilespmem:s23+$0xFFFFFD60] =	vst v10;
	v10 =	vperm.xlane v6, v8;
	v12 =	vperm.xlane v7, v8  }
0x35c: {  	[tilespmem:s23+$0xFFFFFDE0] =	vst v11;
	v11 =	vperm.xlane v5, v8;
	v8 =	vperm.xlane v4, v8  }
0x35d: {  	v13 =	vld [tilespmem:s26+$0xFFFFFF70];
	[tilespmem:s23+$0xFFFFFE60] =	vst v10;
	v10 =	vshrl.u32 v18, $0x1B  }
0x35e: {  	[tilespmem:s23+$0xFFFFFEE0] =	vst v12;
	v10 =	vand.u32 $0x10, v10  }
0x35f: {  	[tilespmem:s23+$0xFFFFFF60] =	vst v11;
	v10 =	vadd.s32 v18, v10  }
0x360: {  	[tilespmem:s23+$0xFFFFFFE0] =	vst v8;
	v8 =	vperm.xlane v6, v10;
	v11 =	vperm.xlane v7, v10  }
0x361: {  	v14 =	vperm.xlane v5, v10;
	v10 =	vperm.xlane v4, v10;
	v12 =	vld [tilespmem:s26+$0xFFFFFFF0];
	[tilespmem:s23+$0x270] =	vst v16  }
0x362: {  	v16 =	vshrl.u32 v13, $0x1B;
	[tilespmem:s23+$0x60] =	vst v8  }
0x363: {  	v8 =	vand.u32 $0x10, v16;
	[tilespmem:s23+$0xE0] =	vst v11  }
.Ltmp3:
0x364: {  	v8 =	vadd.s32 v13, v8;
	[tilespmem:s23+$0x160] =	vst v14;
	(pc) =	sbr.rel @p0 .LBB2_8-.Ltmp3, $4  }
0x365: {  	v13 =	vperm.xlane v6, v8;
	v14 =	vperm.xlane v7, v8;
	[tilespmem:s23+$0x1E0] =	vst v10  }
0x366: {  	v11 =	vperm.xlane v5, v8;
	v10 =	vperm.xlane v4, v8;
	v16 =	vshrl.u32 v12, $0x1B;
	v8 =	vld [tilespmem:s26+$0x70];
	[tilespmem:s23+$0x2F0] =	vst v15  }
0x367: {  	[tilespmem:s23+$0xFFFFFC70] =	vst v13;
	v13 =	vand.u32 $0x10, v16  }
0x368: {  	s26 =	sadd.s32 $0x200, s26;
	[tilespmem:s23+$0xFFFFFCF0] =	vst v14;
	v12 =	vadd.s32 v12, v13  }
0x369: {  	[tilespmem:s23+$0xFFFFFD70] =	vst v11  }
0x36a: {  	v57 =	vperm.xlane v6, v12;
	[tilespmem:s23+$0xFFFFFDF0] =	vst v10  }
0x36b: {  	v13 =	vperm.xlane v7, v12;
	[tilespmem:s23+$0x370] =	vst v9;
	v59 =	vshrl.u32 v8, $0x1B  }
0x36c: {  	v58 =	vperm.xlane v5, v12;
	[tilespmem:s23+$0xFFFFFE70] =	vst v57;
	v11 =	vand.u32 $0x10, v59  }
0x36d: {  	v60 =	vperm.xlane v4, v12;
	[tilespmem:s23+$0xFFFFFEF0] =	vst v13;
	v61 =	vadd.s32 v8, v11  }
0x36e: {  	[tilespmem:s23+$0xFFFFFF70] =	vst v58;
	v62 =	vperm.xlane v6, v61  }
0x36f: {  	[tilespmem:s23+$0xFFFFFFF0] =	vst v60;
	v63 =	vperm.xlane v7, v61  }
0x370: {  	v5 =	vperm.xlane v5, v61;
	[tilespmem:s23+$0x70] =	vst v62  }
0x371: {  	v4 =	vperm.xlane v4, v61;
	[tilespmem:s23+$0xF0] =	vst v63  }
0x372: {  	[tilespmem:s24+$0x170] =	vst v5  }
0x373: {  	s22 =	sadd.s32 $0x1, s22;
	[tilespmem:s24+$0x1F0] =	vst v4  }
0x374: {  	[hbm4b:s9+s4] =	stream.linear.scatter [tilespmem:s17], [sflag:$0x3], $0x4000, $0x38;
	[tilespmem:$0xA020] =	vst v63  }
0x375: {  	p0 =	sne.s32 s22, s10;
	_ =	swait.ge [sflag:s20], $0x4000  }
.Ltmp4:
0x376: {  	[sflag:s20] =	ssyncset.done $0x0;
	(pc) =	sbr.rel @p0 .LBB2_1-.Ltmp4, $4  }
0x377: {  	[sflag:s20] =	ssyncadd.s32 $0xFFFFC000  }
0x378: {  	_ =	swait.ge [sflag:s21], $0x4000  }
0x379: {  	[sflag:s21] =	ssyncset.done $0x0  }
0x37a: {  	[sflag:s21] =	ssyncadd.s32 $0xFFFFC000  }
0x37b: {  	_ =	sfence.sel $0x180000  }
0x37c: {  	[bflag:$0x0] =	sbarrier.arrive $0xFFFF  }
0x37d: {  	p0 =	sne.s32 s2, $0x0;
	_ =	strace $0x90000047  }
0x37e: {  	s0 =	sadd.s32 @!p0 $0x100000, s0;
	[bflag:$0x2] =	sbarrier.arrive $0xFFFF  }
0x37f: {  	[sflag:s0] =	ssyncadd.tile.s32 @!p0 $0x1;
	_ =	shalt  }
.Lfunc_end2:
_tile_overlayer_lowered:
.L_overlay_start_2:
0x380: {  	(tag) =	ssettag $0x2  }
0x381: {  	s0 =	rddreg [dreg:$0x0];
	s2 =	stileid.u32  }
0x382: {  	s1 =	rddreg [dreg:$0x1];
	p0 =	sne.s32 s2, $0x0  }
0x383: {  	s3 =	rddreg [dreg:$0x2];
	[bflag:$0x3] =	sbarrier.arrive $0xFFFF;
	s2 =	simm.s32 @!p0 $0x1C05  }
0x384: {  	[timem:s3], [sflag:s2] =	dma.local @!p0 [hbm:s0], s1  }
0x385: {  	s0 =	simm.s32 @!p0 $0x5  }
0x386: {  	_ =	swait.ge @!p0 [sflag:s0], s1  }
0x387: {  	s1 =	ssub.s32 @!p0 $0x0, s1;
	[sflag:s0] =	ssyncset.done @!p0 $0x0  }
0x388: {  	[sflag:s0] =	ssyncadd.s32 @!p0 s1  }
0x389: {  	[bflag:$0x3] =	sbarrier.arrive $0xFFFF  }
0x38a: {  	_ =	shalt  }

</sc_bundles>
